<compile_context>
chip_gen: v7x
topology: tpu7x:2x2x1
jax: 0.10.2.dev20260603
libtpu: 0.0.44.dev20260713+nightly
codegen_flags: <defaults>
</compile_context>

<pallas_src>
import functools

import jax
import jax.numpy as jnp
from jax import lax
from jax.experimental import pallas as pl
from jax.experimental.pallas import tpu as pltpu
from jax.experimental.pallas import tpu_sc as plsc

NC = 2
NS = 16
NW = NC * NS
CH = 128


def _zero_rows(zbuf, nrows, width):
  z16 = jnp.zeros((16,), jnp.float32)

  def body(i, c):
    for j in range(width // 16):
      zbuf[i, pl.ds(j * 16, 16)] = z16
    return c

  lax.fori_loop(0, nrows, body, 0)


def _make_deg_kernel(npad, rpt, nchunks):
  mesh = plsc.VectorSubcoreMesh(core_axis_name="c", subcore_axis_name="s")
  zr = rpt // 4

  def body(dst_hbm, out_hbm, didx_all, ones_v, zbuf, deg_sh, dsem0, dsem1):
    cid = lax.axis_index("c")
    sid = lax.axis_index("s")
    wid = cid * NS + sid

    pltpu.sync_copy(dst_hbm.at[wid], didx_all)

    o16 = jnp.ones((16,), jnp.float32)

    def fill(i, c):
      ones_v[i, :] = o16
      return c

    lax.fori_loop(0, CH, fill, 0)
    _zero_rows(zbuf, zr, 16)

    def zcopy(i, c):
      pltpu.sync_copy(zbuf, deg_sh.at[pl.ds(sid * rpt + i * zr, zr)])
      return c

    lax.fori_loop(0, rpt // zr, zcopy, 0)
    plsc.subcore_barrier()

    def fire(i, s):
      pltpu.async_copy(ones_v, deg_sh.at[didx_all.at[i]], s, add=True)

    def drain(i, s):
      pltpu.make_async_copy(ones_v, deg_sh.at[didx_all.at[i]], s).wait()

    fire(0, dsem0)
    fire(1, dsem1)

    def step(q, c):
      i = 2 * q
      drain(i, dsem0)
      fire(i + 2, dsem0)
      drain(i + 1, dsem1)
      fire(i + 3, dsem1)
      return c

    lax.fori_loop(0, (nchunks - 2) // 2, step, 0)
    drain(nchunks - 2, dsem0)
    drain(nchunks - 1, dsem1)
    plsc.subcore_barrier()
    pltpu.sync_copy(deg_sh.at[pl.ds(sid * rpt, rpt)],
                    out_hbm.at[cid, pl.ds(sid * rpt, rpt), :])

  return pl.kernel(
      body,
      out_type=jax.ShapeDtypeStruct((NC, npad, 16), jnp.float32),
      mesh=mesh,
      compiler_params=pltpu.CompilerParams(use_tc_tiling_on_sc=False),
      scratch_types=[
          pltpu.VMEM((nchunks, CH), jnp.int32),
          pltpu.VMEM((CH, 16), jnp.float32),
          pltpu.VMEM((zr, 16), jnp.float32),
          pltpu.VMEM_SHARED((npad, 16), jnp.float32),
          pltpu.SemaphoreType.DMA,
          pltpu.SemaphoreType.DMA,
      ],
  )


def _make_agg_kernel(npad, rpt, nchunks, nh, ch):
  mesh = plsc.VectorSubcoreMesh(core_axis_name="c", subcore_axis_name="s")
  hw = 64

  nb = 4
  gd = nb // 2
  assert nchunks % nb == 0 and nchunks > nb

  def body(*refs):
    g_halves = refs[:nh]
    src_hbm, dst_hbm, out_hbm = refs[nh:nh + 3]
    sidx_all, didx_all = refs[nh + 3:nh + 5]
    rows = refs[nh + 5:nh + 5 + nb]
    table, accum = refs[nh + 5 + nb:nh + 7 + nb]
    gsem = refs[nh + 7 + nb:nh + 7 + 2 * nb]
    ssem = refs[nh + 7 + 2 * nb:nh + 7 + 3 * nb]
    rows0 = rows[0]
    cid = lax.axis_index("c")
    sid = lax.axis_index("s")
    wid = cid * NS + sid

    pltpu.sync_copy(src_hbm.at[wid], sidx_all)
    pltpu.sync_copy(dst_hbm.at[wid], didx_all)

    for h in range(nh):
      if h:
        plsc.subcore_barrier()
      _zero_rows(rows0, ch, hw)
      pltpu.sync_copy(g_halves[h].at[pl.ds(sid * rpt, rpt)],
                      table.at[pl.ds(sid * rpt, rpt)])

      def zcopy(i, c):
        pltpu.sync_copy(rows0, accum.at[pl.ds(sid * rpt + i * ch, ch)])
        return c

      lax.fori_loop(0, rpt // ch, zcopy, 0)
      rem = rpt % ch
      if rem:
        pltpu.sync_copy(rows0.at[pl.ds(0, rem)],
                        accum.at[pl.ds(sid * rpt + (rpt // ch) * ch, rem)])
      plsc.subcore_barrier()

      def fire_gather(i, b):
        pltpu.async_copy(table.at[sidx_all.at[i]], rows[b], gsem[b])

      def wait_gather(i, b):
        pltpu.make_async_copy(table.at[sidx_all.at[i]], rows[b],
                              gsem[b]).wait()

      def fire_scatter(i, b):
        pltpu.async_copy(rows[b], accum.at[didx_all.at[i]], ssem[b],
                         add=True)

      def wait_scatter(i, b):
        pltpu.make_async_copy(rows[b], accum.at[didx_all.at[i]],
                              ssem[b]).wait()

      for i in range(gd):
        fire_gather(i, i)
      for i in range(nb - gd):
        wait_gather(i, i)
        fire_scatter(i, i)
        fire_gather(i + gd, (i + gd) % nb)

      def group(q, c):
        i0 = (nb - gd) + nb * q
        for j in range(nb):
          i = i0 + j
          b = (nb - gd + j) % nb
          wait_gather(i, b)
          fire_scatter(i, b)
          b2 = (b + gd) % nb
          wait_scatter(i + gd - nb, b2)
          fire_gather(i + gd, b2)
        return c

      lax.fori_loop(0, (nchunks - nb) // nb, group, 0)
      for i in range(nchunks - gd, nchunks):
        wait_gather(i, i % nb)
        fire_scatter(i, i % nb)
      for i in range(nchunks - nb, nchunks):
        wait_scatter(i, i % nb)
      plsc.subcore_barrier()
      pltpu.sync_copy(accum.at[pl.ds(sid * rpt, rpt)],
                      out_hbm.at[cid, h, pl.ds(sid * rpt, rpt), :])

  return pl.kernel(
      body,
      out_type=jax.ShapeDtypeStruct((NC, nh, npad, hw), jnp.float32),
      mesh=mesh,
      compiler_params=pltpu.CompilerParams(use_tc_tiling_on_sc=False),
      scratch_types=(
          [pltpu.VMEM((nchunks, ch), jnp.int32)] * 2 +
          [pltpu.VMEM((ch, hw), jnp.float32)] * nb +
          [pltpu.VMEM_SHARED((npad, hw), jnp.float32)] * 2 +
          [pltpu.SemaphoreType.DMA] * (2 * nb)),
  )


def _prep1(x_p, d0, d1, w1, npad, br, k, hid):

  def body(x_ref, d0_ref, d1_ref, w_ref, glo_ref, ghi_ref, dinv_ref):
    deg = d0_ref[...] + d1_ref[...] + 1.0
    dinv = lax.rsqrt(deg)
    dinv_ref[...] = dinv
    xs = x_ref[...] * dinv[:, 0:1]
    g = lax.dot_general(xs, w_ref[...], (((1,), (1,)), ((), ())),
                        preferred_element_type=jnp.float32)
    glo_ref[...] = g[:, :hid // 2]
    ghi_ref[...] = g[:, hid // 2:]

  return pl.pallas_call(
      body,
      grid=(npad // br,),
      in_specs=[
          pl.BlockSpec((br, k), lambda i: (i, 0)),
          pl.BlockSpec((br, 16), lambda i: (i, 0)),
          pl.BlockSpec((br, 16), lambda i: (i, 0)),
          pl.BlockSpec((hid, k), lambda i: (0, 0)),
      ],
      out_specs=[
          pl.BlockSpec((br, hid // 2), lambda i: (i, 0)),
          pl.BlockSpec((br, hid // 2), lambda i: (i, 0)),
          pl.BlockSpec((br, 16), lambda i: (i, 0)),
      ],
      out_shape=[
          jax.ShapeDtypeStruct((npad, hid // 2), jnp.float32),
          jax.ShapeDtypeStruct((npad, hid // 2), jnp.float32),
          jax.ShapeDtypeStruct((npad, 16), jnp.float32),
      ],
  )(x_p, d0, d1, w1)


def _prep2(s1, g1lo, g1hi, dinv, b1, w2, npad, br, hid, lat):
  hw = hid // 2

  def body(s00_ref, s01_ref, s10_ref, s11_ref, glo_ref, ghi_ref, dinv_ref,
           b_ref, w_ref, out_ref):
    dv = dinv_ref[...][:, 0:1]
    b = b_ref[...]
    zlo = dv * (s00_ref[...] + s10_ref[...] + glo_ref[...]) + b[:, :hw]
    zhi = dv * (s01_ref[...] + s11_ref[...] + ghi_ref[...]) + b[:, hw:]
    zlo = jnp.maximum(zlo, 0.0) * dv
    zhi = jnp.maximum(zhi, 0.0) * dv
    w = w_ref[...]
    out_ref[...] = (
        lax.dot_general(zlo, w[:, :hw], (((1,), (1,)), ((), ())),
                        preferred_element_type=jnp.float32) +
        lax.dot_general(zhi, w[:, hw:], (((1,), (1,)), ((), ())),
                        preferred_element_type=jnp.float32))

  return pl.pallas_call(
      body,
      grid=(npad // br,),
      in_specs=[
          pl.BlockSpec((br, hw), lambda i: (i, 0)),
          pl.BlockSpec((br, hw), lambda i: (i, 0)),
          pl.BlockSpec((br, hw), lambda i: (i, 0)),
          pl.BlockSpec((br, hw), lambda i: (i, 0)),
          pl.BlockSpec((br, hw), lambda i: (i, 0)),
          pl.BlockSpec((br, hw), lambda i: (i, 0)),
          pl.BlockSpec((br, 16), lambda i: (i, 0)),
          pl.BlockSpec((1, hid), lambda i: (0, 0)),
          pl.BlockSpec((lat, hid), lambda i: (0, 0)),
      ],
      out_specs=pl.BlockSpec((br, lat), lambda i: (i, 0)),
      out_shape=jax.ShapeDtypeStruct((npad, lat), jnp.float32),
  )(s1[0, 0], s1[0, 1], s1[1, 0], s1[1, 1], g1lo, g1hi, dinv, b1, w2)


def _finalize(s0, s1, g2, dinv, b2, npad, br, lat):

  def body(s0_ref, s1_ref, g2_ref, dinv_ref, b_ref, out_ref):
    dv = dinv_ref[...][:, 0:1]
    out_ref[...] = dv * (s0_ref[...] + s1_ref[...] + g2_ref[...]) + b_ref[...]

  return pl.pallas_call(
      body,
      grid=(npad // br,),
      in_specs=[
          pl.BlockSpec((br, lat), lambda i: (i, 0)),
          pl.BlockSpec((br, lat), lambda i: (i, 0)),
          pl.BlockSpec((br, lat), lambda i: (i, 0)),
          pl.BlockSpec((br, 16), lambda i: (i, 0)),
          pl.BlockSpec((1, lat), lambda i: (0, 0)),
      ],
      out_specs=pl.BlockSpec((br, lat), lambda i: (i, 0)),
      out_shape=jax.ShapeDtypeStruct((npad, lat), jnp.float32),
  )(s0, s1, g2, dinv, b2)


def kernel(x, edge_index, W1, b1, W2, b2):
  n, k = x.shape
  hid = W1.shape[0]
  lat = W2.shape[0]

  src = edge_index[0].astype(jnp.int32)
  dst = edge_index[1].astype(jnp.int32)
  e = src.shape[0]

  ept = -(-e // (NW * 256)) * 256
  epad = ept * NW
  nchunks = ept // CH
  src_p = jnp.concatenate([src, jnp.full((epad - e,), n, jnp.int32)])
  dst_p = jnp.concatenate([dst, jnp.full((epad - e,), n, jnp.int32)])
  def chunked(a, ch, extra):
    r = a.reshape(NW, ept // ch, ch)
    if extra:
      r = jnp.concatenate([r, jnp.full((NW, extra, ch), n, jnp.int32)], axis=1)
    return r

  rpt = -(-(n + 1) // NS)
  rpt = -(-rpt // 8) * 8
  npad = rpt * NS
  br = rpt

  x_p = jnp.pad(x, ((0, npad - n), (0, 0)))

  ach = 64
  src_c = chunked(src_p, ach, 0)
  dst_c = chunked(dst_p, ach, 0)
  deg = _make_deg_kernel(npad, rpt, nchunks)(chunked(dst_p, CH, 0))
  g1lo, g1hi, dinv = _prep1(x_p, deg[0], deg[1], W1, npad, br, k, hid)
  s1 = _make_agg_kernel(npad, rpt, ept // ach, 2, ach)(g1lo, g1hi, src_c,
                                                       dst_c)
  g2 = _prep2(s1, g1lo, g1hi, dinv, b1.reshape(1, hid), W2, npad, br, hid,
              lat)
  s2 = _make_agg_kernel(npad, rpt, ept // ach, 1, ach)(g2, src_c, dst_c)
  out = _finalize(s2[0, 0], s2[1, 0], g2, dinv, b2.reshape(1, lat), npad, br,
                  lat)
  return out[:n]

# --- scband reference (transcript-rebuilt; emitter-appended) ---
"""Pipeline reference for scband-gcnencoder-9491877724922 (READ-ONLY COPY).

The authoritative reference and input builder live on the scoring server;
editing this copy changes nothing except your own understanding.
"""

import jax, jax.numpy as jnp
import numpy as np

N_NODES = 10000
IN_CH = 128
LATENT = 64
HID = LATENT * 2


def _gcn_conv(x, edge_index, W, b, num_nodes):
    # PyG GCNConv semantics: add self-loops, symmetric normalization,
    # linear transform, scatter-add aggregation, bias.
    src = edge_index[0]
    dst = edge_index[1]
    loop = jnp.arange(num_nodes, dtype=edge_index.dtype)
    src = jnp.concatenate([src, loop])
    dst = jnp.concatenate([dst, loop])
    ones = jnp.ones(dst.shape[0], dtype=x.dtype)
    deg = jax.ops.segment_sum(ones, dst, num_segments=num_nodes)
    dinv = jnp.where(deg > 0, jax.lax.rsqrt(deg), 0.0)
    norm = dinv[src] * dinv[dst]
    h = x @ W.T  # [N, out]
    msg = h[src] * norm[:, None]
    out = jax.ops.segment_sum(msg, dst, num_segments=num_nodes)
    return out + b


def setup_inputs(seed: int = 0) -> dict:
    key = jax.random.key(seed)
    k1, k2, k3, k4 = jax.random.split(key, 4)
    x = jax.random.normal(k1, (N_NODES, IN_CH), dtype=jnp.float32)
    edge_index = jax.random.randint(k2, (2, 320000), 0, N_NODES, dtype=jnp.int64)
    s1 = 1.0 / np.sqrt(IN_CH)
    s2 = 1.0 / np.sqrt(HID)
    W1 = jax.random.uniform(k3, (HID, IN_CH), dtype=jnp.float32, minval=-s1, maxval=s1)
    b1 = jnp.zeros((HID,), dtype=jnp.float32)
    W2 = jax.random.uniform(k4, (LATENT, HID), dtype=jnp.float32, minval=-s2, maxval=s2)
    b2 = jnp.zeros((LATENT,), dtype=jnp.float32)
    return {"x": x, "edge_index": edge_index, "W1": W1, "b1": b1, "W2": W2, "b2": b2}


def reference(x, edge_index, W1, b1, W2, b2):
    num_nodes = x.shape[0]
    h = _gcn_conv(x, edge_index, W1, b1, num_nodes)
    h = jax.nn.relu(h)
    out = _gcn_conv(h, edge_index, W2, b2, num_nodes)
    return out

if __name__ == "__main__":
    import jax
    _d = setup_inputs()
    print(jax.jit(kernel)(*tuple(_d.values())))

</pallas_src>

<mosaic_0001>
#map = affine_map<(d0, d1) -> (0, 0, 0)>
module attributes {stable_mosaic.version = 14 : i64} {
  func.func @body(%arg0: i32, %arg1: i32, %arg2: memref<32x80x128xi32, #tpu.memory_space<hbm>>, %arg3: memref<2x10112x16xf32, #tpu.memory_space<hbm>>, %arg4: memref<80x128xi32, #tpu.memory_space<vmem>>, %arg5: memref<128x16xf32, #tpu.memory_space<vmem>>, %arg6: memref<158x16xf32, #tpu.memory_space<vmem>>, %arg7: memref<10112x16xf32, #tpu.memory_space<vmem_shared>>, %arg8: memref<!tpu.dma_semaphore, #tpu.memory_space<semaphore_mem>>, %arg9: memref<!tpu.dma_semaphore, #tpu.memory_space<semaphore_mem>>) attributes {dimension_semantics = [#tpu.dimension_semantics<core_parallel>, #tpu.dimension_semantics<subcore_parallel>], iteration_bounds = array<i64: 2, 16>, scalar_prefetch = 0 : i64, scratch_operands = 6 : i64, tpu.core_type = #tpu.core_type<sc_vector_subcore>, window_params = [{transform_indices = #map}, {transform_indices = #map}]} {
    %mul3A = arith.constant 16 : i32
    %mul3A_0 = arith.muli %arg0, %mul3A : i32
    %add3A = arith.addi %mul3A_0, %arg1 : i32
    "tpu.region"() ({
      %run_scoped3A = tpu.sem_alloc : memref<!tpu.dma_semaphore, #tpu.memory_space<semaphore_mem>>
      %dma_start3A_58 = arith.constant 0 : i32
      %dma_start3A_59 = arith.constant 0 : i32
      %dma_start3A_60 = tpu.memref_slice %arg2[%add3A, %dma_start3A_58, %dma_start3A_59] : memref<32x80x128xi32, #tpu.memory_space<hbm>> -> memref<1x80x128xi32, #tpu.memory_space<hbm>>
      %dma_start3A_61 = tpu.memref_squeeze %dma_start3A_60 : memref<1x80x128xi32, #tpu.memory_space<hbm>> -> memref<80x128xi32, #tpu.memory_space<hbm>>
      %dma_start3A_62 = arith.constant 0 : i32
      %dma_start3A_63 = arith.constant 0 : i32
      %dma_start3A_64 = tpu.memref_slice %arg2[%add3A, %dma_start3A_62, %dma_start3A_63] : memref<32x80x128xi32, #tpu.memory_space<hbm>> -> memref<1x80x128xi32, #tpu.memory_space<hbm>>
      %dma_start3A_65 = tpu.memref_squeeze %dma_start3A_64 : memref<1x80x128xi32, #tpu.memory_space<hbm>> -> memref<80x128xi32, #tpu.memory_space<hbm>>
      tpu.enqueue_dma source(%dma_start3A_65 : memref<80x128xi32, #tpu.memory_space<hbm>>) target(%arg4 : memref<80x128xi32, #tpu.memory_space<vmem>>) target_semaphore(%run_scoped3A : memref<!tpu.dma_semaphore, #tpu.memory_space<semaphore_mem>>)
      %dma_wait3A_66 = arith.constant 0 : i32
      %dma_wait3A_67 = arith.constant 0 : i32
      %dma_wait3A_68 = tpu.memref_slice %arg2[%add3A, %dma_wait3A_66, %dma_wait3A_67] : memref<32x80x128xi32, #tpu.memory_space<hbm>> -> memref<1x80x128xi32, #tpu.memory_space<hbm>>
      %dma_wait3A_69 = tpu.memref_squeeze %dma_wait3A_68 : memref<1x80x128xi32, #tpu.memory_space<hbm>> -> memref<80x128xi32, #tpu.memory_space<hbm>>
      %dma_wait3A_70 = arith.constant 0 : i32
      %dma_wait3A_71 = arith.constant 0 : i32
      %dma_wait3A_72 = tpu.memref_slice %arg2[%add3A, %dma_wait3A_70, %dma_wait3A_71] : memref<32x80x128xi32, #tpu.memory_space<hbm>> -> memref<1x80x128xi32, #tpu.memory_space<hbm>>
      %dma_wait3A_73 = tpu.memref_squeeze %dma_wait3A_72 : memref<1x80x128xi32, #tpu.memory_space<hbm>> -> memref<80x128xi32, #tpu.memory_space<hbm>>
      tpu.wait_dma2 semaphore(%run_scoped3A : memref<!tpu.dma_semaphore, #tpu.memory_space<semaphore_mem>>) src(%dma_wait3A_73 : memref<80x128xi32, #tpu.memory_space<hbm>>) dst(%arg4 : memref<80x128xi32, #tpu.memory_space<vmem>>)
      tpu.yield
    }) : () -> ()
    %broadcast_in_dim3A = arith.constant 1.000000e+00 : f32
    %broadcast_in_dim3A_1 = vector.broadcast %broadcast_in_dim3A : f32 to vector<16xf32>
    %scan3A = arith.constant 0 : i32
    %scan3A_2 = arith.constant 0 : i32
    %scan3A_3 = arith.constant 128 : i32
    %scan3A_4 = arith.addi %scan3A_2, %scan3A_3 : i32
    %scan3A_5 = arith.constant 1 : i32
    scf.for %scan3A_58 = %scan3A_2 to %scan3A_4 step %scan3A_5  : i32 {
      %swap3A = arith.index_cast %scan3A_58 : i32 to index
      %swap3A_59 = arith.constant 0 : index
      %swap3A_60 = tpu.vector_load %arg5[%swap3A, %swap3A_59] {strides = array<i32>} : memref<128x16xf32, #tpu.memory_space<vmem>>, vector<1x16xf32>,
      %swap3A_61 = vector.shape_cast %swap3A_60 : vector<1x16xf32> to vector<16xf32>
      %swap3A_62 = vector.shape_cast %broadcast_in_dim3A_1 : vector<16xf32> to vector<1x16xf32>
      tpu.vector_store %arg5[%swap3A, %swap3A_59], %swap3A_62 {strides = array<i32>} : memref<128x16xf32, #tpu.memory_space<vmem>>, vector<1x16xf32>,
    }
    %scan3A_6 = arith.constant 128 : i32
    %broadcast_in_dim3A_7 = arith.constant 0.000000e+00 : f32
    %broadcast_in_dim3A_8 = vector.broadcast %broadcast_in_dim3A_7 : f32 to vector<16xf32>
    %scan3A_9 = arith.constant 0 : i32
    %scan3A_10 = arith.constant 0 : i32
    %scan3A_11 = arith.constant 158 : i32
    %scan3A_12 = arith.addi %scan3A_10, %scan3A_11 : i32
    %scan3A_13 = arith.constant 1 : i32
    scf.for %scan3A_58 = %scan3A_10 to %scan3A_12 step %scan3A_13  : i32 {
      %swap3A = arith.index_cast %scan3A_58 : i32 to index
      %swap3A_59 = arith.constant 0 : index
      %swap3A_60 = tpu.vector_load %arg6[%swap3A, %swap3A_59] {strides = array<i32>} : memref<158x16xf32, #tpu.memory_space<vmem>>, vector<1x16xf32>,
      %swap3A_61 = vector.shape_cast %swap3A_60 : vector<1x16xf32> to vector<16xf32>
      %swap3A_62 = vector.shape_cast %broadcast_in_dim3A_8 : vector<16xf32> to vector<1x16xf32>
      tpu.vector_store %arg6[%swap3A, %swap3A_59], %swap3A_62 {strides = array<i32>} : memref<158x16xf32, #tpu.memory_space<vmem>>, vector<1x16xf32>,
    }
    %scan3A_14 = arith.constant 158 : i32
    %scan3A_15 = arith.constant 0 : i32
    %scan3A_16 = arith.constant 0 : i32
    %scan3A_17 = arith.constant 4 : i32
    %scan3A_18 = arith.addi %scan3A_16, %scan3A_17 : i32
    %scan3A_19 = arith.constant 1 : i32
    scf.for %scan3A_58 = %scan3A_16 to %scan3A_18 step %scan3A_19  : i32 {
      %mul3A_59 = arith.constant 632 : i32
      %mul3A_60 = arith.muli %arg1, %mul3A_59 : i32
      %mul3A_61 = arith.constant 158 : i32
      %mul3A_62 = arith.muli %scan3A_58, %mul3A_61 : i32
      %add3A_63 = arith.addi %mul3A_60, %mul3A_62 : i32
      "tpu.region"() ({
        %run_scoped3A = tpu.sem_alloc : memref<!tpu.dma_semaphore, #tpu.memory_space<semaphore_mem>>
        %dma_start3A_64 = arith.constant 0 : i32
        %dma_start3A_65 = tpu.memref_slice %arg7[%add3A_63, %dma_start3A_64] : memref<10112x16xf32, #tpu.memory_space<vmem_shared>> -> memref<158x16xf32, #tpu.memory_space<vmem_shared>>
        %dma_start3A_66 = arith.constant 0 : i32
        %dma_start3A_67 = tpu.memref_slice %arg7[%add3A_63, %dma_start3A_66] : memref<10112x16xf32, #tpu.memory_space<vmem_shared>> -> memref<158x16xf32, #tpu.memory_space<vmem_shared>>
        tpu.enqueue_dma source(%arg6 : memref<158x16xf32, #tpu.memory_space<vmem>>) target(%dma_start3A_67 : memref<158x16xf32, #tpu.memory_space<vmem_shared>>) target_semaphore(%run_scoped3A : memref<!tpu.dma_semaphore, #tpu.memory_space<semaphore_mem>>)
        %dma_wait3A_68 = arith.constant 0 : i32
        %dma_wait3A_69 = tpu.memref_slice %arg7[%add3A_63, %dma_wait3A_68] : memref<10112x16xf32, #tpu.memory_space<vmem_shared>> -> memref<158x16xf32, #tpu.memory_space<vmem_shared>>
        %dma_wait3A_70 = arith.constant 0 : i32
        %dma_wait3A_71 = tpu.memref_slice %arg7[%add3A_63, %dma_wait3A_70] : memref<10112x16xf32, #tpu.memory_space<vmem_shared>> -> memref<158x16xf32, #tpu.memory_space<vmem_shared>>
        tpu.wait_dma2 semaphore(%run_scoped3A : memref<!tpu.dma_semaphore, #tpu.memory_space<semaphore_mem>>) src(%arg6 : memref<158x16xf32, #tpu.memory_space<vmem>>) dst(%dma_wait3A_71 : memref<158x16xf32, #tpu.memory_space<vmem_shared>>)
        tpu.yield
      }) : () -> ()
    }
    %scan3A_20 = arith.constant 4 : i32
    %barrier3A = arith.constant 0 : index
    tpu.barrier barrier_id(%barrier3A)
    %dma_start3A = arith.constant 0 : i32
    %dma_start3A_21 = arith.constant 0 : i32
    %dma_start3A_22 = tpu.memref_slice %arg4[%dma_start3A, %dma_start3A_21] : memref<80x128xi32, #tpu.memory_space<vmem>> -> memref<1x128xi32, #tpu.memory_space<vmem>>
    %dma_start3A_23 = tpu.memref_squeeze %dma_start3A_22 : memref<1x128xi32, #tpu.memory_space<vmem>> -> memref<128xi32, #tpu.memory_space<vmem>>
    %dma_start3A_24 = arith.constant 0 : i32
    %dma_start3A_25 = arith.constant 0 : i32
    %dma_start3A_26 = tpu.memref_slice %arg7[%dma_start3A_24, %dma_start3A_25] : memref<10112x16xf32, #tpu.memory_space<vmem_shared>> -> memref<10112x16xf32, #tpu.memory_space<vmem_shared>>
    tpu.enqueue_indirect_dma source(%arg5 : memref<128x16xf32, #tpu.memory_space<vmem>>) target(%dma_start3A_26 : memref<10112x16xf32, #tpu.memory_space<vmem_shared>>) offsets(%dma_start3A_23 : memref<128xi32, #tpu.memory_space<vmem>>) semaphore(%arg8 : memref<!tpu.dma_semaphore, #tpu.memory_space<semaphore_mem>>) {add = true}
    %dma_start3A_27 = arith.constant 1 : i32
    %dma_start3A_28 = arith.constant 0 : i32
    %dma_start3A_29 = tpu.memref_slice %arg4[%dma_start3A_27, %dma_start3A_28] : memref<80x128xi32, #tpu.memory_space<vmem>> -> memref<1x128xi32, #tpu.memory_space<vmem>>
    %dma_start3A_30 = tpu.memref_squeeze %dma_start3A_29 : memref<1x128xi32, #tpu.memory_space<vmem>> -> memref<128xi32, #tpu.memory_space<vmem>>
    %dma_start3A_31 = arith.constant 0 : i32
    %dma_start3A_32 = arith.constant 0 : i32
    %dma_start3A_33 = tpu.memref_slice %arg7[%dma_start3A_31, %dma_start3A_32] : memref<10112x16xf32, #tpu.memory_space<vmem_shared>> -> memref<10112x16xf32, #tpu.memory_space<vmem_shared>>
    tpu.enqueue_indirect_dma source(%arg5 : memref<128x16xf32, #tpu.memory_space<vmem>>) target(%dma_start3A_33 : memref<10112x16xf32, #tpu.memory_space<vmem_shared>>) offsets(%dma_start3A_30 : memref<128xi32, #tpu.memory_space<vmem>>) semaphore(%arg9 : memref<!tpu.dma_semaphore, #tpu.memory_space<semaphore_mem>>) {add = true}
    %scan3A_34 = arith.constant 0 : i32
    %scan3A_35 = arith.constant 0 : i32
    %scan3A_36 = arith.constant 39 : i32
    %scan3A_37 = arith.addi %scan3A_35, %scan3A_36 : i32
    %scan3A_38 = arith.constant 1 : i32
    scf.for %scan3A_58 = %scan3A_35 to %scan3A_37 step %scan3A_38  : i32 {
      %mul3A_59 = arith.constant 2 : i32
      %mul3A_60 = arith.muli %mul3A_59, %scan3A_58 : i32
      %dma_wait3A_61 = arith.constant 0 : i32
      %dma_wait3A_62 = tpu.memref_slice %arg4[%mul3A_60, %dma_wait3A_61] : memref<80x128xi32, #tpu.memory_space<vmem>> -> memref<1x128xi32, #tpu.memory_space<vmem>>
      %dma_wait3A_63 = tpu.memref_squeeze %dma_wait3A_62 : memref<1x128xi32, #tpu.memory_space<vmem>> -> memref<128xi32, #tpu.memory_space<vmem>>
      %dma_wait3A_64 = arith.constant 0 : i32
      %dma_wait3A_65 = arith.constant 0 : i32
      %dma_wait3A_66 = tpu.memref_slice %arg7[%dma_wait3A_64, %dma_wait3A_65] : memref<10112x16xf32, #tpu.memory_space<vmem_shared>> -> memref<10112x16xf32, #tpu.memory_space<vmem_shared>>
      tpu.wait_indirect_dma semaphore(%arg8 : memref<!tpu.dma_semaphore, #tpu.memory_space<semaphore_mem>>) src(%arg5 : memref<128x16xf32, #tpu.memory_space<vmem>>) dst(%dma_wait3A_66 : memref<10112x16xf32, #tpu.memory_space<vmem_shared>>)
      %add3A_67 = arith.constant 2 : i32
      %add3A_68 = arith.addi %mul3A_60, %add3A_67 : i32
      %dma_start3A_69 = arith.constant 0 : i32
      %dma_start3A_70 = tpu.memref_slice %arg4[%add3A_68, %dma_start3A_69] : memref<80x128xi32, #tpu.memory_space<vmem>> -> memref<1x128xi32, #tpu.memory_space<vmem>>
      %dma_start3A_71 = tpu.memref_squeeze %dma_start3A_70 : memref<1x128xi32, #tpu.memory_space<vmem>> -> memref<128xi32, #tpu.memory_space<vmem>>
      %dma_start3A_72 = arith.constant 0 : i32
      %dma_start3A_73 = arith.constant 0 : i32
      %dma_start3A_74 = tpu.memref_slice %arg7[%dma_start3A_72, %dma_start3A_73] : memref<10112x16xf32, #tpu.memory_space<vmem_shared>> -> memref<10112x16xf32, #tpu.memory_space<vmem_shared>>
      tpu.enqueue_indirect_dma source(%arg5 : memref<128x16xf32, #tpu.memory_space<vmem>>) target(%dma_start3A_74 : memref<10112x16xf32, #tpu.memory_space<vmem_shared>>) offsets(%dma_start3A_71 : memref<128xi32, #tpu.memory_space<vmem>>) semaphore(%arg8 : memref<!tpu.dma_semaphore, #tpu.memory_space<semaphore_mem>>) {add = true}
      %add3A_75 = arith.constant 1 : i32
      %add3A_76 = arith.addi %mul3A_60, %add3A_75 : i32
      %dma_wait3A_77 = arith.constant 0 : i32
      %dma_wait3A_78 = tpu.memref_slice %arg4[%add3A_76, %dma_wait3A_77] : memref<80x128xi32, #tpu.memory_space<vmem>> -> memref<1x128xi32, #tpu.memory_space<vmem>>
      %dma_wait3A_79 = tpu.memref_squeeze %dma_wait3A_78 : memref<1x128xi32, #tpu.memory_space<vmem>> -> memref<128xi32, #tpu.memory_space<vmem>>
      %dma_wait3A_80 = arith.constant 0 : i32
      %dma_wait3A_81 = arith.constant 0 : i32
      %dma_wait3A_82 = tpu.memref_slice %arg7[%dma_wait3A_80, %dma_wait3A_81] : memref<10112x16xf32, #tpu.memory_space<vmem_shared>> -> memref<10112x16xf32, #tpu.memory_space<vmem_shared>>
      tpu.wait_indirect_dma semaphore(%arg9 : memref<!tpu.dma_semaphore, #tpu.memory_space<semaphore_mem>>) src(%arg5 : memref<128x16xf32, #tpu.memory_space<vmem>>) dst(%dma_wait3A_82 : memref<10112x16xf32, #tpu.memory_space<vmem_shared>>)
      %add3A_83 = arith.constant 3 : i32
      %add3A_84 = arith.addi %mul3A_60, %add3A_83 : i32
      %dma_start3A_85 = arith.constant 0 : i32
      %dma_start3A_86 = tpu.memref_slice %arg4[%add3A_84, %dma_start3A_85] : memref<80x128xi32, #tpu.memory_space<vmem>> -> memref<1x128xi32, #tpu.memory_space<vmem>>
      %dma_start3A_87 = tpu.memref_squeeze %dma_start3A_86 : memref<1x128xi32, #tpu.memory_space<vmem>> -> memref<128xi32, #tpu.memory_space<vmem>>
      %dma_start3A_88 = arith.constant 0 : i32
      %dma_start3A_89 = arith.constant 0 : i32
      %dma_start3A_90 = tpu.memref_slice %arg7[%dma_start3A_88, %dma_start3A_89] : memref<10112x16xf32, #tpu.memory_space<vmem_shared>> -> memref<10112x16xf32, #tpu.memory_space<vmem_shared>>
      tpu.enqueue_indirect_dma source(%arg5 : memref<128x16xf32, #tpu.memory_space<vmem>>) target(%dma_start3A_90 : memref<10112x16xf32, #tpu.memory_space<vmem_shared>>) offsets(%dma_start3A_87 : memref<128xi32, #tpu.memory_space<vmem>>) semaphore(%arg9 : memref<!tpu.dma_semaphore, #tpu.memory_space<semaphore_mem>>) {add = true}
    }
    %scan3A_39 = arith.constant 39 : i32
    %dma_wait3A = arith.constant 78 : i32
    %dma_wait3A_40 = arith.constant 0 : i32
    %dma_wait3A_41 = tpu.memref_slice %arg4[%dma_wait3A, %dma_wait3A_40] : memref<80x128xi32, #tpu.memory_space<vmem>> -> memref<1x128xi32, #tpu.memory_space<vmem>>
    %dma_wait3A_42 = tpu.memref_squeeze %dma_wait3A_41 : memref<1x128xi32, #tpu.memory_space<vmem>> -> memref<128xi32, #tpu.memory_space<vmem>>
    %dma_wait3A_43 = arith.constant 0 : i32
    %dma_wait3A_44 = arith.constant 0 : i32
    %dma_wait3A_45 = tpu.memref_slice %arg7[%dma_wait3A_43, %dma_wait3A_44] : memref<10112x16xf32, #tpu.memory_space<vmem_shared>> -> memref<10112x16xf32, #tpu.memory_space<vmem_shared>>
    tpu.wait_indirect_dma semaphore(%arg8 : memref<!tpu.dma_semaphore, #tpu.memory_space<semaphore_mem>>) src(%arg5 : memref<128x16xf32, #tpu.memory_space<vmem>>) dst(%dma_wait3A_45 : memref<10112x16xf32, #tpu.memory_space<vmem_shared>>)
    %dma_wait3A_46 = arith.constant 79 : i32
    %dma_wait3A_47 = arith.constant 0 : i32
    %dma_wait3A_48 = tpu.memref_slice %arg4[%dma_wait3A_46, %dma_wait3A_47] : memref<80x128xi32, #tpu.memory_space<vmem>> -> memref<1x128xi32, #tpu.memory_space<vmem>>
    %dma_wait3A_49 = tpu.memref_squeeze %dma_wait3A_48 : memref<1x128xi32, #tpu.memory_space<vmem>> -> memref<128xi32, #tpu.memory_space<vmem>>
    %dma_wait3A_50 = arith.constant 0 : i32
    %dma_wait3A_51 = arith.constant 0 : i32
    %dma_wait3A_52 = tpu.memref_slice %arg7[%dma_wait3A_50, %dma_wait3A_51] : memref<10112x16xf32, #tpu.memory_space<vmem_shared>> -> memref<10112x16xf32, #tpu.memory_space<vmem_shared>>
    tpu.wait_indirect_dma semaphore(%arg9 : memref<!tpu.dma_semaphore, #tpu.memory_space<semaphore_mem>>) src(%arg5 : memref<128x16xf32, #tpu.memory_space<vmem>>) dst(%dma_wait3A_52 : memref<10112x16xf32, #tpu.memory_space<vmem_shared>>)
    %barrier3A_53 = arith.constant 0 : index
    tpu.barrier barrier_id(%barrier3A_53)
    %mul3A_54 = arith.constant 632 : i32
    %mul3A_55 = arith.muli %arg1, %mul3A_54 : i32
    %mul3A_56 = arith.constant 632 : i32
    %mul3A_57 = arith.muli %arg1, %mul3A_56 : i32
    "tpu.region"() ({
      %run_scoped3A = tpu.sem_alloc : memref<!tpu.dma_semaphore, #tpu.memory_space<semaphore_mem>>
      %dma_start3A_58 = arith.constant 0 : i32
      %dma_start3A_59 = tpu.memref_slice %arg3[%arg0, %mul3A_57, %dma_start3A_58] : memref<2x10112x16xf32, #tpu.memory_space<hbm>> -> memref<1x632x16xf32, #tpu.memory_space<hbm>>
      %dma_start3A_60 = tpu.memref_squeeze %dma_start3A_59 : memref<1x632x16xf32, #tpu.memory_space<hbm>> -> memref<632x16xf32, #tpu.memory_space<hbm>>
      %dma_start3A_61 = arith.constant 0 : i32
      %dma_start3A_62 = tpu.memref_slice %arg7[%mul3A_55, %dma_start3A_61] : memref<10112x16xf32, #tpu.memory_space<vmem_shared>> -> memref<632x16xf32, #tpu.memory_space<vmem_shared>>
      tpu.enqueue_dma source(%dma_start3A_62 : memref<632x16xf32, #tpu.memory_space<vmem_shared>>) target(%dma_start3A_60 : memref<632x16xf32, #tpu.memory_space<hbm>>) target_semaphore(%run_scoped3A : memref<!tpu.dma_semaphore, #tpu.memory_space<semaphore_mem>>)
      %dma_wait3A_63 = arith.constant 0 : i32
      %dma_wait3A_64 = tpu.memref_slice %arg3[%arg0, %mul3A_57, %dma_wait3A_63] : memref<2x10112x16xf32, #tpu.memory_space<hbm>> -> memref<1x632x16xf32, #tpu.memory_space<hbm>>
      %dma_wait3A_65 = tpu.memref_squeeze %dma_wait3A_64 : memref<1x632x16xf32, #tpu.memory_space<hbm>> -> memref<632x16xf32, #tpu.memory_space<hbm>>
      %dma_wait3A_66 = arith.constant 0 : i32
      %dma_wait3A_67 = tpu.memref_slice %arg7[%mul3A_55, %dma_wait3A_66] : memref<10112x16xf32, #tpu.memory_space<vmem_shared>> -> memref<632x16xf32, #tpu.memory_space<vmem_shared>>
      tpu.wait_dma2 semaphore(%run_scoped3A : memref<!tpu.dma_semaphore, #tpu.memory_space<semaphore_mem>>) src(%dma_wait3A_67 : memref<632x16xf32, #tpu.memory_space<vmem_shared>>) dst(%dma_wait3A_65 : memref<632x16xf32, #tpu.memory_space<hbm>>)
      tpu.yield
    }) : () -> ()
    return
  }
}

#map = affine_map<(d0, d1) -> (0, 0)>
#map1 = affine_map<(d0, d1) -> (0, 0, 0)>
#map2 = affine_map<(d0, d1) -> (0, 0, 0, 0)>
module attributes {stable_mosaic.version = 14 : i64} {
  func.func @body(%arg0: i32, %arg1: i32, %arg2: memref<10112x64xf32, #tpu.memory_space<hbm>>, %arg3: memref<32x160x64xi32, #tpu.memory_space<hbm>>, %arg4: memref<32x160x64xi32, #tpu.memory_space<hbm>>, %arg5: memref<2x1x10112x64xf32, #tpu.memory_space<hbm>>, %arg6: memref<160x64xi32, #tpu.memory_space<vmem>>, %arg7: memref<160x64xi32, #tpu.memory_space<vmem>>, %arg8: memref<64x64xf32, #tpu.memory_space<vmem>>, %arg9: memref<64x64xf32, #tpu.memory_space<vmem>>, %arg10: memref<64x64xf32, #tpu.memory_space<vmem>>, %arg11: memref<64x64xf32, #tpu.memory_space<vmem>>, %arg12: memref<10112x64xf32, #tpu.memory_space<vmem_shared>>, %arg13: memref<10112x64xf32, #tpu.memory_space<vmem_shared>>, %arg14: memref<!tpu.dma_semaphore, #tpu.memory_space<semaphore_mem>>, %arg15: memref<!tpu.dma_semaphore, #tpu.memory_space<semaphore_mem>>, %arg16: memref<!tpu.dma_semaphore, #tpu.memory_space<semaphore_mem>>, %arg17: memref<!tpu.dma_semaphore, #tpu.memory_space<semaphore_mem>>, %arg18: memref<!tpu.dma_semaphore, #tpu.memory_space<semaphore_mem>>, %arg19: memref<!tpu.dma_semaphore, #tpu.memory_space<semaphore_mem>>, %arg20: memref<!tpu.dma_semaphore, #tpu.memory_space<semaphore_mem>>, %arg21: memref<!tpu.dma_semaphore, #tpu.memory_space<semaphore_mem>>) attributes {dimension_semantics = [#tpu.dimension_semantics<core_parallel>, #tpu.dimension_semantics<subcore_parallel>], iteration_bounds = array<i64: 2, 16>, scalar_prefetch = 0 : i64, scratch_operands = 16 : i64, tpu.core_type = #tpu.core_type<sc_vector_subcore>, window_params = [{transform_indices = #map}, {transform_indices = #map1}, {transform_indices = #map1}, {transform_indices = #map2}]} {
    %mul3A = arith.constant 16 : i32
    %mul3A_0 = arith.muli %arg0, %mul3A : i32
    %add3A = arith.addi %mul3A_0, %arg1 : i32
    "tpu.region"() ({
      %run_scoped3A_142 = tpu.sem_alloc : memref<!tpu.dma_semaphore, #tpu.memory_space<semaphore_mem>>
      %dma_start3A_143 = arith.constant 0 : i32
      %dma_start3A_144 = arith.constant 0 : i32
      %dma_start3A_145 = tpu.memref_slice %arg3[%add3A, %dma_start3A_143, %dma_start3A_144] : memref<32x160x64xi32, #tpu.memory_space<hbm>> -> memref<1x160x64xi32, #tpu.memory_space<hbm>>
      %dma_start3A_146 = tpu.memref_squeeze %dma_start3A_145 : memref<1x160x64xi32, #tpu.memory_space<hbm>> -> memref<160x64xi32, #tpu.memory_space<hbm>>
      %dma_start3A_147 = arith.constant 0 : i32
      %dma_start3A_148 = arith.constant 0 : i32
      %dma_start3A_149 = tpu.memref_slice %arg3[%add3A, %dma_start3A_147, %dma_start3A_148] : memref<32x160x64xi32, #tpu.memory_space<hbm>> -> memref<1x160x64xi32, #tpu.memory_space<hbm>>
      %dma_start3A_150 = tpu.memref_squeeze %dma_start3A_149 : memref<1x160x64xi32, #tpu.memory_space<hbm>> -> memref<160x64xi32, #tpu.memory_space<hbm>>
      tpu.enqueue_dma source(%dma_start3A_150 : memref<160x64xi32, #tpu.memory_space<hbm>>) target(%arg6 : memref<160x64xi32, #tpu.memory_space<vmem>>) target_semaphore(%run_scoped3A_142 : memref<!tpu.dma_semaphore, #tpu.memory_space<semaphore_mem>>)
      %dma_wait3A_151 = arith.constant 0 : i32
      %dma_wait3A_152 = arith.constant 0 : i32
      %dma_wait3A_153 = tpu.memref_slice %arg3[%add3A, %dma_wait3A_151, %dma_wait3A_152] : memref<32x160x64xi32, #tpu.memory_space<hbm>> -> memref<1x160x64xi32, #tpu.memory_space<hbm>>
      %dma_wait3A_154 = tpu.memref_squeeze %dma_wait3A_153 : memref<1x160x64xi32, #tpu.memory_space<hbm>> -> memref<160x64xi32, #tpu.memory_space<hbm>>
      %dma_wait3A_155 = arith.constant 0 : i32
      %dma_wait3A_156 = arith.constant 0 : i32
      %dma_wait3A_157 = tpu.memref_slice %arg3[%add3A, %dma_wait3A_155, %dma_wait3A_156] : memref<32x160x64xi32, #tpu.memory_space<hbm>> -> memref<1x160x64xi32, #tpu.memory_space<hbm>>
      %dma_wait3A_158 = tpu.memref_squeeze %dma_wait3A_157 : memref<1x160x64xi32, #tpu.memory_space<hbm>> -> memref<160x64xi32, #tpu.memory_space<hbm>>
      tpu.wait_dma2 semaphore(%run_scoped3A_142 : memref<!tpu.dma_semaphore, #tpu.memory_space<semaphore_mem>>) src(%dma_wait3A_158 : memref<160x64xi32, #tpu.memory_space<hbm>>) dst(%arg6 : memref<160x64xi32, #tpu.memory_space<vmem>>)
      tpu.yield
    }) : () -> ()
    "tpu.region"() ({
      %run_scoped3A_142 = tpu.sem_alloc : memref<!tpu.dma_semaphore, #tpu.memory_space<semaphore_mem>>
      %dma_start3A_143 = arith.constant 0 : i32
      %dma_start3A_144 = arith.constant 0 : i32
      %dma_start3A_145 = tpu.memref_slice %arg4[%add3A, %dma_start3A_143, %dma_start3A_144] : memref<32x160x64xi32, #tpu.memory_space<hbm>> -> memref<1x160x64xi32, #tpu.memory_space<hbm>>
      %dma_start3A_146 = tpu.memref_squeeze %dma_start3A_145 : memref<1x160x64xi32, #tpu.memory_space<hbm>> -> memref<160x64xi32, #tpu.memory_space<hbm>>
      %dma_start3A_147 = arith.constant 0 : i32
      %dma_start3A_148 = arith.constant 0 : i32
      %dma_start3A_149 = tpu.memref_slice %arg4[%add3A, %dma_start3A_147, %dma_start3A_148] : memref<32x160x64xi32, #tpu.memory_space<hbm>> -> memref<1x160x64xi32, #tpu.memory_space<hbm>>
      %dma_start3A_150 = tpu.memref_squeeze %dma_start3A_149 : memref<1x160x64xi32, #tpu.memory_space<hbm>> -> memref<160x64xi32, #tpu.memory_space<hbm>>
      tpu.enqueue_dma source(%dma_start3A_150 : memref<160x64xi32, #tpu.memory_space<hbm>>) target(%arg7 : memref<160x64xi32, #tpu.memory_space<vmem>>) target_semaphore(%run_scoped3A_142 : memref<!tpu.dma_semaphore, #tpu.memory_space<semaphore_mem>>)
      %dma_wait3A_151 = arith.constant 0 : i32
      %dma_wait3A_152 = arith.constant 0 : i32
      %dma_wait3A_153 = tpu.memref_slice %arg4[%add3A, %dma_wait3A_151, %dma_wait3A_152] : memref<32x160x64xi32, #tpu.memory_space<hbm>> -> memref<1x160x64xi32, #tpu.memory_space<hbm>>
      %dma_wait3A_154 = tpu.memref_squeeze %dma_wait3A_153 : memref<1x160x64xi32, #tpu.memory_space<hbm>> -> memref<160x64xi32, #tpu.memory_space<hbm>>
      %dma_wait3A_155 = arith.constant 0 : i32
      %dma_wait3A_156 = arith.constant 0 : i32
      %dma_wait3A_157 = tpu.memref_slice %arg4[%add3A, %dma_wait3A_155, %dma_wait3A_156] : memref<32x160x64xi32, #tpu.memory_space<hbm>> -> memref<1x160x64xi32, #tpu.memory_space<hbm>>
      %dma_wait3A_158 = tpu.memref_squeeze %dma_wait3A_157 : memref<1x160x64xi32, #tpu.memory_space<hbm>> -> memref<160x64xi32, #tpu.memory_space<hbm>>
      tpu.wait_dma2 semaphore(%run_scoped3A_142 : memref<!tpu.dma_semaphore, #tpu.memory_space<semaphore_mem>>) src(%dma_wait3A_158 : memref<160x64xi32, #tpu.memory_space<hbm>>) dst(%arg7 : memref<160x64xi32, #tpu.memory_space<vmem>>)
      tpu.yield
    }) : () -> ()
    %broadcast_in_dim3A = arith.constant 0.000000e+00 : f32
    %broadcast_in_dim3A_1 = vector.broadcast %broadcast_in_dim3A : f32 to vector<16xf32>
    %scan3A = arith.constant 0 : i32
    %scan3A_2 = arith.constant 0 : i32
    %scan3A_3 = arith.constant 64 : i32
    %scan3A_4 = arith.addi %scan3A_2, %scan3A_3 : i32
    %scan3A_5 = arith.constant 1 : i32
    scf.for %scan3A_142 = %scan3A_2 to %scan3A_4 step %scan3A_5  : i32 {
      %swap3A = arith.index_cast %scan3A_142 : i32 to index
      %swap3A_143 = arith.constant 0 : index
      %swap3A_144 = tpu.vector_load %arg8[%swap3A, %swap3A_143] {strides = array<i32>} : memref<64x64xf32, #tpu.memory_space<vmem>>, vector<1x16xf32>,
      %swap3A_145 = vector.shape_cast %swap3A_144 : vector<1x16xf32> to vector<16xf32>
      %swap3A_146 = vector.shape_cast %broadcast_in_dim3A_1 : vector<16xf32> to vector<1x16xf32>
      tpu.vector_store %arg8[%swap3A, %swap3A_143], %swap3A_146 {strides = array<i32>} : memref<64x64xf32, #tpu.memory_space<vmem>>, vector<1x16xf32>,
      %swap3A_147 = arith.index_cast %scan3A_142 : i32 to index
      %swap3A_148 = arith.constant 16 : index
      %swap3A_149 = tpu.vector_load %arg8[%swap3A_147, %swap3A_148] {strides = array<i32>} : memref<64x64xf32, #tpu.memory_space<vmem>>, vector<1x16xf32>,
      %swap3A_150 = vector.shape_cast %swap3A_149 : vector<1x16xf32> to vector<16xf32>
      %swap3A_151 = vector.shape_cast %broadcast_in_dim3A_1 : vector<16xf32> to vector<1x16xf32>
      tpu.vector_store %arg8[%swap3A_147, %swap3A_148], %swap3A_151 {strides = array<i32>} : memref<64x64xf32, #tpu.memory_space<vmem>>, vector<1x16xf32>,
      %swap3A_152 = arith.index_cast %scan3A_142 : i32 to index
      %swap3A_153 = arith.constant 32 : index
      %swap3A_154 = tpu.vector_load %arg8[%swap3A_152, %swap3A_153] {strides = array<i32>} : memref<64x64xf32, #tpu.memory_space<vmem>>, vector<1x16xf32>,
      %swap3A_155 = vector.shape_cast %swap3A_154 : vector<1x16xf32> to vector<16xf32>
      %swap3A_156 = vector.shape_cast %broadcast_in_dim3A_1 : vector<16xf32> to vector<1x16xf32>
      tpu.vector_store %arg8[%swap3A_152, %swap3A_153], %swap3A_156 {strides = array<i32>} : memref<64x64xf32, #tpu.memory_space<vmem>>, vector<1x16xf32>,
      %swap3A_157 = arith.index_cast %scan3A_142 : i32 to index
      %swap3A_158 = arith.constant 48 : index
      %swap3A_159 = tpu.vector_load %arg8[%swap3A_157, %swap3A_158] {strides = array<i32>} : memref<64x64xf32, #tpu.memory_space<vmem>>, vector<1x16xf32>,
      %swap3A_160 = vector.shape_cast %swap3A_159 : vector<1x16xf32> to vector<16xf32>
      %swap3A_161 = vector.shape_cast %broadcast_in_dim3A_1 : vector<16xf32> to vector<1x16xf32>
      tpu.vector_store %arg8[%swap3A_157, %swap3A_158], %swap3A_161 {strides = array<i32>} : memref<64x64xf32, #tpu.memory_space<vmem>>, vector<1x16xf32>,
    }
    %scan3A_6 = arith.constant 64 : i32
    %mul3A_7 = arith.constant 632 : i32
    %mul3A_8 = arith.muli %arg1, %mul3A_7 : i32
    %mul3A_9 = arith.constant 632 : i32
    %mul3A_10 = arith.muli %arg1, %mul3A_9 : i32
    "tpu.region"() ({
      %run_scoped3A_142 = tpu.sem_alloc : memref<!tpu.dma_semaphore, #tpu.memory_space<semaphore_mem>>
      %dma_start3A_143 = arith.constant 0 : i32
      %dma_start3A_144 = tpu.memref_slice %arg12[%mul3A_10, %dma_start3A_143] : memref<10112x64xf32, #tpu.memory_space<vmem_shared>> -> memref<632x64xf32, #tpu.memory_space<vmem_shared>>
      %dma_start3A_145 = arith.constant 0 : i32
      %dma_start3A_146 = tpu.memref_slice %arg2[%mul3A_8, %dma_start3A_145] : memref<10112x64xf32, #tpu.memory_space<hbm>> -> memref<632x64xf32, #tpu.memory_space<hbm>>
      tpu.enqueue_dma source(%dma_start3A_146 : memref<632x64xf32, #tpu.memory_space<hbm>>) target(%dma_start3A_144 : memref<632x64xf32, #tpu.memory_space<vmem_shared>>) target_semaphore(%run_scoped3A_142 : memref<!tpu.dma_semaphore, #tpu.memory_space<semaphore_mem>>)
      %dma_wait3A_147 = arith.constant 0 : i32
      %dma_wait3A_148 = tpu.memref_slice %arg12[%mul3A_10, %dma_wait3A_147] : memref<10112x64xf32, #tpu.memory_space<vmem_shared>> -> memref<632x64xf32, #tpu.memory_space<vmem_shared>>
      %dma_wait3A_149 = arith.constant 0 : i32
      %dma_wait3A_150 = tpu.memref_slice %arg2[%mul3A_8, %dma_wait3A_149] : memref<10112x64xf32, #tpu.memory_space<hbm>> -> memref<632x64xf32, #tpu.memory_space<hbm>>
      tpu.wait_dma2 semaphore(%run_scoped3A_142 : memref<!tpu.dma_semaphore, #tpu.memory_space<semaphore_mem>>) src(%dma_wait3A_150 : memref<632x64xf32, #tpu.memory_space<hbm>>) dst(%dma_wait3A_148 : memref<632x64xf32, #tpu.memory_space<vmem_shared>>)
      tpu.yield
    }) : () -> ()
    %scan3A_11 = arith.constant 0 : i32
    %scan3A_12 = arith.constant 0 : i32
    %scan3A_13 = arith.constant 9 : i32
    %scan3A_14 = arith.addi %scan3A_12, %scan3A_13 : i32
    %scan3A_15 = arith.constant 1 : i32
    scf.for %scan3A_142 = %scan3A_12 to %scan3A_14 step %scan3A_15  : i32 {
      %mul3A_143 = arith.constant 632 : i32
      %mul3A_144 = arith.muli %arg1, %mul3A_143 : i32
      %mul3A_145 = arith.constant 64 : i32
      %mul3A_146 = arith.muli %scan3A_142, %mul3A_145 : i32
      %add3A_147 = arith.addi %mul3A_144, %mul3A_146 : i32
      "tpu.region"() ({
        %run_scoped3A_148 = tpu.sem_alloc : memref<!tpu.dma_semaphore, #tpu.memory_space<semaphore_mem>>
        %dma_start3A_149 = arith.constant 0 : i32
        %dma_start3A_150 = tpu.memref_slice %arg13[%add3A_147, %dma_start3A_149] : memref<10112x64xf32, #tpu.memory_space<vmem_shared>> -> memref<64x64xf32, #tpu.memory_space<vmem_shared>>
        %dma_start3A_151 = arith.constant 0 : i32
        %dma_start3A_152 = tpu.memref_slice %arg13[%add3A_147, %dma_start3A_151] : memref<10112x64xf32, #tpu.memory_space<vmem_shared>> -> memref<64x64xf32, #tpu.memory_space<vmem_shared>>
        tpu.enqueue_dma source(%arg8 : memref<64x64xf32, #tpu.memory_space<vmem>>) target(%dma_start3A_152 : memref<64x64xf32, #tpu.memory_space<vmem_shared>>) target_semaphore(%run_scoped3A_148 : memref<!tpu.dma_semaphore, #tpu.memory_space<semaphore_mem>>)
        %dma_wait3A_153 = arith.constant 0 : i32
        %dma_wait3A_154 = tpu.memref_slice %arg13[%add3A_147, %dma_wait3A_153] : memref<10112x64xf32, #tpu.memory_space<vmem_shared>> -> memref<64x64xf32, #tpu.memory_space<vmem_shared>>
        %dma_wait3A_155 = arith.constant 0 : i32
        %dma_wait3A_156 = tpu.memref_slice %arg13[%add3A_147, %dma_wait3A_155] : memref<10112x64xf32, #tpu.memory_space<vmem_shared>> -> memref<64x64xf32, #tpu.memory_space<vmem_shared>>
        tpu.wait_dma2 semaphore(%run_scoped3A_148 : memref<!tpu.dma_semaphore, #tpu.memory_space<semaphore_mem>>) src(%arg8 : memref<64x64xf32, #tpu.memory_space<vmem>>) dst(%dma_wait3A_156 : memref<64x64xf32, #tpu.memory_space<vmem_shared>>)
        tpu.yield
      }) : () -> ()
    }
    %scan3A_16 = arith.constant 9 : i32
    %mul3A_17 = arith.constant 632 : i32
    %mul3A_18 = arith.muli %arg1, %mul3A_17 : i32
    %add3A_19 = arith.constant 576 : i32
    %add3A_20 = arith.addi %mul3A_18, %add3A_19 : i32
    "tpu.region"() ({
      %run_scoped3A_142 = tpu.sem_alloc : memref<!tpu.dma_semaphore, #tpu.memory_space<semaphore_mem>>
      %dma_start3A_143 = arith.constant 0 : i32
      %dma_start3A_144 = arith.constant 0 : i32
      %dma_start3A_145 = tpu.memref_slice %arg8[%dma_start3A_143, %dma_start3A_144] : memref<64x64xf32, #tpu.memory_space<vmem>> -> memref<56x64xf32, #tpu.memory_space<vmem>>
      %dma_start3A_146 = arith.constant 0 : i32
      %dma_start3A_147 = tpu.memref_slice %arg13[%add3A_20, %dma_start3A_146] : memref<10112x64xf32, #tpu.memory_space<vmem_shared>> -> memref<56x64xf32, #tpu.memory_space<vmem_shared>>
      %dma_start3A_148 = arith.constant 0 : i32
      %dma_start3A_149 = tpu.memref_slice %arg13[%add3A_20, %dma_start3A_148] : memref<10112x64xf32, #tpu.memory_space<vmem_shared>> -> memref<56x64xf32, #tpu.memory_space<vmem_shared>>
      %dma_start3A_150 = arith.constant 0 : i32
      %dma_start3A_151 = arith.constant 0 : i32
      %dma_start3A_152 = tpu.memref_slice %arg8[%dma_start3A_150, %dma_start3A_151] : memref<64x64xf32, #tpu.memory_space<vmem>> -> memref<56x64xf32, #tpu.memory_space<vmem>>
      tpu.enqueue_dma source(%dma_start3A_152 : memref<56x64xf32, #tpu.memory_space<vmem>>) target(%dma_start3A_149 : memref<56x64xf32, #tpu.memory_space<vmem_shared>>) target_semaphore(%run_scoped3A_142 : memref<!tpu.dma_semaphore, #tpu.memory_space<semaphore_mem>>)
      %dma_wait3A_153 = arith.constant 0 : i32
      %dma_wait3A_154 = arith.constant 0 : i32
      %dma_wait3A_155 = tpu.memref_slice %arg8[%dma_wait3A_153, %dma_wait3A_154] : memref<64x64xf32, #tpu.memory_space<vmem>> -> memref<56x64xf32, #tpu.memory_space<vmem>>
      %dma_wait3A_156 = arith.constant 0 : i32
      %dma_wait3A_157 = tpu.memref_slice %arg13[%add3A_20, %dma_wait3A_156] : memref<10112x64xf32, #tpu.memory_space<vmem_shared>> -> memref<56x64xf32, #tpu.memory_space<vmem_shared>>
      %dma_wait3A_158 = arith.constant 0 : i32
      %dma_wait3A_159 = tpu.memref_slice %arg13[%add3A_20, %dma_wait3A_158] : memref<10112x64xf32, #tpu.memory_space<vmem_shared>> -> memref<56x64xf32, #tpu.memory_space<vmem_shared>>
      %dma_wait3A_160 = arith.constant 0 : i32
      %dma_wait3A_161 = arith.constant 0 : i32
      %dma_wait3A_162 = tpu.memref_slice %arg8[%dma_wait3A_160, %dma_wait3A_161] : memref<64x64xf32, #tpu.memory_space<vmem>> -> memref<56x64xf32, #tpu.memory_space<vmem>>
      tpu.wait_dma2 semaphore(%run_scoped3A_142 : memref<!tpu.dma_semaphore, #tpu.memory_space<semaphore_mem>>) src(%dma_wait3A_162 : memref<56x64xf32, #tpu.memory_space<vmem>>) dst(%dma_wait3A_159 : memref<56x64xf32, #tpu.memory_space<vmem_shared>>)
      tpu.yield
    }) : () -> ()
    %barrier3A = arith.constant 0 : index
    tpu.barrier barrier_id(%barrier3A)
    %dma_start3A = arith.constant 0 : i32
    %dma_start3A_21 = arith.constant 0 : i32
    %dma_start3A_22 = tpu.memref_slice %arg6[%dma_start3A, %dma_start3A_21] : memref<160x64xi32, #tpu.memory_space<vmem>> -> memref<1x64xi32, #tpu.memory_space<vmem>>
    %dma_start3A_23 = tpu.memref_squeeze %dma_start3A_22 : memref<1x64xi32, #tpu.memory_space<vmem>> -> memref<64xi32, #tpu.memory_space<vmem>>
    %dma_start3A_24 = arith.constant 0 : i32
    %dma_start3A_25 = arith.constant 0 : i32
    %dma_start3A_26 = tpu.memref_slice %arg12[%dma_start3A_24, %dma_start3A_25] : memref<10112x64xf32, #tpu.memory_space<vmem_shared>> -> memref<10112x64xf32, #tpu.memory_space<vmem_shared>>
    tpu.enqueue_indirect_dma source(%dma_start3A_26 : memref<10112x64xf32, #tpu.memory_space<vmem_shared>>) target(%arg8 : memref<64x64xf32, #tpu.memory_space<vmem>>) offsets(%dma_start3A_23 : memref<64xi32, #tpu.memory_space<vmem>>) semaphore(%arg14 : memref<!tpu.dma_semaphore, #tpu.memory_space<semaphore_mem>>)
    %dma_start3A_27 = arith.constant 1 : i32
    %dma_start3A_28 = arith.constant 0 : i32
    %dma_start3A_29 = tpu.memref_slice %arg6[%dma_start3A_27, %dma_start3A_28] : memref<160x64xi32, #tpu.memory_space<vmem>> -> memref<1x64xi32, #tpu.memory_space<vmem>>
    %dma_start3A_30 = tpu.memref_squeeze %dma_start3A_29 : memref<1x64xi32, #tpu.memory_space<vmem>> -> memref<64xi32, #tpu.memory_space<vmem>>
    %dma_start3A_31 = arith.constant 0 : i32
    %dma_start3A_32 = arith.constant 0 : i32
    %dma_start3A_33 = tpu.memref_slice %arg12[%dma_start3A_31, %dma_start3A_32] : memref<10112x64xf32, #tpu.memory_space<vmem_shared>> -> memref<10112x64xf32, #tpu.memory_space<vmem_shared>>
    tpu.enqueue_indirect_dma source(%dma_start3A_33 : memref<10112x64xf32, #tpu.memory_space<vmem_shared>>) target(%arg9 : memref<64x64xf32, #tpu.memory_space<vmem>>) offsets(%dma_start3A_30 : memref<64xi32, #tpu.memory_space<vmem>>) semaphore(%arg15 : memref<!tpu.dma_semaphore, #tpu.memory_space<semaphore_mem>>)
    %dma_wait3A = arith.constant 0 : i32
    %dma_wait3A_34 = arith.constant 0 : i32
    %dma_wait3A_35 = tpu.memref_slice %arg6[%dma_wait3A, %dma_wait3A_34] : memref<160x64xi32, #tpu.memory_space<vmem>> -> memref<1x64xi32, #tpu.memory_space<vmem>>
    %dma_wait3A_36 = tpu.memref_squeeze %dma_wait3A_35 : memref<1x64xi32, #tpu.memory_space<vmem>> -> memref<64xi32, #tpu.memory_space<vmem>>
    %dma_wait3A_37 = arith.constant 0 : i32
    %dma_wait3A_38 = arith.constant 0 : i32
    %dma_wait3A_39 = tpu.memref_slice %arg12[%dma_wait3A_37, %dma_wait3A_38] : memref<10112x64xf32, #tpu.memory_space<vmem_shared>> -> memref<10112x64xf32, #tpu.memory_space<vmem_shared>>
    tpu.wait_indirect_dma semaphore(%arg14 : memref<!tpu.dma_semaphore, #tpu.memory_space<semaphore_mem>>) src(%dma_wait3A_39 : memref<10112x64xf32, #tpu.memory_space<vmem_shared>>) dst(%arg8 : memref<64x64xf32, #tpu.memory_space<vmem>>)
    %dma_start3A_40 = arith.constant 0 : i32
    %dma_start3A_41 = arith.constant 0 : i32
    %dma_start3A_42 = tpu.memref_slice %arg7[%dma_start3A_40, %dma_start3A_41] : memref<160x64xi32, #tpu.memory_space<vmem>> -> memref<1x64xi32, #tpu.memory_space<vmem>>
    %dma_start3A_43 = tpu.memref_squeeze %dma_start3A_42 : memref<1x64xi32, #tpu.memory_space<vmem>> -> memref<64xi32, #tpu.memory_space<vmem>>
    %dma_start3A_44 = arith.constant 0 : i32
    %dma_start3A_45 = arith.constant 0 : i32
    %dma_start3A_46 = tpu.memref_slice %arg13[%dma_start3A_44, %dma_start3A_45] : memref<10112x64xf32, #tpu.memory_space<vmem_shared>> -> memref<10112x64xf32, #tpu.memory_space<vmem_shared>>
    tpu.enqueue_indirect_dma source(%arg8 : memref<64x64xf32, #tpu.memory_space<vmem>>) target(%dma_start3A_46 : memref<10112x64xf32, #tpu.memory_space<vmem_shared>>) offsets(%dma_start3A_43 : memref<64xi32, #tpu.memory_space<vmem>>) semaphore(%arg18 : memref<!tpu.dma_semaphore, #tpu.memory_space<semaphore_mem>>) {add = true}
    %dma_start3A_47 = arith.constant 2 : i32
    %dma_start3A_48 = arith.constant 0 : i32
    %dma_start3A_49 = tpu.memref_slice %arg6[%dma_start3A_47, %dma_start3A_48] : memref<160x64xi32, #tpu.memory_space<vmem>> -> memref<1x64xi32, #tpu.memory_space<vmem>>
    %dma_start3A_50 = tpu.memref_squeeze %dma_start3A_49 : memref<1x64xi32, #tpu.memory_space<vmem>> -> memref<64xi32, #tpu.memory_space<vmem>>
    %dma_start3A_51 = arith.constant 0 : i32
    %dma_start3A_52 = arith.constant 0 : i32
    %dma_start3A_53 = tpu.memref_slice %arg12[%dma_start3A_51, %dma_start3A_52] : memref<10112x64xf32, #tpu.memory_space<vmem_shared>> -> memref<10112x64xf32, #tpu.memory_space<vmem_shared>>
    tpu.enqueue_indirect_dma source(%dma_start3A_53 : memref<10112x64xf32, #tpu.memory_space<vmem_shared>>) target(%arg10 : memref<64x64xf32, #tpu.memory_space<vmem>>) offsets(%dma_start3A_50 : memref<64xi32, #tpu.memory_space<vmem>>) semaphore(%arg16 : memref<!tpu.dma_semaphore, #tpu.memory_space<semaphore_mem>>)
    %dma_wait3A_54 = arith.constant 1 : i32
    %dma_wait3A_55 = arith.constant 0 : i32
    %dma_wait3A_56 = tpu.memref_slice %arg6[%dma_wait3A_54, %dma_wait3A_55] : memref<160x64xi32, #tpu.memory_space<vmem>> -> memref<1x64xi32, #tpu.memory_space<vmem>>
    %dma_wait3A_57 = tpu.memref_squeeze %dma_wait3A_56 : memref<1x64xi32, #tpu.memory_space<vmem>> -> memref<64xi32, #tpu.memory_space<vmem>>
    %dma_wait3A_58 = arith.constant 0 : i32
    %dma_wait3A_59 = arith.constant 0 : i32
    %dma_wait3A_60 = tpu.memref_slice %arg12[%dma_wait3A_58, %dma_wait3A_59] : memref<10112x64xf32, #tpu.memory_space<vmem_shared>> -> memref<10112x64xf32, #tpu.memory_space<vmem_shared>>
    tpu.wait_indirect_dma semaphore(%arg15 : memref<!tpu.dma_semaphore, #tpu.memory_space<semaphore_mem>>) src(%dma_wait3A_60 : memref<10112x64xf32, #tpu.memory_space<vmem_shared>>) dst(%arg9 : memref<64x64xf32, #tpu.memory_space<vmem>>)
    %dma_start3A_61 = arith.constant 1 : i32
    %dma_start3A_62 = arith.constant 0 : i32
    %dma_start3A_63 = tpu.memref_slice %arg7[%dma_start3A_61, %dma_start3A_62] : memref<160x64xi32, #tpu.memory_space<vmem>> -> memref<1x64xi32, #tpu.memory_space<vmem>>
    %dma_start3A_64 = tpu.memref_squeeze %dma_start3A_63 : memref<1x64xi32, #tpu.memory_space<vmem>> -> memref<64xi32, #tpu.memory_space<vmem>>
    %dma_start3A_65 = arith.constant 0 : i32
    %dma_start3A_66 = arith.constant 0 : i32
    %dma_start3A_67 = tpu.memref_slice %arg13[%dma_start3A_65, %dma_start3A_66] : memref<10112x64xf32, #tpu.memory_space<vmem_shared>> -> memref<10112x64xf32, #tpu.memory_space<vmem_shared>>
    tpu.enqueue_indirect_dma source(%arg9 : memref<64x64xf32, #tpu.memory_space<vmem>>) target(%dma_start3A_67 : memref<10112x64xf32, #tpu.memory_space<vmem_shared>>) offsets(%dma_start3A_64 : memref<64xi32, #tpu.memory_space<vmem>>) semaphore(%arg19 : memref<!tpu.dma_semaphore, #tpu.memory_space<semaphore_mem>>) {add = true}
    %dma_start3A_68 = arith.constant 3 : i32
    %dma_start3A_69 = arith.constant 0 : i32
    %dma_start3A_70 = tpu.memref_slice %arg6[%dma_start3A_68, %dma_start3A_69] : memref<160x64xi32, #tpu.memory_space<vmem>> -> memref<1x64xi32, #tpu.memory_space<vmem>>
    %dma_start3A_71 = tpu.memref_squeeze %dma_start3A_70 : memref<1x64xi32, #tpu.memory_space<vmem>> -> memref<64xi32, #tpu.memory_space<vmem>>
    %dma_start3A_72 = arith.constant 0 : i32
    %dma_start3A_73 = arith.constant 0 : i32
    %dma_start3A_74 = tpu.memref_slice %arg12[%dma_start3A_72, %dma_start3A_73] : memref<10112x64xf32, #tpu.memory_space<vmem_shared>> -> memref<10112x64xf32, #tpu.memory_space<vmem_shared>>
    tpu.enqueue_indirect_dma source(%dma_start3A_74 : memref<10112x64xf32, #tpu.memory_space<vmem_shared>>) target(%arg11 : memref<64x64xf32, #tpu.memory_space<vmem>>) offsets(%dma_start3A_71 : memref<64xi32, #tpu.memory_space<vmem>>) semaphore(%arg17 : memref<!tpu.dma_semaphore, #tpu.memory_space<semaphore_mem>>)
    %scan3A_75 = arith.constant 0 : i32
    %scan3A_76 = arith.constant 0 : i32
    %scan3A_77 = arith.constant 39 : i32
    %scan3A_78 = arith.addi %scan3A_76, %scan3A_77 : i32
    %scan3A_79 = arith.constant 1 : i32
    scf.for %scan3A_142 = %scan3A_76 to %scan3A_78 step %scan3A_79  : i32 {
      %mul3A_143 = arith.constant 4 : i32
      %mul3A_144 = arith.muli %mul3A_143, %scan3A_142 : i32
      %add3A_145 = arith.constant 2 : i32
      %add3A_146 = arith.addi %add3A_145, %mul3A_144 : i32
      %add3A_147 = arith.constant 0 : i32
      %add3A_148 = arith.addi %add3A_146, %add3A_147 : i32
      %dma_wait3A_149 = arith.constant 0 : i32
      %dma_wait3A_150 = tpu.memref_slice %arg6[%add3A_148, %dma_wait3A_149] : memref<160x64xi32, #tpu.memory_space<vmem>> -> memref<1x64xi32, #tpu.memory_space<vmem>>
      %dma_wait3A_151 = tpu.memref_squeeze %dma_wait3A_150 : memref<1x64xi32, #tpu.memory_space<vmem>> -> memref<64xi32, #tpu.memory_space<vmem>>
      %dma_wait3A_152 = arith.constant 0 : i32
      %dma_wait3A_153 = arith.constant 0 : i32
      %dma_wait3A_154 = tpu.memref_slice %arg12[%dma_wait3A_152, %dma_wait3A_153] : memref<10112x64xf32, #tpu.memory_space<vmem_shared>> -> memref<10112x64xf32, #tpu.memory_space<vmem_shared>>
      tpu.wait_indirect_dma semaphore(%arg16 : memref<!tpu.dma_semaphore, #tpu.memory_space<semaphore_mem>>) src(%dma_wait3A_154 : memref<10112x64xf32, #tpu.memory_space<vmem_shared>>) dst(%arg10 : memref<64x64xf32, #tpu.memory_space<vmem>>)
      %dma_start3A_155 = arith.constant 0 : i32
      %dma_start3A_156 = tpu.memref_slice %arg7[%add3A_148, %dma_start3A_155] : memref<160x64xi32, #tpu.memory_space<vmem>> -> memref<1x64xi32, #tpu.memory_space<vmem>>
      %dma_start3A_157 = tpu.memref_squeeze %dma_start3A_156 : memref<1x64xi32, #tpu.memory_space<vmem>> -> memref<64xi32, #tpu.memory_space<vmem>>
      %dma_start3A_158 = arith.constant 0 : i32
      %dma_start3A_159 = arith.constant 0 : i32
      %dma_start3A_160 = tpu.memref_slice %arg13[%dma_start3A_158, %dma_start3A_159] : memref<10112x64xf32, #tpu.memory_space<vmem_shared>> -> memref<10112x64xf32, #tpu.memory_space<vmem_shared>>
      tpu.enqueue_indirect_dma source(%arg10 : memref<64x64xf32, #tpu.memory_space<vmem>>) target(%dma_start3A_160 : memref<10112x64xf32, #tpu.memory_space<vmem_shared>>) offsets(%dma_start3A_157 : memref<64xi32, #tpu.memory_space<vmem>>) semaphore(%arg20 : memref<!tpu.dma_semaphore, #tpu.memory_space<semaphore_mem>>) {add = true}
      %add3A_161 = arith.constant 2 : i32
      %add3A_162 = arith.addi %add3A_148, %add3A_161 : i32
      %sub3A = arith.constant 4 : i32
      %sub3A_163 = arith.subi %add3A_162, %sub3A : i32
      %dma_wait3A_164 = arith.constant 0 : i32
      %dma_wait3A_165 = tpu.memref_slice %arg7[%sub3A_163, %dma_wait3A_164] : memref<160x64xi32, #tpu.memory_space<vmem>> -> memref<1x64xi32, #tpu.memory_space<vmem>>
      %dma_wait3A_166 = tpu.memref_squeeze %dma_wait3A_165 : memref<1x64xi32, #tpu.memory_space<vmem>> -> memref<64xi32, #tpu.memory_space<vmem>>
      %dma_wait3A_167 = arith.constant 0 : i32
      %dma_wait3A_168 = arith.constant 0 : i32
      %dma_wait3A_169 = tpu.memref_slice %arg13[%dma_wait3A_167, %dma_wait3A_168] : memref<10112x64xf32, #tpu.memory_space<vmem_shared>> -> memref<10112x64xf32, #tpu.memory_space<vmem_shared>>
      tpu.wait_indirect_dma semaphore(%arg18 : memref<!tpu.dma_semaphore, #tpu.memory_space<semaphore_mem>>) src(%arg8 : memref<64x64xf32, #tpu.memory_space<vmem>>) dst(%dma_wait3A_169 : memref<10112x64xf32, #tpu.memory_space<vmem_shared>>)
      %add3A_170 = arith.constant 2 : i32
      %add3A_171 = arith.addi %add3A_148, %add3A_170 : i32
      %dma_start3A_172 = arith.constant 0 : i32
      %dma_start3A_173 = tpu.memref_slice %arg6[%add3A_171, %dma_start3A_172] : memref<160x64xi32, #tpu.memory_space<vmem>> -> memref<1x64xi32, #tpu.memory_space<vmem>>
      %dma_start3A_174 = tpu.memref_squeeze %dma_start3A_173 : memref<1x64xi32, #tpu.memory_space<vmem>> -> memref<64xi32, #tpu.memory_space<vmem>>
      %dma_start3A_175 = arith.constant 0 : i32
      %dma_start3A_176 = arith.constant 0 : i32
      %dma_start3A_177 = tpu.memref_slice %arg12[%dma_start3A_175, %dma_start3A_176] : memref<10112x64xf32, #tpu.memory_space<vmem_shared>> -> memref<10112x64xf32, #tpu.memory_space<vmem_shared>>
      tpu.enqueue_indirect_dma source(%dma_start3A_177 : memref<10112x64xf32, #tpu.memory_space<vmem_shared>>) target(%arg8 : memref<64x64xf32, #tpu.memory_space<vmem>>) offsets(%dma_start3A_174 : memref<64xi32, #tpu.memory_space<vmem>>) semaphore(%arg14 : memref<!tpu.dma_semaphore, #tpu.memory_space<semaphore_mem>>)
      %add3A_178 = arith.constant 1 : i32
      %add3A_179 = arith.addi %add3A_146, %add3A_178 : i32
      %dma_wait3A_180 = arith.constant 0 : i32
      %dma_wait3A_181 = tpu.memref_slice %arg6[%add3A_179, %dma_wait3A_180] : memref<160x64xi32, #tpu.memory_space<vmem>> -> memref<1x64xi32, #tpu.memory_space<vmem>>
      %dma_wait3A_182 = tpu.memref_squeeze %dma_wait3A_181 : memref<1x64xi32, #tpu.memory_space<vmem>> -> memref<64xi32, #tpu.memory_space<vmem>>
      %dma_wait3A_183 = arith.constant 0 : i32
      %dma_wait3A_184 = arith.constant 0 : i32
      %dma_wait3A_185 = tpu.memref_slice %arg12[%dma_wait3A_183, %dma_wait3A_184] : memref<10112x64xf32, #tpu.memory_space<vmem_shared>> -> memref<10112x64xf32, #tpu.memory_space<vmem_shared>>
      tpu.wait_indirect_dma semaphore(%arg17 : memref<!tpu.dma_semaphore, #tpu.memory_space<semaphore_mem>>) src(%dma_wait3A_185 : memref<10112x64xf32, #tpu.memory_space<vmem_shared>>) dst(%arg11 : memref<64x64xf32, #tpu.memory_space<vmem>>)
      %dma_start3A_186 = arith.constant 0 : i32
      %dma_start3A_187 = tpu.memref_slice %arg7[%add3A_179, %dma_start3A_186] : memref<160x64xi32, #tpu.memory_space<vmem>> -> memref<1x64xi32, #tpu.memory_space<vmem>>
      %dma_start3A_188 = tpu.memref_squeeze %dma_start3A_187 : memref<1x64xi32, #tpu.memory_space<vmem>> -> memref<64xi32, #tpu.memory_space<vmem>>
      %dma_start3A_189 = arith.constant 0 : i32
      %dma_start3A_190 = arith.constant 0 : i32
      %dma_start3A_191 = tpu.memref_slice %arg13[%dma_start3A_189, %dma_start3A_190] : memref<10112x64xf32, #tpu.memory_space<vmem_shared>> -> memref<10112x64xf32, #tpu.memory_space<vmem_shared>>
      tpu.enqueue_indirect_dma source(%arg11 : memref<64x64xf32, #tpu.memory_space<vmem>>) target(%dma_start3A_191 : memref<10112x64xf32, #tpu.memory_space<vmem_shared>>) offsets(%dma_start3A_188 : memref<64xi32, #tpu.memory_space<vmem>>) semaphore(%arg21 : memref<!tpu.dma_semaphore, #tpu.memory_space<semaphore_mem>>) {add = true}
      %add3A_192 = arith.constant 2 : i32
      %add3A_193 = arith.addi %add3A_179, %add3A_192 : i32
      %sub3A_194 = arith.constant 4 : i32
      %sub3A_195 = arith.subi %add3A_193, %sub3A_194 : i32
      %dma_wait3A_196 = arith.constant 0 : i32
      %dma_wait3A_197 = tpu.memref_slice %arg7[%sub3A_195, %dma_wait3A_196] : memref<160x64xi32, #tpu.memory_space<vmem>> -> memref<1x64xi32, #tpu.memory_space<vmem>>
      %dma_wait3A_198 = tpu.memref_squeeze %dma_wait3A_197 : memref<1x64xi32, #tpu.memory_space<vmem>> -> memref<64xi32, #tpu.memory_space<vmem>>
      %dma_wait3A_199 = arith.constant 0 : i32
      %dma_wait3A_200 = arith.constant 0 : i32
      %dma_wait3A_201 = tpu.memref_slice %arg13[%dma_wait3A_199, %dma_wait3A_200] : memref<10112x64xf32, #tpu.memory_space<vmem_shared>> -> memref<10112x64xf32, #tpu.memory_space<vmem_shared>>
      tpu.wait_indirect_dma semaphore(%arg19 : memref<!tpu.dma_semaphore, #tpu.memory_space<semaphore_mem>>) src(%arg9 : memref<64x64xf32, #tpu.memory_space<vmem>>) dst(%dma_wait3A_201 : memref<10112x64xf32, #tpu.memory_space<vmem_shared>>)
      %add3A_202 = arith.constant 2 : i32
      %add3A_203 = arith.addi %add3A_179, %add3A_202 : i32
      %dma_start3A_204 = arith.constant 0 : i32
      %dma_start3A_205 = tpu.memref_slice %arg6[%add3A_203, %dma_start3A_204] : memref<160x64xi32, #tpu.memory_space<vmem>> -> memref<1x64xi32, #tpu.memory_space<vmem>>
      %dma_start3A_206 = tpu.memref_squeeze %dma_start3A_205 : memref<1x64xi32, #tpu.memory_space<vmem>> -> memref<64xi32, #tpu.memory_space<vmem>>
      %dma_start3A_207 = arith.constant 0 : i32
      %dma_start3A_208 = arith.constant 0 : i32
      %dma_start3A_209 = tpu.memref_slice %arg12[%dma_start3A_207, %dma_start3A_208] : memref<10112x64xf32, #tpu.memory_space<vmem_shared>> -> memref<10112x64xf32, #tpu.memory_space<vmem_shared>>
      tpu.enqueue_indirect_dma source(%dma_start3A_209 : memref<10112x64xf32, #tpu.memory_space<vmem_shared>>) target(%arg9 : memref<64x64xf32, #tpu.memory_space<vmem>>) offsets(%dma_start3A_206 : memref<64xi32, #tpu.memory_space<vmem>>) semaphore(%arg15 : memref<!tpu.dma_semaphore, #tpu.memory_space<semaphore_mem>>)
      %add3A_210 = arith.constant 2 : i32
      %add3A_211 = arith.addi %add3A_146, %add3A_210 : i32
      %dma_wait3A_212 = arith.constant 0 : i32
      %dma_wait3A_213 = tpu.memref_slice %arg6[%add3A_211, %dma_wait3A_212] : memref<160x64xi32, #tpu.memory_space<vmem>> -> memref<1x64xi32, #tpu.memory_space<vmem>>
      %dma_wait3A_214 = tpu.memref_squeeze %dma_wait3A_213 : memref<1x64xi32, #tpu.memory_space<vmem>> -> memref<64xi32, #tpu.memory_space<vmem>>
      %dma_wait3A_215 = arith.constant 0 : i32
      %dma_wait3A_216 = arith.constant 0 : i32
      %dma_wait3A_217 = tpu.memref_slice %arg12[%dma_wait3A_215, %dma_wait3A_216] : memref<10112x64xf32, #tpu.memory_space<vmem_shared>> -> memref<10112x64xf32, #tpu.memory_space<vmem_shared>>
      tpu.wait_indirect_dma semaphore(%arg14 : memref<!tpu.dma_semaphore, #tpu.memory_space<semaphore_mem>>) src(%dma_wait3A_217 : memref<10112x64xf32, #tpu.memory_space<vmem_shared>>) dst(%arg8 : memref<64x64xf32, #tpu.memory_space<vmem>>)
      %dma_start3A_218 = arith.constant 0 : i32
      %dma_start3A_219 = tpu.memref_slice %arg7[%add3A_211, %dma_start3A_218] : memref<160x64xi32, #tpu.memory_space<vmem>> -> memref<1x64xi32, #tpu.memory_space<vmem>>
      %dma_start3A_220 = tpu.memref_squeeze %dma_start3A_219 : memref<1x64xi32, #tpu.memory_space<vmem>> -> memref<64xi32, #tpu.memory_space<vmem>>
      %dma_start3A_221 = arith.constant 0 : i32
      %dma_start3A_222 = arith.constant 0 : i32
      %dma_start3A_223 = tpu.memref_slice %arg13[%dma_start3A_221, %dma_start3A_222] : memref<10112x64xf32, #tpu.memory_space<vmem_shared>> -> memref<10112x64xf32, #tpu.memory_space<vmem_shared>>
      tpu.enqueue_indirect_dma source(%arg8 : memref<64x64xf32, #tpu.memory_space<vmem>>) target(%dma_start3A_223 : memref<10112x64xf32, #tpu.memory_space<vmem_shared>>) offsets(%dma_start3A_220 : memref<64xi32, #tpu.memory_space<vmem>>) semaphore(%arg18 : memref<!tpu.dma_semaphore, #tpu.memory_space<semaphore_mem>>) {add = true}
      %add3A_224 = arith.constant 2 : i32
      %add3A_225 = arith.addi %add3A_211, %add3A_224 : i32
      %sub3A_226 = arith.constant 4 : i32
      %sub3A_227 = arith.subi %add3A_225, %sub3A_226 : i32
      %dma_wait3A_228 = arith.constant 0 : i32
      %dma_wait3A_229 = tpu.memref_slice %arg7[%sub3A_227, %dma_wait3A_228] : memref<160x64xi32, #tpu.memory_space<vmem>> -> memref<1x64xi32, #tpu.memory_space<vmem>>
      %dma_wait3A_230 = tpu.memref_squeeze %dma_wait3A_229 : memref<1x64xi32, #tpu.memory_space<vmem>> -> memref<64xi32, #tpu.memory_space<vmem>>
      %dma_wait3A_231 = arith.constant 0 : i32
      %dma_wait3A_232 = arith.constant 0 : i32
      %dma_wait3A_233 = tpu.memref_slice %arg13[%dma_wait3A_231, %dma_wait3A_232] : memref<10112x64xf32, #tpu.memory_space<vmem_shared>> -> memref<10112x64xf32, #tpu.memory_space<vmem_shared>>
      tpu.wait_indirect_dma semaphore(%arg20 : memref<!tpu.dma_semaphore, #tpu.memory_space<semaphore_mem>>) src(%arg10 : memref<64x64xf32, #tpu.memory_space<vmem>>) dst(%dma_wait3A_233 : memref<10112x64xf32, #tpu.memory_space<vmem_shared>>)
      %add3A_234 = arith.constant 2 : i32
      %add3A_235 = arith.addi %add3A_211, %add3A_234 : i32
      %dma_start3A_236 = arith.constant 0 : i32
      %dma_start3A_237 = tpu.memref_slice %arg6[%add3A_235, %dma_start3A_236] : memref<160x64xi32, #tpu.memory_space<vmem>> -> memref<1x64xi32, #tpu.memory_space<vmem>>
      %dma_start3A_238 = tpu.memref_squeeze %dma_start3A_237 : memref<1x64xi32, #tpu.memory_space<vmem>> -> memref<64xi32, #tpu.memory_space<vmem>>
      %dma_start3A_239 = arith.constant 0 : i32
      %dma_start3A_240 = arith.constant 0 : i32
      %dma_start3A_241 = tpu.memref_slice %arg12[%dma_start3A_239, %dma_start3A_240] : memref<10112x64xf32, #tpu.memory_space<vmem_shared>> -> memref<10112x64xf32, #tpu.memory_space<vmem_shared>>
      tpu.enqueue_indirect_dma source(%dma_start3A_241 : memref<10112x64xf32, #tpu.memory_space<vmem_shared>>) target(%arg10 : memref<64x64xf32, #tpu.memory_space<vmem>>) offsets(%dma_start3A_238 : memref<64xi32, #tpu.memory_space<vmem>>) semaphore(%arg16 : memref<!tpu.dma_semaphore, #tpu.memory_space<semaphore_mem>>)
      %add3A_242 = arith.constant 3 : i32
      %add3A_243 = arith.addi %add3A_146, %add3A_242 : i32
      %dma_wait3A_244 = arith.constant 0 : i32
      %dma_wait3A_245 = tpu.memref_slice %arg6[%add3A_243, %dma_wait3A_244] : memref<160x64xi32, #tpu.memory_space<vmem>> -> memref<1x64xi32, #tpu.memory_space<vmem>>
      %dma_wait3A_246 = tpu.memref_squeeze %dma_wait3A_245 : memref<1x64xi32, #tpu.memory_space<vmem>> -> memref<64xi32, #tpu.memory_space<vmem>>
      %dma_wait3A_247 = arith.constant 0 : i32
      %dma_wait3A_248 = arith.constant 0 : i32
      %dma_wait3A_249 = tpu.memref_slice %arg12[%dma_wait3A_247, %dma_wait3A_248] : memref<10112x64xf32, #tpu.memory_space<vmem_shared>> -> memref<10112x64xf32, #tpu.memory_space<vmem_shared>>
      tpu.wait_indirect_dma semaphore(%arg15 : memref<!tpu.dma_semaphore, #tpu.memory_space<semaphore_mem>>) src(%dma_wait3A_249 : memref<10112x64xf32, #tpu.memory_space<vmem_shared>>) dst(%arg9 : memref<64x64xf32, #tpu.memory_space<vmem>>)
      %dma_start3A_250 = arith.constant 0 : i32
      %dma_start3A_251 = tpu.memref_slice %arg7[%add3A_243, %dma_start3A_250] : memref<160x64xi32, #tpu.memory_space<vmem>> -> memref<1x64xi32, #tpu.memory_space<vmem>>
      %dma_start3A_252 = tpu.memref_squeeze %dma_start3A_251 : memref<1x64xi32, #tpu.memory_space<vmem>> -> memref<64xi32, #tpu.memory_space<vmem>>
      %dma_start3A_253 = arith.constant 0 : i32
      %dma_start3A_254 = arith.constant 0 : i32
      %dma_start3A_255 = tpu.memref_slice %arg13[%dma_start3A_253, %dma_start3A_254] : memref<10112x64xf32, #tpu.memory_space<vmem_shared>> -> memref<10112x64xf32, #tpu.memory_space<vmem_shared>>
      tpu.enqueue_indirect_dma source(%arg9 : memref<64x64xf32, #tpu.memory_space<vmem>>) target(%dma_start3A_255 : memref<10112x64xf32, #tpu.memory_space<vmem_shared>>) offsets(%dma_start3A_252 : memref<64xi32, #tpu.memory_space<vmem>>) semaphore(%arg19 : memref<!tpu.dma_semaphore, #tpu.memory_space<semaphore_mem>>) {add = true}
      %add3A_256 = arith.constant 2 : i32
      %add3A_257 = arith.addi %add3A_243, %add3A_256 : i32
      %sub3A_258 = arith.constant 4 : i32
      %sub3A_259 = arith.subi %add3A_257, %sub3A_258 : i32
      %dma_wait3A_260 = arith.constant 0 : i32
      %dma_wait3A_261 = tpu.memref_slice %arg7[%sub3A_259, %dma_wait3A_260] : memref<160x64xi32, #tpu.memory_space<vmem>> -> memref<1x64xi32, #tpu.memory_space<vmem>>
      %dma_wait3A_262 = tpu.memref_squeeze %dma_wait3A_261 : memref<1x64xi32, #tpu.memory_space<vmem>> -> memref<64xi32, #tpu.memory_space<vmem>>
      %dma_wait3A_263 = arith.constant 0 : i32
      %dma_wait3A_264 = arith.constant 0 : i32
      %dma_wait3A_265 = tpu.memref_slice %arg13[%dma_wait3A_263, %dma_wait3A_264] : memref<10112x64xf32, #tpu.memory_space<vmem_shared>> -> memref<10112x64xf32, #tpu.memory_space<vmem_shared>>
      tpu.wait_indirect_dma semaphore(%arg21 : memref<!tpu.dma_semaphore, #tpu.memory_space<semaphore_mem>>) src(%arg11 : memref<64x64xf32, #tpu.memory_space<vmem>>) dst(%dma_wait3A_265 : memref<10112x64xf32, #tpu.memory_space<vmem_shared>>)
      %add3A_266 = arith.constant 2 : i32
      %add3A_267 = arith.addi %add3A_243, %add3A_266 : i32
      %dma_start3A_268 = arith.constant 0 : i32
      %dma_start3A_269 = tpu.memref_slice %arg6[%add3A_267, %dma_start3A_268] : memref<160x64xi32, #tpu.memory_space<vmem>> -> memref<1x64xi32, #tpu.memory_space<vmem>>
      %dma_start3A_270 = tpu.memref_squeeze %dma_start3A_269 : memref<1x64xi32, #tpu.memory_space<vmem>> -> memref<64xi32, #tpu.memory_space<vmem>>
      %dma_start3A_271 = arith.constant 0 : i32
      %dma_start3A_272 = arith.constant 0 : i32
      %dma_start3A_273 = tpu.memref_slice %arg12[%dma_start3A_271, %dma_start3A_272] : memref<10112x64xf32, #tpu.memory_space<vmem_shared>> -> memref<10112x64xf32, #tpu.memory_space<vmem_shared>>
      tpu.enqueue_indirect_dma source(%dma_start3A_273 : memref<10112x64xf32, #tpu.memory_space<vmem_shared>>) target(%arg11 : memref<64x64xf32, #tpu.memory_space<vmem>>) offsets(%dma_start3A_270 : memref<64xi32, #tpu.memory_space<vmem>>) semaphore(%arg17 : memref<!tpu.dma_semaphore, #tpu.memory_space<semaphore_mem>>)
    }
    %scan3A_80 = arith.constant 39 : i32
    %dma_wait3A_81 = arith.constant 158 : i32
    %dma_wait3A_82 = arith.constant 0 : i32
    %dma_wait3A_83 = tpu.memref_slice %arg6[%dma_wait3A_81, %dma_wait3A_82] : memref<160x64xi32, #tpu.memory_space<vmem>> -> memref<1x64xi32, #tpu.memory_space<vmem>>
    %dma_wait3A_84 = tpu.memref_squeeze %dma_wait3A_83 : memref<1x64xi32, #tpu.memory_space<vmem>> -> memref<64xi32, #tpu.memory_space<vmem>>
    %dma_wait3A_85 = arith.constant 0 : i32
    %dma_wait3A_86 = arith.constant 0 : i32
    %dma_wait3A_87 = tpu.memref_slice %arg12[%dma_wait3A_85, %dma_wait3A_86] : memref<10112x64xf32, #tpu.memory_space<vmem_shared>> -> memref<10112x64xf32, #tpu.memory_space<vmem_shared>>
    tpu.wait_indirect_dma semaphore(%arg16 : memref<!tpu.dma_semaphore, #tpu.memory_space<semaphore_mem>>) src(%dma_wait3A_87 : memref<10112x64xf32, #tpu.memory_space<vmem_shared>>) dst(%arg10 : memref<64x64xf32, #tpu.memory_space<vmem>>)
    %dma_start3A_88 = arith.constant 158 : i32
    %dma_start3A_89 = arith.constant 0 : i32
    %dma_start3A_90 = tpu.memref_slice %arg7[%dma_start3A_88, %dma_start3A_89] : memref<160x64xi32, #tpu.memory_space<vmem>> -> memref<1x64xi32, #tpu.memory_space<vmem>>
    %dma_start3A_91 = tpu.memref_squeeze %dma_start3A_90 : memref<1x64xi32, #tpu.memory_space<vmem>> -> memref<64xi32, #tpu.memory_space<vmem>>
    %dma_start3A_92 = arith.constant 0 : i32
    %dma_start3A_93 = arith.constant 0 : i32
    %dma_start3A_94 = tpu.memref_slice %arg13[%dma_start3A_92, %dma_start3A_93] : memref<10112x64xf32, #tpu.memory_space<vmem_shared>> -> memref<10112x64xf32, #tpu.memory_space<vmem_shared>>
    tpu.enqueue_indirect_dma source(%arg10 : memref<64x64xf32, #tpu.memory_space<vmem>>) target(%dma_start3A_94 : memref<10112x64xf32, #tpu.memory_space<vmem_shared>>) offsets(%dma_start3A_91 : memref<64xi32, #tpu.memory_space<vmem>>) semaphore(%arg20 : memref<!tpu.dma_semaphore, #tpu.memory_space<semaphore_mem>>) {add = true}
    %dma_wait3A_95 = arith.constant 159 : i32
    %dma_wait3A_96 = arith.constant 0 : i32
    %dma_wait3A_97 = tpu.memref_slice %arg6[%dma_wait3A_95, %dma_wait3A_96] : memref<160x64xi32, #tpu.memory_space<vmem>> -> memref<1x64xi32, #tpu.memory_space<vmem>>
    %dma_wait3A_98 = tpu.memref_squeeze %dma_wait3A_97 : memref<1x64xi32, #tpu.memory_space<vmem>> -> memref<64xi32, #tpu.memory_space<vmem>>
    %dma_wait3A_99 = arith.constant 0 : i32
    %dma_wait3A_100 = arith.constant 0 : i32
    %dma_wait3A_101 = tpu.memref_slice %arg12[%dma_wait3A_99, %dma_wait3A_100] : memref<10112x64xf32, #tpu.memory_space<vmem_shared>> -> memref<10112x64xf32, #tpu.memory_space<vmem_shared>>
    tpu.wait_indirect_dma semaphore(%arg17 : memref<!tpu.dma_semaphore, #tpu.memory_space<semaphore_mem>>) src(%dma_wait3A_101 : memref<10112x64xf32, #tpu.memory_space<vmem_shared>>) dst(%arg11 : memref<64x64xf32, #tpu.memory_space<vmem>>)
    %dma_start3A_102 = arith.constant 159 : i32
    %dma_start3A_103 = arith.constant 0 : i32
    %dma_start3A_104 = tpu.memref_slice %arg7[%dma_start3A_102, %dma_start3A_103] : memref<160x64xi32, #tpu.memory_space<vmem>> -> memref<1x64xi32, #tpu.memory_space<vmem>>
    %dma_start3A_105 = tpu.memref_squeeze %dma_start3A_104 : memref<1x64xi32, #tpu.memory_space<vmem>> -> memref<64xi32, #tpu.memory_space<vmem>>
    %dma_start3A_106 = arith.constant 0 : i32
    %dma_start3A_107 = arith.constant 0 : i32
    %dma_start3A_108 = tpu.memref_slice %arg13[%dma_start3A_106, %dma_start3A_107] : memref<10112x64xf32, #tpu.memory_space<vmem_shared>> -> memref<10112x64xf32, #tpu.memory_space<vmem_shared>>
    tpu.enqueue_indirect_dma source(%arg11 : memref<64x64xf32, #tpu.memory_space<vmem>>) target(%dma_start3A_108 : memref<10112x64xf32, #tpu.memory_space<vmem_shared>>) offsets(%dma_start3A_105 : memref<64xi32, #tpu.memory_space<vmem>>) semaphore(%arg21 : memref<!tpu.dma_semaphore, #tpu.memory_space<semaphore_mem>>) {add = true}
    %dma_wait3A_109 = arith.constant 156 : i32
    %dma_wait3A_110 = arith.constant 0 : i32
    %dma_wait3A_111 = tpu.memref_slice %arg7[%dma_wait3A_109, %dma_wait3A_110] : memref<160x64xi32, #tpu.memory_space<vmem>> -> memref<1x64xi32, #tpu.memory_space<vmem>>
    %dma_wait3A_112 = tpu.memref_squeeze %dma_wait3A_111 : memref<1x64xi32, #tpu.memory_space<vmem>> -> memref<64xi32, #tpu.memory_space<vmem>>
    %dma_wait3A_113 = arith.constant 0 : i32
    %dma_wait3A_114 = arith.constant 0 : i32
    %dma_wait3A_115 = tpu.memref_slice %arg13[%dma_wait3A_113, %dma_wait3A_114] : memref<10112x64xf32, #tpu.memory_space<vmem_shared>> -> memref<10112x64xf32, #tpu.memory_space<vmem_shared>>
    tpu.wait_indirect_dma semaphore(%arg18 : memref<!tpu.dma_semaphore, #tpu.memory_space<semaphore_mem>>) src(%arg8 : memref<64x64xf32, #tpu.memory_space<vmem>>) dst(%dma_wait3A_115 : memref<10112x64xf32, #tpu.memory_space<vmem_shared>>)
    %dma_wait3A_116 = arith.constant 157 : i32
    %dma_wait3A_117 = arith.constant 0 : i32
    %dma_wait3A_118 = tpu.memref_slice %arg7[%dma_wait3A_116, %dma_wait3A_117] : memref<160x64xi32, #tpu.memory_space<vmem>> -> memref<1x64xi32, #tpu.memory_space<vmem>>
    %dma_wait3A_119 = tpu.memref_squeeze %dma_wait3A_118 : memref<1x64xi32, #tpu.memory_space<vmem>> -> memref<64xi32, #tpu.memory_space<vmem>>
    %dma_wait3A_120 = arith.constant 0 : i32
    %dma_wait3A_121 = arith.constant 0 : i32
    %dma_wait3A_122 = tpu.memref_slice %arg13[%dma_wait3A_120, %dma_wait3A_121] : memref<10112x64xf32, #tpu.memory_space<vmem_shared>> -> memref<10112x64xf32, #tpu.memory_space<vmem_shared>>
    tpu.wait_indirect_dma semaphore(%arg19 : memref<!tpu.dma_semaphore, #tpu.memory_space<semaphore_mem>>) src(%arg9 : memref<64x64xf32, #tpu.memory_space<vmem>>) dst(%dma_wait3A_122 : memref<10112x64xf32, #tpu.memory_space<vmem_shared>>)
    %dma_wait3A_123 = arith.constant 158 : i32
    %dma_wait3A_124 = arith.constant 0 : i32
    %dma_wait3A_125 = tpu.memref_slice %arg7[%dma_wait3A_123, %dma_wait3A_124] : memref<160x64xi32, #tpu.memory_space<vmem>> -> memref<1x64xi32, #tpu.memory_space<vmem>>
    %dma_wait3A_126 = tpu.memref_squeeze %dma_wait3A_125 : memref<1x64xi32, #tpu.memory_space<vmem>> -> memref<64xi32, #tpu.memory_space<vmem>>
    %dma_wait3A_127 = arith.constant 0 : i32
    %dma_wait3A_128 = arith.constant 0 : i32
    %dma_wait3A_129 = tpu.memref_slice %arg13[%dma_wait3A_127, %dma_wait3A_128] : memref<10112x64xf32, #tpu.memory_space<vmem_shared>> -> memref<10112x64xf32, #tpu.memory_space<vmem_shared>>
    tpu.wait_indirect_dma semaphore(%arg20 : memref<!tpu.dma_semaphore, #tpu.memory_space<semaphore_mem>>) src(%arg10 : memref<64x64xf32, #tpu.memory_space<vmem>>) dst(%dma_wait3A_129 : memref<10112x64xf32, #tpu.memory_space<vmem_shared>>)
    %dma_wait3A_130 = arith.constant 159 : i32
    %dma_wait3A_131 = arith.constant 0 : i32
    %dma_wait3A_132 = tpu.memref_slice %arg7[%dma_wait3A_130, %dma_wait3A_131] : memref<160x64xi32, #tpu.memory_space<vmem>> -> memref<1x64xi32, #tpu.memory_space<vmem>>
    %dma_wait3A_133 = tpu.memref_squeeze %dma_wait3A_132 : memref<1x64xi32, #tpu.memory_space<vmem>> -> memref<64xi32, #tpu.memory_space<vmem>>
    %dma_wait3A_134 = arith.constant 0 : i32
    %dma_wait3A_135 = arith.constant 0 : i32
    %dma_wait3A_136 = tpu.memref_slice %arg13[%dma_wait3A_134, %dma_wait3A_135] : memref<10112x64xf32, #tpu.memory_space<vmem_shared>> -> memref<10112x64xf32, #tpu.memory_space<vmem_shared>>
    tpu.wait_indirect_dma semaphore(%arg21 : memref<!tpu.dma_semaphore, #tpu.memory_space<semaphore_mem>>) src(%arg11 : memref<64x64xf32, #tpu.memory_space<vmem>>) dst(%dma_wait3A_136 : memref<10112x64xf32, #tpu.memory_space<vmem_shared>>)
    %barrier3A_137 = arith.constant 0 : index
    tpu.barrier barrier_id(%barrier3A_137)
    %mul3A_138 = arith.constant 632 : i32
    %mul3A_139 = arith.muli %arg1, %mul3A_138 : i32
    %mul3A_140 = arith.constant 632 : i32
    %mul3A_141 = arith.muli %arg1, %mul3A_140 : i32
    %run_scoped3A = arith.constant 0 : i32
    "tpu.region"() ({
      %run_scoped3A_142 = tpu.sem_alloc : memref<!tpu.dma_semaphore, #tpu.memory_space<semaphore_mem>>
      %dma_start3A_143 = arith.constant 0 : i32
      %dma_start3A_144 = tpu.memref_slice %arg5[%arg0, %run_scoped3A, %mul3A_141, %dma_start3A_143] : memref<2x1x10112x64xf32, #tpu.memory_space<hbm>> -> memref<1x1x632x64xf32, #tpu.memory_space<hbm>>
      %dma_start3A_145 = tpu.memref_squeeze %dma_start3A_144 : memref<1x1x632x64xf32, #tpu.memory_space<hbm>> -> memref<632x64xf32, #tpu.memory_space<hbm>>
      %dma_start3A_146 = arith.constant 0 : i32
      %dma_start3A_147 = tpu.memref_slice %arg13[%mul3A_139, %dma_start3A_146] : memref<10112x64xf32, #tpu.memory_space<vmem_shared>> -> memref<632x64xf32, #tpu.memory_space<vmem_shared>>
      tpu.enqueue_dma source(%dma_start3A_147 : memref<632x64xf32, #tpu.memory_space<vmem_shared>>) target(%dma_start3A_145 : memref<632x64xf32, #tpu.memory_space<hbm>>) target_semaphore(%run_scoped3A_142 : memref<!tpu.dma_semaphore, #tpu.memory_space<semaphore_mem>>)
      %dma_wait3A_148 = arith.constant 0 : i32
      %dma_wait3A_149 = tpu.memref_slice %arg5[%arg0, %run_scoped3A, %mul3A_141, %dma_wait3A_148] : memref<2x1x10112x64xf32, #tpu.memory_space<hbm>> -> memref<1x1x632x64xf32, #tpu.memory_space<hbm>>
      %dma_wait3A_150 = tpu.memref_squeeze %dma_wait3A_149 : memref<1x1x632x64xf32, #tpu.memory_space<hbm>> -> memref<632x64xf32, #tpu.memory_space<hbm>>
      %dma_wait3A_151 = arith.constant 0 : i32
      %dma_wait3A_152 = tpu.memref_slice %arg13[%mul3A_139, %dma_wait3A_151] : memref<10112x64xf32, #tpu.memory_space<vmem_shared>> -> memref<632x64xf32, #tpu.memory_space<vmem_shared>>
      tpu.wait_dma2 semaphore(%run_scoped3A_142 : memref<!tpu.dma_semaphore, #tpu.memory_space<semaphore_mem>>) src(%dma_wait3A_152 : memref<632x64xf32, #tpu.memory_space<vmem_shared>>) dst(%dma_wait3A_150 : memref<632x64xf32, #tpu.memory_space<hbm>>)
      tpu.yield
    }) : () -> ()
    return
  }
}

#map = affine_map<(d0, d1) -> (0, 0)>
#map1 = affine_map<(d0, d1) -> (0, 0, 0)>
#map2 = affine_map<(d0, d1) -> (0, 0, 0, 0)>
module attributes {stable_mosaic.version = 14 : i64} {
  func.func @body(%arg0: i32, %arg1: i32, %arg2: memref<10112x64xf32, #tpu.memory_space<hbm>>, %arg3: memref<10112x64xf32, #tpu.memory_space<hbm>>, %arg4: memref<32x160x64xi32, #tpu.memory_space<hbm>>, %arg5: memref<32x160x64xi32, #tpu.memory_space<hbm>>, %arg6: memref<2x2x10112x64xf32, #tpu.memory_space<hbm>>, %arg7: memref<160x64xi32, #tpu.memory_space<vmem>>, %arg8: memref<160x64xi32, #tpu.memory_space<vmem>>, %arg9: memref<64x64xf32, #tpu.memory_space<vmem>>, %arg10: memref<64x64xf32, #tpu.memory_space<vmem>>, %arg11: memref<64x64xf32, #tpu.memory_space<vmem>>, %arg12: memref<64x64xf32, #tpu.memory_space<vmem>>, %arg13: memref<10112x64xf32, #tpu.memory_space<vmem_shared>>, %arg14: memref<10112x64xf32, #tpu.memory_space<vmem_shared>>, %arg15: memref<!tpu.dma_semaphore, #tpu.memory_space<semaphore_mem>>, %arg16: memref<!tpu.dma_semaphore, #tpu.memory_space<semaphore_mem>>, %arg17: memref<!tpu.dma_semaphore, #tpu.memory_space<semaphore_mem>>, %arg18: memref<!tpu.dma_semaphore, #tpu.memory_space<semaphore_mem>>, %arg19: memref<!tpu.dma_semaphore, #tpu.memory_space<semaphore_mem>>, %arg20: memref<!tpu.dma_semaphore, #tpu.memory_space<semaphore_mem>>, %arg21: memref<!tpu.dma_semaphore, #tpu.memory_space<semaphore_mem>>, %arg22: memref<!tpu.dma_semaphore, #tpu.memory_space<semaphore_mem>>) attributes {dimension_semantics = [#tpu.dimension_semantics<core_parallel>, #tpu.dimension_semantics<subcore_parallel>], iteration_bounds = array<i64: 2, 16>, scalar_prefetch = 0 : i64, scratch_operands = 16 : i64, tpu.core_type = #tpu.core_type<sc_vector_subcore>, window_params = [{transform_indices = #map}, {transform_indices = #map}, {transform_indices = #map1}, {transform_indices = #map1}, {transform_indices = #map2}]} {
    %mul3A = arith.constant 16 : i32
    %mul3A_0 = arith.muli %arg0, %mul3A : i32
    %add3A = arith.addi %mul3A_0, %arg1 : i32
    "tpu.region"() ({
      %run_scoped3A_290 = tpu.sem_alloc : memref<!tpu.dma_semaphore, #tpu.memory_space<semaphore_mem>>
      %dma_start3A_291 = arith.constant 0 : i32
      %dma_start3A_292 = arith.constant 0 : i32
      %dma_start3A_293 = tpu.memref_slice %arg4[%add3A, %dma_start3A_291, %dma_start3A_292] : memref<32x160x64xi32, #tpu.memory_space<hbm>> -> memref<1x160x64xi32, #tpu.memory_space<hbm>>
      %dma_start3A_294 = tpu.memref_squeeze %dma_start3A_293 : memref<1x160x64xi32, #tpu.memory_space<hbm>> -> memref<160x64xi32, #tpu.memory_space<hbm>>
      %dma_start3A_295 = arith.constant 0 : i32
      %dma_start3A_296 = arith.constant 0 : i32
      %dma_start3A_297 = tpu.memref_slice %arg4[%add3A, %dma_start3A_295, %dma_start3A_296] : memref<32x160x64xi32, #tpu.memory_space<hbm>> -> memref<1x160x64xi32, #tpu.memory_space<hbm>>
      %dma_start3A_298 = tpu.memref_squeeze %dma_start3A_297 : memref<1x160x64xi32, #tpu.memory_space<hbm>> -> memref<160x64xi32, #tpu.memory_space<hbm>>
      tpu.enqueue_dma source(%dma_start3A_298 : memref<160x64xi32, #tpu.memory_space<hbm>>) target(%arg7 : memref<160x64xi32, #tpu.memory_space<vmem>>) target_semaphore(%run_scoped3A_290 : memref<!tpu.dma_semaphore, #tpu.memory_space<semaphore_mem>>)
      %dma_wait3A_299 = arith.constant 0 : i32
      %dma_wait3A_300 = arith.constant 0 : i32
      %dma_wait3A_301 = tpu.memref_slice %arg4[%add3A, %dma_wait3A_299, %dma_wait3A_300] : memref<32x160x64xi32, #tpu.memory_space<hbm>> -> memref<1x160x64xi32, #tpu.memory_space<hbm>>
      %dma_wait3A_302 = tpu.memref_squeeze %dma_wait3A_301 : memref<1x160x64xi32, #tpu.memory_space<hbm>> -> memref<160x64xi32, #tpu.memory_space<hbm>>
      %dma_wait3A_303 = arith.constant 0 : i32
      %dma_wait3A_304 = arith.constant 0 : i32
      %dma_wait3A_305 = tpu.memref_slice %arg4[%add3A, %dma_wait3A_303, %dma_wait3A_304] : memref<32x160x64xi32, #tpu.memory_space<hbm>> -> memref<1x160x64xi32, #tpu.memory_space<hbm>>
      %dma_wait3A_306 = tpu.memref_squeeze %dma_wait3A_305 : memref<1x160x64xi32, #tpu.memory_space<hbm>> -> memref<160x64xi32, #tpu.memory_space<hbm>>
      tpu.wait_dma2 semaphore(%run_scoped3A_290 : memref<!tpu.dma_semaphore, #tpu.memory_space<semaphore_mem>>) src(%dma_wait3A_306 : memref<160x64xi32, #tpu.memory_space<hbm>>) dst(%arg7 : memref<160x64xi32, #tpu.memory_space<vmem>>)
      tpu.yield
    }) : () -> ()
    "tpu.region"() ({
      %run_scoped3A_290 = tpu.sem_alloc : memref<!tpu.dma_semaphore, #tpu.memory_space<semaphore_mem>>
      %dma_start3A_291 = arith.constant 0 : i32
      %dma_start3A_292 = arith.constant 0 : i32
      %dma_start3A_293 = tpu.memref_slice %arg5[%add3A, %dma_start3A_291, %dma_start3A_292] : memref<32x160x64xi32, #tpu.memory_space<hbm>> -> memref<1x160x64xi32, #tpu.memory_space<hbm>>
      %dma_start3A_294 = tpu.memref_squeeze %dma_start3A_293 : memref<1x160x64xi32, #tpu.memory_space<hbm>> -> memref<160x64xi32, #tpu.memory_space<hbm>>
      %dma_start3A_295 = arith.constant 0 : i32
      %dma_start3A_296 = arith.constant 0 : i32
      %dma_start3A_297 = tpu.memref_slice %arg5[%add3A, %dma_start3A_295, %dma_start3A_296] : memref<32x160x64xi32, #tpu.memory_space<hbm>> -> memref<1x160x64xi32, #tpu.memory_space<hbm>>
      %dma_start3A_298 = tpu.memref_squeeze %dma_start3A_297 : memref<1x160x64xi32, #tpu.memory_space<hbm>> -> memref<160x64xi32, #tpu.memory_space<hbm>>
      tpu.enqueue_dma source(%dma_start3A_298 : memref<160x64xi32, #tpu.memory_space<hbm>>) target(%arg8 : memref<160x64xi32, #tpu.memory_space<vmem>>) target_semaphore(%run_scoped3A_290 : memref<!tpu.dma_semaphore, #tpu.memory_space<semaphore_mem>>)
      %dma_wait3A_299 = arith.constant 0 : i32
      %dma_wait3A_300 = arith.constant 0 : i32
      %dma_wait3A_301 = tpu.memref_slice %arg5[%add3A, %dma_wait3A_299, %dma_wait3A_300] : memref<32x160x64xi32, #tpu.memory_space<hbm>> -> memref<1x160x64xi32, #tpu.memory_space<hbm>>
      %dma_wait3A_302 = tpu.memref_squeeze %dma_wait3A_301 : memref<1x160x64xi32, #tpu.memory_space<hbm>> -> memref<160x64xi32, #tpu.memory_space<hbm>>
      %dma_wait3A_303 = arith.constant 0 : i32
      %dma_wait3A_304 = arith.constant 0 : i32
      %dma_wait3A_305 = tpu.memref_slice %arg5[%add3A, %dma_wait3A_303, %dma_wait3A_304] : memref<32x160x64xi32, #tpu.memory_space<hbm>> -> memref<1x160x64xi32, #tpu.memory_space<hbm>>
      %dma_wait3A_306 = tpu.memref_squeeze %dma_wait3A_305 : memref<1x160x64xi32, #tpu.memory_space<hbm>> -> memref<160x64xi32, #tpu.memory_space<hbm>>
      tpu.wait_dma2 semaphore(%run_scoped3A_290 : memref<!tpu.dma_semaphore, #tpu.memory_space<semaphore_mem>>) src(%dma_wait3A_306 : memref<160x64xi32, #tpu.memory_space<hbm>>) dst(%arg8 : memref<160x64xi32, #tpu.memory_space<vmem>>)
      tpu.yield
    }) : () -> ()
    %broadcast_in_dim3A = arith.constant 0.000000e+00 : f32
    %broadcast_in_dim3A_1 = vector.broadcast %broadcast_in_dim3A : f32 to vector<16xf32>
    %scan3A = arith.constant 0 : i32
    %scan3A_2 = arith.constant 0 : i32
    %scan3A_3 = arith.constant 64 : i32
    %scan3A_4 = arith.addi %scan3A_2, %scan3A_3 : i32
    %scan3A_5 = arith.constant 1 : i32
    scf.for %scan3A_290 = %scan3A_2 to %scan3A_4 step %scan3A_5  : i32 {
      %swap3A = arith.index_cast %scan3A_290 : i32 to index
      %swap3A_291 = arith.constant 0 : index
      %swap3A_292 = tpu.vector_load %arg9[%swap3A, %swap3A_291] {strides = array<i32>} : memref<64x64xf32, #tpu.memory_space<vmem>>, vector<1x16xf32>,
      %swap3A_293 = vector.shape_cast %swap3A_292 : vector<1x16xf32> to vector<16xf32>
      %swap3A_294 = vector.shape_cast %broadcast_in_dim3A_1 : vector<16xf32> to vector<1x16xf32>
      tpu.vector_store %arg9[%swap3A, %swap3A_291], %swap3A_294 {strides = array<i32>} : memref<64x64xf32, #tpu.memory_space<vmem>>, vector<1x16xf32>,
      %swap3A_295 = arith.index_cast %scan3A_290 : i32 to index
      %swap3A_296 = arith.constant 16 : index
      %swap3A_297 = tpu.vector_load %arg9[%swap3A_295, %swap3A_296] {strides = array<i32>} : memref<64x64xf32, #tpu.memory_space<vmem>>, vector<1x16xf32>,
      %swap3A_298 = vector.shape_cast %swap3A_297 : vector<1x16xf32> to vector<16xf32>
      %swap3A_299 = vector.shape_cast %broadcast_in_dim3A_1 : vector<16xf32> to vector<1x16xf32>
      tpu.vector_store %arg9[%swap3A_295, %swap3A_296], %swap3A_299 {strides = array<i32>} : memref<64x64xf32, #tpu.memory_space<vmem>>, vector<1x16xf32>,
      %swap3A_300 = arith.index_cast %scan3A_290 : i32 to index
      %swap3A_301 = arith.constant 32 : index
      %swap3A_302 = tpu.vector_load %arg9[%swap3A_300, %swap3A_301] {strides = array<i32>} : memref<64x64xf32, #tpu.memory_space<vmem>>, vector<1x16xf32>,
      %swap3A_303 = vector.shape_cast %swap3A_302 : vector<1x16xf32> to vector<16xf32>
      %swap3A_304 = vector.shape_cast %broadcast_in_dim3A_1 : vector<16xf32> to vector<1x16xf32>
      tpu.vector_store %arg9[%swap3A_300, %swap3A_301], %swap3A_304 {strides = array<i32>} : memref<64x64xf32, #tpu.memory_space<vmem>>, vector<1x16xf32>,
      %swap3A_305 = arith.index_cast %scan3A_290 : i32 to index
      %swap3A_306 = arith.constant 48 : index
      %swap3A_307 = tpu.vector_load %arg9[%swap3A_305, %swap3A_306] {strides = array<i32>} : memref<64x64xf32, #tpu.memory_space<vmem>>, vector<1x16xf32>,
      %swap3A_308 = vector.shape_cast %swap3A_307 : vector<1x16xf32> to vector<16xf32>
      %swap3A_309 = vector.shape_cast %broadcast_in_dim3A_1 : vector<16xf32> to vector<1x16xf32>
      tpu.vector_store %arg9[%swap3A_305, %swap3A_306], %swap3A_309 {strides = array<i32>} : memref<64x64xf32, #tpu.memory_space<vmem>>, vector<1x16xf32>,
    }
    %scan3A_6 = arith.constant 64 : i32
    %mul3A_7 = arith.constant 632 : i32
    %mul3A_8 = arith.muli %arg1, %mul3A_7 : i32
    %mul3A_9 = arith.constant 632 : i32
    %mul3A_10 = arith.muli %arg1, %mul3A_9 : i32
    "tpu.region"() ({
      %run_scoped3A_290 = tpu.sem_alloc : memref<!tpu.dma_semaphore, #tpu.memory_space<semaphore_mem>>
      %dma_start3A_291 = arith.constant 0 : i32
      %dma_start3A_292 = tpu.memref_slice %arg13[%mul3A_10, %dma_start3A_291] : memref<10112x64xf32, #tpu.memory_space<vmem_shared>> -> memref<632x64xf32, #tpu.memory_space<vmem_shared>>
      %dma_start3A_293 = arith.constant 0 : i32
      %dma_start3A_294 = tpu.memref_slice %arg2[%mul3A_8, %dma_start3A_293] : memref<10112x64xf32, #tpu.memory_space<hbm>> -> memref<632x64xf32, #tpu.memory_space<hbm>>
      tpu.enqueue_dma source(%dma_start3A_294 : memref<632x64xf32, #tpu.memory_space<hbm>>) target(%dma_start3A_292 : memref<632x64xf32, #tpu.memory_space<vmem_shared>>) target_semaphore(%run_scoped3A_290 : memref<!tpu.dma_semaphore, #tpu.memory_space<semaphore_mem>>)
      %dma_wait3A_295 = arith.constant 0 : i32
      %dma_wait3A_296 = tpu.memref_slice %arg13[%mul3A_10, %dma_wait3A_295] : memref<10112x64xf32, #tpu.memory_space<vmem_shared>> -> memref<632x64xf32, #tpu.memory_space<vmem_shared>>
      %dma_wait3A_297 = arith.constant 0 : i32
      %dma_wait3A_298 = tpu.memref_slice %arg2[%mul3A_8, %dma_wait3A_297] : memref<10112x64xf32, #tpu.memory_space<hbm>> -> memref<632x64xf32, #tpu.memory_space<hbm>>
      tpu.wait_dma2 semaphore(%run_scoped3A_290 : memref<!tpu.dma_semaphore, #tpu.memory_space<semaphore_mem>>) src(%dma_wait3A_298 : memref<632x64xf32, #tpu.memory_space<hbm>>) dst(%dma_wait3A_296 : memref<632x64xf32, #tpu.memory_space<vmem_shared>>)
      tpu.yield
    }) : () -> ()
    %scan3A_11 = arith.constant 0 : i32
    %scan3A_12 = arith.constant 0 : i32
    %scan3A_13 = arith.constant 9 : i32
    %scan3A_14 = arith.addi %scan3A_12, %scan3A_13 : i32
    %scan3A_15 = arith.constant 1 : i32
    scf.for %scan3A_290 = %scan3A_12 to %scan3A_14 step %scan3A_15  : i32 {
      %mul3A_291 = arith.constant 632 : i32
      %mul3A_292 = arith.muli %arg1, %mul3A_291 : i32
      %mul3A_293 = arith.constant 64 : i32
      %mul3A_294 = arith.muli %scan3A_290, %mul3A_293 : i32
      %add3A_295 = arith.addi %mul3A_292, %mul3A_294 : i32
      "tpu.region"() ({
        %run_scoped3A_296 = tpu.sem_alloc : memref<!tpu.dma_semaphore, #tpu.memory_space<semaphore_mem>>
        %dma_start3A_297 = arith.constant 0 : i32
        %dma_start3A_298 = tpu.memref_slice %arg14[%add3A_295, %dma_start3A_297] : memref<10112x64xf32, #tpu.memory_space<vmem_shared>> -> memref<64x64xf32, #tpu.memory_space<vmem_shared>>
        %dma_start3A_299 = arith.constant 0 : i32
        %dma_start3A_300 = tpu.memref_slice %arg14[%add3A_295, %dma_start3A_299] : memref<10112x64xf32, #tpu.memory_space<vmem_shared>> -> memref<64x64xf32, #tpu.memory_space<vmem_shared>>
        tpu.enqueue_dma source(%arg9 : memref<64x64xf32, #tpu.memory_space<vmem>>) target(%dma_start3A_300 : memref<64x64xf32, #tpu.memory_space<vmem_shared>>) target_semaphore(%run_scoped3A_296 : memref<!tpu.dma_semaphore, #tpu.memory_space<semaphore_mem>>)
        %dma_wait3A_301 = arith.constant 0 : i32
        %dma_wait3A_302 = tpu.memref_slice %arg14[%add3A_295, %dma_wait3A_301] : memref<10112x64xf32, #tpu.memory_space<vmem_shared>> -> memref<64x64xf32, #tpu.memory_space<vmem_shared>>
        %dma_wait3A_303 = arith.constant 0 : i32
        %dma_wait3A_304 = tpu.memref_slice %arg14[%add3A_295, %dma_wait3A_303] : memref<10112x64xf32, #tpu.memory_space<vmem_shared>> -> memref<64x64xf32, #tpu.memory_space<vmem_shared>>
        tpu.wait_dma2 semaphore(%run_scoped3A_296 : memref<!tpu.dma_semaphore, #tpu.memory_space<semaphore_mem>>) src(%arg9 : memref<64x64xf32, #tpu.memory_space<vmem>>) dst(%dma_wait3A_304 : memref<64x64xf32, #tpu.memory_space<vmem_shared>>)
        tpu.yield
      }) : () -> ()
    }
    %scan3A_16 = arith.constant 9 : i32
    %mul3A_17 = arith.constant 632 : i32
    %mul3A_18 = arith.muli %arg1, %mul3A_17 : i32
    %add3A_19 = arith.constant 576 : i32
    %add3A_20 = arith.addi %mul3A_18, %add3A_19 : i32
    "tpu.region"() ({
      %run_scoped3A_290 = tpu.sem_alloc : memref<!tpu.dma_semaphore, #tpu.memory_space<semaphore_mem>>
      %dma_start3A_291 = arith.constant 0 : i32
      %dma_start3A_292 = arith.constant 0 : i32
      %dma_start3A_293 = tpu.memref_slice %arg9[%dma_start3A_291, %dma_start3A_292] : memref<64x64xf32, #tpu.memory_space<vmem>> -> memref<56x64xf32, #tpu.memory_space<vmem>>
      %dma_start3A_294 = arith.constant 0 : i32
      %dma_start3A_295 = tpu.memref_slice %arg14[%add3A_20, %dma_start3A_294] : memref<10112x64xf32, #tpu.memory_space<vmem_shared>> -> memref<56x64xf32, #tpu.memory_space<vmem_shared>>
      %dma_start3A_296 = arith.constant 0 : i32
      %dma_start3A_297 = tpu.memref_slice %arg14[%add3A_20, %dma_start3A_296] : memref<10112x64xf32, #tpu.memory_space<vmem_shared>> -> memref<56x64xf32, #tpu.memory_space<vmem_shared>>
      %dma_start3A_298 = arith.constant 0 : i32
      %dma_start3A_299 = arith.constant 0 : i32
      %dma_start3A_300 = tpu.memref_slice %arg9[%dma_start3A_298, %dma_start3A_299] : memref<64x64xf32, #tpu.memory_space<vmem>> -> memref<56x64xf32, #tpu.memory_space<vmem>>
      tpu.enqueue_dma source(%dma_start3A_300 : memref<56x64xf32, #tpu.memory_space<vmem>>) target(%dma_start3A_297 : memref<56x64xf32, #tpu.memory_space<vmem_shared>>) target_semaphore(%run_scoped3A_290 : memref<!tpu.dma_semaphore, #tpu.memory_space<semaphore_mem>>)
      %dma_wait3A_301 = arith.constant 0 : i32
      %dma_wait3A_302 = arith.constant 0 : i32
      %dma_wait3A_303 = tpu.memref_slice %arg9[%dma_wait3A_301, %dma_wait3A_302] : memref<64x64xf32, #tpu.memory_space<vmem>> -> memref<56x64xf32, #tpu.memory_space<vmem>>
      %dma_wait3A_304 = arith.constant 0 : i32
      %dma_wait3A_305 = tpu.memref_slice %arg14[%add3A_20, %dma_wait3A_304] : memref<10112x64xf32, #tpu.memory_space<vmem_shared>> -> memref<56x64xf32, #tpu.memory_space<vmem_shared>>
      %dma_wait3A_306 = arith.constant 0 : i32
      %dma_wait3A_307 = tpu.memref_slice %arg14[%add3A_20, %dma_wait3A_306] : memref<10112x64xf32, #tpu.memory_space<vmem_shared>> -> memref<56x64xf32, #tpu.memory_space<vmem_shared>>
      %dma_wait3A_308 = arith.constant 0 : i32
      %dma_wait3A_309 = arith.constant 0 : i32
      %dma_wait3A_310 = tpu.memref_slice %arg9[%dma_wait3A_308, %dma_wait3A_309] : memref<64x64xf32, #tpu.memory_space<vmem>> -> memref<56x64xf32, #tpu.memory_space<vmem>>
      tpu.wait_dma2 semaphore(%run_scoped3A_290 : memref<!tpu.dma_semaphore, #tpu.memory_space<semaphore_mem>>) src(%dma_wait3A_310 : memref<56x64xf32, #tpu.memory_space<vmem>>) dst(%dma_wait3A_307 : memref<56x64xf32, #tpu.memory_space<vmem_shared>>)
      tpu.yield
    }) : () -> ()
    %barrier3A = arith.constant 0 : index
    tpu.barrier barrier_id(%barrier3A)
    %dma_start3A = arith.constant 0 : i32
    %dma_start3A_21 = arith.constant 0 : i32
    %dma_start3A_22 = tpu.memref_slice %arg7[%dma_start3A, %dma_start3A_21] : memref<160x64xi32, #tpu.memory_space<vmem>> -> memref<1x64xi32, #tpu.memory_space<vmem>>
    %dma_start3A_23 = tpu.memref_squeeze %dma_start3A_22 : memref<1x64xi32, #tpu.memory_space<vmem>> -> memref<64xi32, #tpu.memory_space<vmem>>
    %dma_start3A_24 = arith.constant 0 : i32
    %dma_start3A_25 = arith.constant 0 : i32
    %dma_start3A_26 = tpu.memref_slice %arg13[%dma_start3A_24, %dma_start3A_25] : memref<10112x64xf32, #tpu.memory_space<vmem_shared>> -> memref<10112x64xf32, #tpu.memory_space<vmem_shared>>
    tpu.enqueue_indirect_dma source(%dma_start3A_26 : memref<10112x64xf32, #tpu.memory_space<vmem_shared>>) target(%arg9 : memref<64x64xf32, #tpu.memory_space<vmem>>) offsets(%dma_start3A_23 : memref<64xi32, #tpu.memory_space<vmem>>) semaphore(%arg15 : memref<!tpu.dma_semaphore, #tpu.memory_space<semaphore_mem>>)
    %dma_start3A_27 = arith.constant 1 : i32
    %dma_start3A_28 = arith.constant 0 : i32
    %dma_start3A_29 = tpu.memref_slice %arg7[%dma_start3A_27, %dma_start3A_28] : memref<160x64xi32, #tpu.memory_space<vmem>> -> memref<1x64xi32, #tpu.memory_space<vmem>>
    %dma_start3A_30 = tpu.memref_squeeze %dma_start3A_29 : memref<1x64xi32, #tpu.memory_space<vmem>> -> memref<64xi32, #tpu.memory_space<vmem>>
    %dma_start3A_31 = arith.constant 0 : i32
    %dma_start3A_32 = arith.constant 0 : i32
    %dma_start3A_33 = tpu.memref_slice %arg13[%dma_start3A_31, %dma_start3A_32] : memref<10112x64xf32, #tpu.memory_space<vmem_shared>> -> memref<10112x64xf32, #tpu.memory_space<vmem_shared>>
    tpu.enqueue_indirect_dma source(%dma_start3A_33 : memref<10112x64xf32, #tpu.memory_space<vmem_shared>>) target(%arg10 : memref<64x64xf32, #tpu.memory_space<vmem>>) offsets(%dma_start3A_30 : memref<64xi32, #tpu.memory_space<vmem>>) semaphore(%arg16 : memref<!tpu.dma_semaphore, #tpu.memory_space<semaphore_mem>>)
    %dma_wait3A = arith.constant 0 : i32
    %dma_wait3A_34 = arith.constant 0 : i32
    %dma_wait3A_35 = tpu.memref_slice %arg7[%dma_wait3A, %dma_wait3A_34] : memref<160x64xi32, #tpu.memory_space<vmem>> -> memref<1x64xi32, #tpu.memory_space<vmem>>
    %dma_wait3A_36 = tpu.memref_squeeze %dma_wait3A_35 : memref<1x64xi32, #tpu.memory_space<vmem>> -> memref<64xi32, #tpu.memory_space<vmem>>
    %dma_wait3A_37 = arith.constant 0 : i32
    %dma_wait3A_38 = arith.constant 0 : i32
    %dma_wait3A_39 = tpu.memref_slice %arg13[%dma_wait3A_37, %dma_wait3A_38] : memref<10112x64xf32, #tpu.memory_space<vmem_shared>> -> memref<10112x64xf32, #tpu.memory_space<vmem_shared>>
    tpu.wait_indirect_dma semaphore(%arg15 : memref<!tpu.dma_semaphore, #tpu.memory_space<semaphore_mem>>) src(%dma_wait3A_39 : memref<10112x64xf32, #tpu.memory_space<vmem_shared>>) dst(%arg9 : memref<64x64xf32, #tpu.memory_space<vmem>>)
    %dma_start3A_40 = arith.constant 0 : i32
    %dma_start3A_41 = arith.constant 0 : i32
    %dma_start3A_42 = tpu.memref_slice %arg8[%dma_start3A_40, %dma_start3A_41] : memref<160x64xi32, #tpu.memory_space<vmem>> -> memref<1x64xi32, #tpu.memory_space<vmem>>
    %dma_start3A_43 = tpu.memref_squeeze %dma_start3A_42 : memref<1x64xi32, #tpu.memory_space<vmem>> -> memref<64xi32, #tpu.memory_space<vmem>>
    %dma_start3A_44 = arith.constant 0 : i32
    %dma_start3A_45 = arith.constant 0 : i32
    %dma_start3A_46 = tpu.memref_slice %arg14[%dma_start3A_44, %dma_start3A_45] : memref<10112x64xf32, #tpu.memory_space<vmem_shared>> -> memref<10112x64xf32, #tpu.memory_space<vmem_shared>>
    tpu.enqueue_indirect_dma source(%arg9 : memref<64x64xf32, #tpu.memory_space<vmem>>) target(%dma_start3A_46 : memref<10112x64xf32, #tpu.memory_space<vmem_shared>>) offsets(%dma_start3A_43 : memref<64xi32, #tpu.memory_space<vmem>>) semaphore(%arg19 : memref<!tpu.dma_semaphore, #tpu.memory_space<semaphore_mem>>) {add = true}
    %dma_start3A_47 = arith.constant 2 : i32
    %dma_start3A_48 = arith.constant 0 : i32
    %dma_start3A_49 = tpu.memref_slice %arg7[%dma_start3A_47, %dma_start3A_48] : memref<160x64xi32, #tpu.memory_space<vmem>> -> memref<1x64xi32, #tpu.memory_space<vmem>>
    %dma_start3A_50 = tpu.memref_squeeze %dma_start3A_49 : memref<1x64xi32, #tpu.memory_space<vmem>> -> memref<64xi32, #tpu.memory_space<vmem>>
    %dma_start3A_51 = arith.constant 0 : i32
    %dma_start3A_52 = arith.constant 0 : i32
    %dma_start3A_53 = tpu.memref_slice %arg13[%dma_start3A_51, %dma_start3A_52] : memref<10112x64xf32, #tpu.memory_space<vmem_shared>> -> memref<10112x64xf32, #tpu.memory_space<vmem_shared>>
    tpu.enqueue_indirect_dma source(%dma_start3A_53 : memref<10112x64xf32, #tpu.memory_space<vmem_shared>>) target(%arg11 : memref<64x64xf32, #tpu.memory_space<vmem>>) offsets(%dma_start3A_50 : memref<64xi32, #tpu.memory_space<vmem>>) semaphore(%arg17 : memref<!tpu.dma_semaphore, #tpu.memory_space<semaphore_mem>>)
    %dma_wait3A_54 = arith.constant 1 : i32
    %dma_wait3A_55 = arith.constant 0 : i32
    %dma_wait3A_56 = tpu.memref_slice %arg7[%dma_wait3A_54, %dma_wait3A_55] : memref<160x64xi32, #tpu.memory_space<vmem>> -> memref<1x64xi32, #tpu.memory_space<vmem>>
    %dma_wait3A_57 = tpu.memref_squeeze %dma_wait3A_56 : memref<1x64xi32, #tpu.memory_space<vmem>> -> memref<64xi32, #tpu.memory_space<vmem>>
    %dma_wait3A_58 = arith.constant 0 : i32
    %dma_wait3A_59 = arith.constant 0 : i32
    %dma_wait3A_60 = tpu.memref_slice %arg13[%dma_wait3A_58, %dma_wait3A_59] : memref<10112x64xf32, #tpu.memory_space<vmem_shared>> -> memref<10112x64xf32, #tpu.memory_space<vmem_shared>>
    tpu.wait_indirect_dma semaphore(%arg16 : memref<!tpu.dma_semaphore, #tpu.memory_space<semaphore_mem>>) src(%dma_wait3A_60 : memref<10112x64xf32, #tpu.memory_space<vmem_shared>>) dst(%arg10 : memref<64x64xf32, #tpu.memory_space<vmem>>)
    %dma_start3A_61 = arith.constant 1 : i32
    %dma_start3A_62 = arith.constant 0 : i32
    %dma_start3A_63 = tpu.memref_slice %arg8[%dma_start3A_61, %dma_start3A_62] : memref<160x64xi32, #tpu.memory_space<vmem>> -> memref<1x64xi32, #tpu.memory_space<vmem>>
    %dma_start3A_64 = tpu.memref_squeeze %dma_start3A_63 : memref<1x64xi32, #tpu.memory_space<vmem>> -> memref<64xi32, #tpu.memory_space<vmem>>
    %dma_start3A_65 = arith.constant 0 : i32
    %dma_start3A_66 = arith.constant 0 : i32
    %dma_start3A_67 = tpu.memref_slice %arg14[%dma_start3A_65, %dma_start3A_66] : memref<10112x64xf32, #tpu.memory_space<vmem_shared>> -> memref<10112x64xf32, #tpu.memory_space<vmem_shared>>
    tpu.enqueue_indirect_dma source(%arg10 : memref<64x64xf32, #tpu.memory_space<vmem>>) target(%dma_start3A_67 : memref<10112x64xf32, #tpu.memory_space<vmem_shared>>) offsets(%dma_start3A_64 : memref<64xi32, #tpu.memory_space<vmem>>) semaphore(%arg20 : memref<!tpu.dma_semaphore, #tpu.memory_space<semaphore_mem>>) {add = true}
    %dma_start3A_68 = arith.constant 3 : i32
    %dma_start3A_69 = arith.constant 0 : i32
    %dma_start3A_70 = tpu.memref_slice %arg7[%dma_start3A_68, %dma_start3A_69] : memref<160x64xi32, #tpu.memory_space<vmem>> -> memref<1x64xi32, #tpu.memory_space<vmem>>
    %dma_start3A_71 = tpu.memref_squeeze %dma_start3A_70 : memref<1x64xi32, #tpu.memory_space<vmem>> -> memref<64xi32, #tpu.memory_space<vmem>>
    %dma_start3A_72 = arith.constant 0 : i32
    %dma_start3A_73 = arith.constant 0 : i32
    %dma_start3A_74 = tpu.memref_slice %arg13[%dma_start3A_72, %dma_start3A_73] : memref<10112x64xf32, #tpu.memory_space<vmem_shared>> -> memref<10112x64xf32, #tpu.memory_space<vmem_shared>>
    tpu.enqueue_indirect_dma source(%dma_start3A_74 : memref<10112x64xf32, #tpu.memory_space<vmem_shared>>) target(%arg12 : memref<64x64xf32, #tpu.memory_space<vmem>>) offsets(%dma_start3A_71 : memref<64xi32, #tpu.memory_space<vmem>>) semaphore(%arg18 : memref<!tpu.dma_semaphore, #tpu.memory_space<semaphore_mem>>)
    %scan3A_75 = arith.constant 0 : i32
    %scan3A_76 = arith.constant 0 : i32
    %scan3A_77 = arith.constant 39 : i32
    %scan3A_78 = arith.addi %scan3A_76, %scan3A_77 : i32
    %scan3A_79 = arith.constant 1 : i32
    scf.for %scan3A_290 = %scan3A_76 to %scan3A_78 step %scan3A_79  : i32 {
      %mul3A_291 = arith.constant 4 : i32
      %mul3A_292 = arith.muli %mul3A_291, %scan3A_290 : i32
      %add3A_293 = arith.constant 2 : i32
      %add3A_294 = arith.addi %add3A_293, %mul3A_292 : i32
      %add3A_295 = arith.constant 0 : i32
      %add3A_296 = arith.addi %add3A_294, %add3A_295 : i32
      %dma_wait3A_297 = arith.constant 0 : i32
      %dma_wait3A_298 = tpu.memref_slice %arg7[%add3A_296, %dma_wait3A_297] : memref<160x64xi32, #tpu.memory_space<vmem>> -> memref<1x64xi32, #tpu.memory_space<vmem>>
      %dma_wait3A_299 = tpu.memref_squeeze %dma_wait3A_298 : memref<1x64xi32, #tpu.memory_space<vmem>> -> memref<64xi32, #tpu.memory_space<vmem>>
      %dma_wait3A_300 = arith.constant 0 : i32
      %dma_wait3A_301 = arith.constant 0 : i32
      %dma_wait3A_302 = tpu.memref_slice %arg13[%dma_wait3A_300, %dma_wait3A_301] : memref<10112x64xf32, #tpu.memory_space<vmem_shared>> -> memref<10112x64xf32, #tpu.memory_space<vmem_shared>>
      tpu.wait_indirect_dma semaphore(%arg17 : memref<!tpu.dma_semaphore, #tpu.memory_space<semaphore_mem>>) src(%dma_wait3A_302 : memref<10112x64xf32, #tpu.memory_space<vmem_shared>>) dst(%arg11 : memref<64x64xf32, #tpu.memory_space<vmem>>)
      %dma_start3A_303 = arith.constant 0 : i32
      %dma_start3A_304 = tpu.memref_slice %arg8[%add3A_296, %dma_start3A_303] : memref<160x64xi32, #tpu.memory_space<vmem>> -> memref<1x64xi32, #tpu.memory_space<vmem>>
      %dma_start3A_305 = tpu.memref_squeeze %dma_start3A_304 : memref<1x64xi32, #tpu.memory_space<vmem>> -> memref<64xi32, #tpu.memory_space<vmem>>
      %dma_start3A_306 = arith.constant 0 : i32
      %dma_start3A_307 = arith.constant 0 : i32
      %dma_start3A_308 = tpu.memref_slice %arg14[%dma_start3A_306, %dma_start3A_307] : memref<10112x64xf32, #tpu.memory_space<vmem_shared>> -> memref<10112x64xf32, #tpu.memory_space<vmem_shared>>
      tpu.enqueue_indirect_dma source(%arg11 : memref<64x64xf32, #tpu.memory_space<vmem>>) target(%dma_start3A_308 : memref<10112x64xf32, #tpu.memory_space<vmem_shared>>) offsets(%dma_start3A_305 : memref<64xi32, #tpu.memory_space<vmem>>) semaphore(%arg21 : memref<!tpu.dma_semaphore, #tpu.memory_space<semaphore_mem>>) {add = true}
      %add3A_309 = arith.constant 2 : i32
      %add3A_310 = arith.addi %add3A_296, %add3A_309 : i32
      %sub3A = arith.constant 4 : i32
      %sub3A_311 = arith.subi %add3A_310, %sub3A : i32
      %dma_wait3A_312 = arith.constant 0 : i32
      %dma_wait3A_313 = tpu.memref_slice %arg8[%sub3A_311, %dma_wait3A_312] : memref<160x64xi32, #tpu.memory_space<vmem>> -> memref<1x64xi32, #tpu.memory_space<vmem>>
      %dma_wait3A_314 = tpu.memref_squeeze %dma_wait3A_313 : memref<1x64xi32, #tpu.memory_space<vmem>> -> memref<64xi32, #tpu.memory_space<vmem>>
      %dma_wait3A_315 = arith.constant 0 : i32
      %dma_wait3A_316 = arith.constant 0 : i32
      %dma_wait3A_317 = tpu.memref_slice %arg14[%dma_wait3A_315, %dma_wait3A_316] : memref<10112x64xf32, #tpu.memory_space<vmem_shared>> -> memref<10112x64xf32, #tpu.memory_space<vmem_shared>>
      tpu.wait_indirect_dma semaphore(%arg19 : memref<!tpu.dma_semaphore, #tpu.memory_space<semaphore_mem>>) src(%arg9 : memref<64x64xf32, #tpu.memory_space<vmem>>) dst(%dma_wait3A_317 : memref<10112x64xf32, #tpu.memory_space<vmem_shared>>)
      %add3A_318 = arith.constant 2 : i32
      %add3A_319 = arith.addi %add3A_296, %add3A_318 : i32
      %dma_start3A_320 = arith.constant 0 : i32
      %dma_start3A_321 = tpu.memref_slice %arg7[%add3A_319, %dma_start3A_320] : memref<160x64xi32, #tpu.memory_space<vmem>> -> memref<1x64xi32, #tpu.memory_space<vmem>>
      %dma_start3A_322 = tpu.memref_squeeze %dma_start3A_321 : memref<1x64xi32, #tpu.memory_space<vmem>> -> memref<64xi32, #tpu.memory_space<vmem>>
      %dma_start3A_323 = arith.constant 0 : i32
      %dma_start3A_324 = arith.constant 0 : i32
      %dma_start3A_325 = tpu.memref_slice %arg13[%dma_start3A_323, %dma_start3A_324] : memref<10112x64xf32, #tpu.memory_space<vmem_shared>> -> memref<10112x64xf32, #tpu.memory_space<vmem_shared>>
      tpu.enqueue_indirect_dma source(%dma_start3A_325 : memref<10112x64xf32, #tpu.memory_space<vmem_shared>>) target(%arg9 : memref<64x64xf32, #tpu.memory_space<vmem>>) offsets(%dma_start3A_322 : memref<64xi32, #tpu.memory_space<vmem>>) semaphore(%arg15 : memref<!tpu.dma_semaphore, #tpu.memory_space<semaphore_mem>>)
      %add3A_326 = arith.constant 1 : i32
      %add3A_327 = arith.addi %add3A_294, %add3A_326 : i32
      %dma_wait3A_328 = arith.constant 0 : i32
      %dma_wait3A_329 = tpu.memref_slice %arg7[%add3A_327, %dma_wait3A_328] : memref<160x64xi32, #tpu.memory_space<vmem>> -> memref<1x64xi32, #tpu.memory_space<vmem>>
      %dma_wait3A_330 = tpu.memref_squeeze %dma_wait3A_329 : memref<1x64xi32, #tpu.memory_space<vmem>> -> memref<64xi32, #tpu.memory_space<vmem>>
      %dma_wait3A_331 = arith.constant 0 : i32
      %dma_wait3A_332 = arith.constant 0 : i32
      %dma_wait3A_333 = tpu.memref_slice %arg13[%dma_wait3A_331, %dma_wait3A_332] : memref<10112x64xf32, #tpu.memory_space<vmem_shared>> -> memref<10112x64xf32, #tpu.memory_space<vmem_shared>>
      tpu.wait_indirect_dma semaphore(%arg18 : memref<!tpu.dma_semaphore, #tpu.memory_space<semaphore_mem>>) src(%dma_wait3A_333 : memref<10112x64xf32, #tpu.memory_space<vmem_shared>>) dst(%arg12 : memref<64x64xf32, #tpu.memory_space<vmem>>)
      %dma_start3A_334 = arith.constant 0 : i32
      %dma_start3A_335 = tpu.memref_slice %arg8[%add3A_327, %dma_start3A_334] : memref<160x64xi32, #tpu.memory_space<vmem>> -> memref<1x64xi32, #tpu.memory_space<vmem>>
      %dma_start3A_336 = tpu.memref_squeeze %dma_start3A_335 : memref<1x64xi32, #tpu.memory_space<vmem>> -> memref<64xi32, #tpu.memory_space<vmem>>
      %dma_start3A_337 = arith.constant 0 : i32
      %dma_start3A_338 = arith.constant 0 : i32
      %dma_start3A_339 = tpu.memref_slice %arg14[%dma_start3A_337, %dma_start3A_338] : memref<10112x64xf32, #tpu.memory_space<vmem_shared>> -> memref<10112x64xf32, #tpu.memory_space<vmem_shared>>
      tpu.enqueue_indirect_dma source(%arg12 : memref<64x64xf32, #tpu.memory_space<vmem>>) target(%dma_start3A_339 : memref<10112x64xf32, #tpu.memory_space<vmem_shared>>) offsets(%dma_start3A_336 : memref<64xi32, #tpu.memory_space<vmem>>) semaphore(%arg22 : memref<!tpu.dma_semaphore, #tpu.memory_space<semaphore_mem>>) {add = true}
      %add3A_340 = arith.constant 2 : i32
      %add3A_341 = arith.addi %add3A_327, %add3A_340 : i32
      %sub3A_342 = arith.constant 4 : i32
      %sub3A_343 = arith.subi %add3A_341, %sub3A_342 : i32
      %dma_wait3A_344 = arith.constant 0 : i32
      %dma_wait3A_345 = tpu.memref_slice %arg8[%sub3A_343, %dma_wait3A_344] : memref<160x64xi32, #tpu.memory_space<vmem>> -> memref<1x64xi32, #tpu.memory_space<vmem>>
      %dma_wait3A_346 = tpu.memref_squeeze %dma_wait3A_345 : memref<1x64xi32, #tpu.memory_space<vmem>> -> memref<64xi32, #tpu.memory_space<vmem>>
      %dma_wait3A_347 = arith.constant 0 : i32
      %dma_wait3A_348 = arith.constant 0 : i32
      %dma_wait3A_349 = tpu.memref_slice %arg14[%dma_wait3A_347, %dma_wait3A_348] : memref<10112x64xf32, #tpu.memory_space<vmem_shared>> -> memref<10112x64xf32, #tpu.memory_space<vmem_shared>>
      tpu.wait_indirect_dma semaphore(%arg20 : memref<!tpu.dma_semaphore, #tpu.memory_space<semaphore_mem>>) src(%arg10 : memref<64x64xf32, #tpu.memory_space<vmem>>) dst(%dma_wait3A_349 : memref<10112x64xf32, #tpu.memory_space<vmem_shared>>)
      %add3A_350 = arith.constant 2 : i32
      %add3A_351 = arith.addi %add3A_327, %add3A_350 : i32
      %dma_start3A_352 = arith.constant 0 : i32
      %dma_start3A_353 = tpu.memref_slice %arg7[%add3A_351, %dma_start3A_352] : memref<160x64xi32, #tpu.memory_space<vmem>> -> memref<1x64xi32, #tpu.memory_space<vmem>>
      %dma_start3A_354 = tpu.memref_squeeze %dma_start3A_353 : memref<1x64xi32, #tpu.memory_space<vmem>> -> memref<64xi32, #tpu.memory_space<vmem>>
      %dma_start3A_355 = arith.constant 0 : i32
      %dma_start3A_356 = arith.constant 0 : i32
      %dma_start3A_357 = tpu.memref_slice %arg13[%dma_start3A_355, %dma_start3A_356] : memref<10112x64xf32, #tpu.memory_space<vmem_shared>> -> memref<10112x64xf32, #tpu.memory_space<vmem_shared>>
      tpu.enqueue_indirect_dma source(%dma_start3A_357 : memref<10112x64xf32, #tpu.memory_space<vmem_shared>>) target(%arg10 : memref<64x64xf32, #tpu.memory_space<vmem>>) offsets(%dma_start3A_354 : memref<64xi32, #tpu.memory_space<vmem>>) semaphore(%arg16 : memref<!tpu.dma_semaphore, #tpu.memory_space<semaphore_mem>>)
      %add3A_358 = arith.constant 2 : i32
      %add3A_359 = arith.addi %add3A_294, %add3A_358 : i32
      %dma_wait3A_360 = arith.constant 0 : i32
      %dma_wait3A_361 = tpu.memref_slice %arg7[%add3A_359, %dma_wait3A_360] : memref<160x64xi32, #tpu.memory_space<vmem>> -> memref<1x64xi32, #tpu.memory_space<vmem>>
      %dma_wait3A_362 = tpu.memref_squeeze %dma_wait3A_361 : memref<1x64xi32, #tpu.memory_space<vmem>> -> memref<64xi32, #tpu.memory_space<vmem>>
      %dma_wait3A_363 = arith.constant 0 : i32
      %dma_wait3A_364 = arith.constant 0 : i32
      %dma_wait3A_365 = tpu.memref_slice %arg13[%dma_wait3A_363, %dma_wait3A_364] : memref<10112x64xf32, #tpu.memory_space<vmem_shared>> -> memref<10112x64xf32, #tpu.memory_space<vmem_shared>>
      tpu.wait_indirect_dma semaphore(%arg15 : memref<!tpu.dma_semaphore, #tpu.memory_space<semaphore_mem>>) src(%dma_wait3A_365 : memref<10112x64xf32, #tpu.memory_space<vmem_shared>>) dst(%arg9 : memref<64x64xf32, #tpu.memory_space<vmem>>)
      %dma_start3A_366 = arith.constant 0 : i32
      %dma_start3A_367 = tpu.memref_slice %arg8[%add3A_359, %dma_start3A_366] : memref<160x64xi32, #tpu.memory_space<vmem>> -> memref<1x64xi32, #tpu.memory_space<vmem>>
      %dma_start3A_368 = tpu.memref_squeeze %dma_start3A_367 : memref<1x64xi32, #tpu.memory_space<vmem>> -> memref<64xi32, #tpu.memory_space<vmem>>
      %dma_start3A_369 = arith.constant 0 : i32
      %dma_start3A_370 = arith.constant 0 : i32
      %dma_start3A_371 = tpu.memref_slice %arg14[%dma_start3A_369, %dma_start3A_370] : memref<10112x64xf32, #tpu.memory_space<vmem_shared>> -> memref<10112x64xf32, #tpu.memory_space<vmem_shared>>
      tpu.enqueue_indirect_dma source(%arg9 : memref<64x64xf32, #tpu.memory_space<vmem>>) target(%dma_start3A_371 : memref<10112x64xf32, #tpu.memory_space<vmem_shared>>) offsets(%dma_start3A_368 : memref<64xi32, #tpu.memory_space<vmem>>) semaphore(%arg19 : memref<!tpu.dma_semaphore, #tpu.memory_space<semaphore_mem>>) {add = true}
      %add3A_372 = arith.constant 2 : i32
      %add3A_373 = arith.addi %add3A_359, %add3A_372 : i32
      %sub3A_374 = arith.constant 4 : i32
      %sub3A_375 = arith.subi %add3A_373, %sub3A_374 : i32
      %dma_wait3A_376 = arith.constant 0 : i32
      %dma_wait3A_377 = tpu.memref_slice %arg8[%sub3A_375, %dma_wait3A_376] : memref<160x64xi32, #tpu.memory_space<vmem>> -> memref<1x64xi32, #tpu.memory_space<vmem>>
      %dma_wait3A_378 = tpu.memref_squeeze %dma_wait3A_377 : memref<1x64xi32, #tpu.memory_space<vmem>> -> memref<64xi32, #tpu.memory_space<vmem>>
      %dma_wait3A_379 = arith.constant 0 : i32
      %dma_wait3A_380 = arith.constant 0 : i32
      %dma_wait3A_381 = tpu.memref_slice %arg14[%dma_wait3A_379, %dma_wait3A_380] : memref<10112x64xf32, #tpu.memory_space<vmem_shared>> -> memref<10112x64xf32, #tpu.memory_space<vmem_shared>>
      tpu.wait_indirect_dma semaphore(%arg21 : memref<!tpu.dma_semaphore, #tpu.memory_space<semaphore_mem>>) src(%arg11 : memref<64x64xf32, #tpu.memory_space<vmem>>) dst(%dma_wait3A_381 : memref<10112x64xf32, #tpu.memory_space<vmem_shared>>)
      %add3A_382 = arith.constant 2 : i32
      %add3A_383 = arith.addi %add3A_359, %add3A_382 : i32
      %dma_start3A_384 = arith.constant 0 : i32
      %dma_start3A_385 = tpu.memref_slice %arg7[%add3A_383, %dma_start3A_384] : memref<160x64xi32, #tpu.memory_space<vmem>> -> memref<1x64xi32, #tpu.memory_space<vmem>>
      %dma_start3A_386 = tpu.memref_squeeze %dma_start3A_385 : memref<1x64xi32, #tpu.memory_space<vmem>> -> memref<64xi32, #tpu.memory_space<vmem>>
      %dma_start3A_387 = arith.constant 0 : i32
      %dma_start3A_388 = arith.constant 0 : i32
      %dma_start3A_389 = tpu.memref_slice %arg13[%dma_start3A_387, %dma_start3A_388] : memref<10112x64xf32, #tpu.memory_space<vmem_shared>> -> memref<10112x64xf32, #tpu.memory_space<vmem_shared>>
      tpu.enqueue_indirect_dma source(%dma_start3A_389 : memref<10112x64xf32, #tpu.memory_space<vmem_shared>>) target(%arg11 : memref<64x64xf32, #tpu.memory_space<vmem>>) offsets(%dma_start3A_386 : memref<64xi32, #tpu.memory_space<vmem>>) semaphore(%arg17 : memref<!tpu.dma_semaphore, #tpu.memory_space<semaphore_mem>>)
      %add3A_390 = arith.constant 3 : i32
      %add3A_391 = arith.addi %add3A_294, %add3A_390 : i32
      %dma_wait3A_392 = arith.constant 0 : i32
      %dma_wait3A_393 = tpu.memref_slice %arg7[%add3A_391, %dma_wait3A_392] : memref<160x64xi32, #tpu.memory_space<vmem>> -> memref<1x64xi32, #tpu.memory_space<vmem>>
      %dma_wait3A_394 = tpu.memref_squeeze %dma_wait3A_393 : memref<1x64xi32, #tpu.memory_space<vmem>> -> memref<64xi32, #tpu.memory_space<vmem>>
      %dma_wait3A_395 = arith.constant 0 : i32
      %dma_wait3A_396 = arith.constant 0 : i32
      %dma_wait3A_397 = tpu.memref_slice %arg13[%dma_wait3A_395, %dma_wait3A_396] : memref<10112x64xf32, #tpu.memory_space<vmem_shared>> -> memref<10112x64xf32, #tpu.memory_space<vmem_shared>>
      tpu.wait_indirect_dma semaphore(%arg16 : memref<!tpu.dma_semaphore, #tpu.memory_space<semaphore_mem>>) src(%dma_wait3A_397 : memref<10112x64xf32, #tpu.memory_space<vmem_shared>>) dst(%arg10 : memref<64x64xf32, #tpu.memory_space<vmem>>)
      %dma_start3A_398 = arith.constant 0 : i32
      %dma_start3A_399 = tpu.memref_slice %arg8[%add3A_391, %dma_start3A_398] : memref<160x64xi32, #tpu.memory_space<vmem>> -> memref<1x64xi32, #tpu.memory_space<vmem>>
      %dma_start3A_400 = tpu.memref_squeeze %dma_start3A_399 : memref<1x64xi32, #tpu.memory_space<vmem>> -> memref<64xi32, #tpu.memory_space<vmem>>
      %dma_start3A_401 = arith.constant 0 : i32
      %dma_start3A_402 = arith.constant 0 : i32
      %dma_start3A_403 = tpu.memref_slice %arg14[%dma_start3A_401, %dma_start3A_402] : memref<10112x64xf32, #tpu.memory_space<vmem_shared>> -> memref<10112x64xf32, #tpu.memory_space<vmem_shared>>
      tpu.enqueue_indirect_dma source(%arg10 : memref<64x64xf32, #tpu.memory_space<vmem>>) target(%dma_start3A_403 : memref<10112x64xf32, #tpu.memory_space<vmem_shared>>) offsets(%dma_start3A_400 : memref<64xi32, #tpu.memory_space<vmem>>) semaphore(%arg20 : memref<!tpu.dma_semaphore, #tpu.memory_space<semaphore_mem>>) {add = true}
      %add3A_404 = arith.constant 2 : i32
      %add3A_405 = arith.addi %add3A_391, %add3A_404 : i32
      %sub3A_406 = arith.constant 4 : i32
      %sub3A_407 = arith.subi %add3A_405, %sub3A_406 : i32
      %dma_wait3A_408 = arith.constant 0 : i32
      %dma_wait3A_409 = tpu.memref_slice %arg8[%sub3A_407, %dma_wait3A_408] : memref<160x64xi32, #tpu.memory_space<vmem>> -> memref<1x64xi32, #tpu.memory_space<vmem>>
      %dma_wait3A_410 = tpu.memref_squeeze %dma_wait3A_409 : memref<1x64xi32, #tpu.memory_space<vmem>> -> memref<64xi32, #tpu.memory_space<vmem>>
      %dma_wait3A_411 = arith.constant 0 : i32
      %dma_wait3A_412 = arith.constant 0 : i32
      %dma_wait3A_413 = tpu.memref_slice %arg14[%dma_wait3A_411, %dma_wait3A_412] : memref<10112x64xf32, #tpu.memory_space<vmem_shared>> -> memref<10112x64xf32, #tpu.memory_space<vmem_shared>>
      tpu.wait_indirect_dma semaphore(%arg22 : memref<!tpu.dma_semaphore, #tpu.memory_space<semaphore_mem>>) src(%arg12 : memref<64x64xf32, #tpu.memory_space<vmem>>) dst(%dma_wait3A_413 : memref<10112x64xf32, #tpu.memory_space<vmem_shared>>)
      %add3A_414 = arith.constant 2 : i32
      %add3A_415 = arith.addi %add3A_391, %add3A_414 : i32
      %dma_start3A_416 = arith.constant 0 : i32
      %dma_start3A_417 = tpu.memref_slice %arg7[%add3A_415, %dma_start3A_416] : memref<160x64xi32, #tpu.memory_space<vmem>> -> memref<1x64xi32, #tpu.memory_space<vmem>>
      %dma_start3A_418 = tpu.memref_squeeze %dma_start3A_417 : memref<1x64xi32, #tpu.memory_space<vmem>> -> memref<64xi32, #tpu.memory_space<vmem>>
      %dma_start3A_419 = arith.constant 0 : i32
      %dma_start3A_420 = arith.constant 0 : i32
      %dma_start3A_421 = tpu.memref_slice %arg13[%dma_start3A_419, %dma_start3A_420] : memref<10112x64xf32, #tpu.memory_space<vmem_shared>> -> memref<10112x64xf32, #tpu.memory_space<vmem_shared>>
      tpu.enqueue_indirect_dma source(%dma_start3A_421 : memref<10112x64xf32, #tpu.memory_space<vmem_shared>>) target(%arg12 : memref<64x64xf32, #tpu.memory_space<vmem>>) offsets(%dma_start3A_418 : memref<64xi32, #tpu.memory_space<vmem>>) semaphore(%arg18 : memref<!tpu.dma_semaphore, #tpu.memory_space<semaphore_mem>>)
    }
    %scan3A_80 = arith.constant 39 : i32
    %dma_wait3A_81 = arith.constant 158 : i32
    %dma_wait3A_82 = arith.constant 0 : i32
    %dma_wait3A_83 = tpu.memref_slice %arg7[%dma_wait3A_81, %dma_wait3A_82] : memref<160x64xi32, #tpu.memory_space<vmem>> -> memref<1x64xi32, #tpu.memory_space<vmem>>
    %dma_wait3A_84 = tpu.memref_squeeze %dma_wait3A_83 : memref<1x64xi32, #tpu.memory_space<vmem>> -> memref<64xi32, #tpu.memory_space<vmem>>
    %dma_wait3A_85 = arith.constant 0 : i32
    %dma_wait3A_86 = arith.constant 0 : i32
    %dma_wait3A_87 = tpu.memref_slice %arg13[%dma_wait3A_85, %dma_wait3A_86] : memref<10112x64xf32, #tpu.memory_space<vmem_shared>> -> memref<10112x64xf32, #tpu.memory_space<vmem_shared>>
    tpu.wait_indirect_dma semaphore(%arg17 : memref<!tpu.dma_semaphore, #tpu.memory_space<semaphore_mem>>) src(%dma_wait3A_87 : memref<10112x64xf32, #tpu.memory_space<vmem_shared>>) dst(%arg11 : memref<64x64xf32, #tpu.memory_space<vmem>>)
    %dma_start3A_88 = arith.constant 158 : i32
    %dma_start3A_89 = arith.constant 0 : i32
    %dma_start3A_90 = tpu.memref_slice %arg8[%dma_start3A_88, %dma_start3A_89] : memref<160x64xi32, #tpu.memory_space<vmem>> -> memref<1x64xi32, #tpu.memory_space<vmem>>
    %dma_start3A_91 = tpu.memref_squeeze %dma_start3A_90 : memref<1x64xi32, #tpu.memory_space<vmem>> -> memref<64xi32, #tpu.memory_space<vmem>>
    %dma_start3A_92 = arith.constant 0 : i32
    %dma_start3A_93 = arith.constant 0 : i32
    %dma_start3A_94 = tpu.memref_slice %arg14[%dma_start3A_92, %dma_start3A_93] : memref<10112x64xf32, #tpu.memory_space<vmem_shared>> -> memref<10112x64xf32, #tpu.memory_space<vmem_shared>>
    tpu.enqueue_indirect_dma source(%arg11 : memref<64x64xf32, #tpu.memory_space<vmem>>) target(%dma_start3A_94 : memref<10112x64xf32, #tpu.memory_space<vmem_shared>>) offsets(%dma_start3A_91 : memref<64xi32, #tpu.memory_space<vmem>>) semaphore(%arg21 : memref<!tpu.dma_semaphore, #tpu.memory_space<semaphore_mem>>) {add = true}
    %dma_wait3A_95 = arith.constant 159 : i32
    %dma_wait3A_96 = arith.constant 0 : i32
    %dma_wait3A_97 = tpu.memref_slice %arg7[%dma_wait3A_95, %dma_wait3A_96] : memref<160x64xi32, #tpu.memory_space<vmem>> -> memref<1x64xi32, #tpu.memory_space<vmem>>
    %dma_wait3A_98 = tpu.memref_squeeze %dma_wait3A_97 : memref<1x64xi32, #tpu.memory_space<vmem>> -> memref<64xi32, #tpu.memory_space<vmem>>
    %dma_wait3A_99 = arith.constant 0 : i32
    %dma_wait3A_100 = arith.constant 0 : i32
    %dma_wait3A_101 = tpu.memref_slice %arg13[%dma_wait3A_99, %dma_wait3A_100] : memref<10112x64xf32, #tpu.memory_space<vmem_shared>> -> memref<10112x64xf32, #tpu.memory_space<vmem_shared>>
    tpu.wait_indirect_dma semaphore(%arg18 : memref<!tpu.dma_semaphore, #tpu.memory_space<semaphore_mem>>) src(%dma_wait3A_101 : memref<10112x64xf32, #tpu.memory_space<vmem_shared>>) dst(%arg12 : memref<64x64xf32, #tpu.memory_space<vmem>>)
    %dma_start3A_102 = arith.constant 159 : i32
    %dma_start3A_103 = arith.constant 0 : i32
    %dma_start3A_104 = tpu.memref_slice %arg8[%dma_start3A_102, %dma_start3A_103] : memref<160x64xi32, #tpu.memory_space<vmem>> -> memref<1x64xi32, #tpu.memory_space<vmem>>
    %dma_start3A_105 = tpu.memref_squeeze %dma_start3A_104 : memref<1x64xi32, #tpu.memory_space<vmem>> -> memref<64xi32, #tpu.memory_space<vmem>>
    %dma_start3A_106 = arith.constant 0 : i32
    %dma_start3A_107 = arith.constant 0 : i32
    %dma_start3A_108 = tpu.memref_slice %arg14[%dma_start3A_106, %dma_start3A_107] : memref<10112x64xf32, #tpu.memory_space<vmem_shared>> -> memref<10112x64xf32, #tpu.memory_space<vmem_shared>>
    tpu.enqueue_indirect_dma source(%arg12 : memref<64x64xf32, #tpu.memory_space<vmem>>) target(%dma_start3A_108 : memref<10112x64xf32, #tpu.memory_space<vmem_shared>>) offsets(%dma_start3A_105 : memref<64xi32, #tpu.memory_space<vmem>>) semaphore(%arg22 : memref<!tpu.dma_semaphore, #tpu.memory_space<semaphore_mem>>) {add = true}
    %dma_wait3A_109 = arith.constant 156 : i32
    %dma_wait3A_110 = arith.constant 0 : i32
    %dma_wait3A_111 = tpu.memref_slice %arg8[%dma_wait3A_109, %dma_wait3A_110] : memref<160x64xi32, #tpu.memory_space<vmem>> -> memref<1x64xi32, #tpu.memory_space<vmem>>
    %dma_wait3A_112 = tpu.memref_squeeze %dma_wait3A_111 : memref<1x64xi32, #tpu.memory_space<vmem>> -> memref<64xi32, #tpu.memory_space<vmem>>
    %dma_wait3A_113 = arith.constant 0 : i32
    %dma_wait3A_114 = arith.constant 0 : i32
    %dma_wait3A_115 = tpu.memref_slice %arg14[%dma_wait3A_113, %dma_wait3A_114] : memref<10112x64xf32, #tpu.memory_space<vmem_shared>> -> memref<10112x64xf32, #tpu.memory_space<vmem_shared>>
    tpu.wait_indirect_dma semaphore(%arg19 : memref<!tpu.dma_semaphore, #tpu.memory_space<semaphore_mem>>) src(%arg9 : memref<64x64xf32, #tpu.memory_space<vmem>>) dst(%dma_wait3A_115 : memref<10112x64xf32, #tpu.memory_space<vmem_shared>>)
    %dma_wait3A_116 = arith.constant 157 : i32
    %dma_wait3A_117 = arith.constant 0 : i32
    %dma_wait3A_118 = tpu.memref_slice %arg8[%dma_wait3A_116, %dma_wait3A_117] : memref<160x64xi32, #tpu.memory_space<vmem>> -> memref<1x64xi32, #tpu.memory_space<vmem>>
    %dma_wait3A_119 = tpu.memref_squeeze %dma_wait3A_118 : memref<1x64xi32, #tpu.memory_space<vmem>> -> memref<64xi32, #tpu.memory_space<vmem>>
    %dma_wait3A_120 = arith.constant 0 : i32
    %dma_wait3A_121 = arith.constant 0 : i32
    %dma_wait3A_122 = tpu.memref_slice %arg14[%dma_wait3A_120, %dma_wait3A_121] : memref<10112x64xf32, #tpu.memory_space<vmem_shared>> -> memref<10112x64xf32, #tpu.memory_space<vmem_shared>>
    tpu.wait_indirect_dma semaphore(%arg20 : memref<!tpu.dma_semaphore, #tpu.memory_space<semaphore_mem>>) src(%arg10 : memref<64x64xf32, #tpu.memory_space<vmem>>) dst(%dma_wait3A_122 : memref<10112x64xf32, #tpu.memory_space<vmem_shared>>)
    %dma_wait3A_123 = arith.constant 158 : i32
    %dma_wait3A_124 = arith.constant 0 : i32
    %dma_wait3A_125 = tpu.memref_slice %arg8[%dma_wait3A_123, %dma_wait3A_124] : memref<160x64xi32, #tpu.memory_space<vmem>> -> memref<1x64xi32, #tpu.memory_space<vmem>>
    %dma_wait3A_126 = tpu.memref_squeeze %dma_wait3A_125 : memref<1x64xi32, #tpu.memory_space<vmem>> -> memref<64xi32, #tpu.memory_space<vmem>>
    %dma_wait3A_127 = arith.constant 0 : i32
    %dma_wait3A_128 = arith.constant 0 : i32
    %dma_wait3A_129 = tpu.memref_slice %arg14[%dma_wait3A_127, %dma_wait3A_128] : memref<10112x64xf32, #tpu.memory_space<vmem_shared>> -> memref<10112x64xf32, #tpu.memory_space<vmem_shared>>
    tpu.wait_indirect_dma semaphore(%arg21 : memref<!tpu.dma_semaphore, #tpu.memory_space<semaphore_mem>>) src(%arg11 : memref<64x64xf32, #tpu.memory_space<vmem>>) dst(%dma_wait3A_129 : memref<10112x64xf32, #tpu.memory_space<vmem_shared>>)
    %dma_wait3A_130 = arith.constant 159 : i32
    %dma_wait3A_131 = arith.constant 0 : i32
    %dma_wait3A_132 = tpu.memref_slice %arg8[%dma_wait3A_130, %dma_wait3A_131] : memref<160x64xi32, #tpu.memory_space<vmem>> -> memref<1x64xi32, #tpu.memory_space<vmem>>
    %dma_wait3A_133 = tpu.memref_squeeze %dma_wait3A_132 : memref<1x64xi32, #tpu.memory_space<vmem>> -> memref<64xi32, #tpu.memory_space<vmem>>
    %dma_wait3A_134 = arith.constant 0 : i32
    %dma_wait3A_135 = arith.constant 0 : i32
    %dma_wait3A_136 = tpu.memref_slice %arg14[%dma_wait3A_134, %dma_wait3A_135] : memref<10112x64xf32, #tpu.memory_space<vmem_shared>> -> memref<10112x64xf32, #tpu.memory_space<vmem_shared>>
    tpu.wait_indirect_dma semaphore(%arg22 : memref<!tpu.dma_semaphore, #tpu.memory_space<semaphore_mem>>) src(%arg12 : memref<64x64xf32, #tpu.memory_space<vmem>>) dst(%dma_wait3A_136 : memref<10112x64xf32, #tpu.memory_space<vmem_shared>>)
    %barrier3A_137 = arith.constant 0 : index
    tpu.barrier barrier_id(%barrier3A_137)
    %mul3A_138 = arith.constant 632 : i32
    %mul3A_139 = arith.muli %arg1, %mul3A_138 : i32
    %mul3A_140 = arith.constant 632 : i32
    %mul3A_141 = arith.muli %arg1, %mul3A_140 : i32
    %run_scoped3A = arith.constant 0 : i32
    "tpu.region"() ({
      %run_scoped3A_290 = tpu.sem_alloc : memref<!tpu.dma_semaphore, #tpu.memory_space<semaphore_mem>>
      %dma_start3A_291 = arith.constant 0 : i32
      %dma_start3A_292 = tpu.memref_slice %arg6[%arg0, %run_scoped3A, %mul3A_141, %dma_start3A_291] : memref<2x2x10112x64xf32, #tpu.memory_space<hbm>> -> memref<1x1x632x64xf32, #tpu.memory_space<hbm>>
      %dma_start3A_293 = tpu.memref_squeeze %dma_start3A_292 : memref<1x1x632x64xf32, #tpu.memory_space<hbm>> -> memref<632x64xf32, #tpu.memory_space<hbm>>
      %dma_start3A_294 = arith.constant 0 : i32
      %dma_start3A_295 = tpu.memref_slice %arg14[%mul3A_139, %dma_start3A_294] : memref<10112x64xf32, #tpu.memory_space<vmem_shared>> -> memref<632x64xf32, #tpu.memory_space<vmem_shared>>
      tpu.enqueue_dma source(%dma_start3A_295 : memref<632x64xf32, #tpu.memory_space<vmem_shared>>) target(%dma_start3A_293 : memref<632x64xf32, #tpu.memory_space<hbm>>) target_semaphore(%run_scoped3A_290 : memref<!tpu.dma_semaphore, #tpu.memory_space<semaphore_mem>>)
      %dma_wait3A_296 = arith.constant 0 : i32
      %dma_wait3A_297 = tpu.memref_slice %arg6[%arg0, %run_scoped3A, %mul3A_141, %dma_wait3A_296] : memref<2x2x10112x64xf32, #tpu.memory_space<hbm>> -> memref<1x1x632x64xf32, #tpu.memory_space<hbm>>
      %dma_wait3A_298 = tpu.memref_squeeze %dma_wait3A_297 : memref<1x1x632x64xf32, #tpu.memory_space<hbm>> -> memref<632x64xf32, #tpu.memory_space<hbm>>
      %dma_wait3A_299 = arith.constant 0 : i32
      %dma_wait3A_300 = tpu.memref_slice %arg14[%mul3A_139, %dma_wait3A_299] : memref<10112x64xf32, #tpu.memory_space<vmem_shared>> -> memref<632x64xf32, #tpu.memory_space<vmem_shared>>
      tpu.wait_dma2 semaphore(%run_scoped3A_290 : memref<!tpu.dma_semaphore, #tpu.memory_space<semaphore_mem>>) src(%dma_wait3A_300 : memref<632x64xf32, #tpu.memory_space<vmem_shared>>) dst(%dma_wait3A_298 : memref<632x64xf32, #tpu.memory_space<hbm>>)
      tpu.yield
    }) : () -> ()
    %barrier3A_142 = arith.constant 0 : index
    tpu.barrier barrier_id(%barrier3A_142)
    %broadcast_in_dim3A_143 = arith.constant 0.000000e+00 : f32
    %broadcast_in_dim3A_144 = vector.broadcast %broadcast_in_dim3A_143 : f32 to vector<16xf32>
    %scan3A_145 = arith.constant 0 : i32
    %scan3A_146 = arith.constant 0 : i32
    %scan3A_147 = arith.constant 64 : i32
    %scan3A_148 = arith.addi %scan3A_146, %scan3A_147 : i32
    %scan3A_149 = arith.constant 1 : i32
    scf.for %scan3A_290 = %scan3A_146 to %scan3A_148 step %scan3A_149  : i32 {
      %swap3A = arith.index_cast %scan3A_290 : i32 to index
      %swap3A_291 = arith.constant 0 : index
      %swap3A_292 = tpu.vector_load %arg9[%swap3A, %swap3A_291] {strides = array<i32>} : memref<64x64xf32, #tpu.memory_space<vmem>>, vector<1x16xf32>,
      %swap3A_293 = vector.shape_cast %swap3A_292 : vector<1x16xf32> to vector<16xf32>
      %swap3A_294 = vector.shape_cast %broadcast_in_dim3A_144 : vector<16xf32> to vector<1x16xf32>
      tpu.vector_store %arg9[%swap3A, %swap3A_291], %swap3A_294 {strides = array<i32>} : memref<64x64xf32, #tpu.memory_space<vmem>>, vector<1x16xf32>,
      %swap3A_295 = arith.index_cast %scan3A_290 : i32 to index
      %swap3A_296 = arith.constant 16 : index
      %swap3A_297 = tpu.vector_load %arg9[%swap3A_295, %swap3A_296] {strides = array<i32>} : memref<64x64xf32, #tpu.memory_space<vmem>>, vector<1x16xf32>,
      %swap3A_298 = vector.shape_cast %swap3A_297 : vector<1x16xf32> to vector<16xf32>
      %swap3A_299 = vector.shape_cast %broadcast_in_dim3A_144 : vector<16xf32> to vector<1x16xf32>
      tpu.vector_store %arg9[%swap3A_295, %swap3A_296], %swap3A_299 {strides = array<i32>} : memref<64x64xf32, #tpu.memory_space<vmem>>, vector<1x16xf32>,
      %swap3A_300 = arith.index_cast %scan3A_290 : i32 to index
      %swap3A_301 = arith.constant 32 : index
      %swap3A_302 = tpu.vector_load %arg9[%swap3A_300, %swap3A_301] {strides = array<i32>} : memref<64x64xf32, #tpu.memory_space<vmem>>, vector<1x16xf32>,
      %swap3A_303 = vector.shape_cast %swap3A_302 : vector<1x16xf32> to vector<16xf32>
      %swap3A_304 = vector.shape_cast %broadcast_in_dim3A_144 : vector<16xf32> to vector<1x16xf32>
      tpu.vector_store %arg9[%swap3A_300, %swap3A_301], %swap3A_304 {strides = array<i32>} : memref<64x64xf32, #tpu.memory_space<vmem>>, vector<1x16xf32>,
      %swap3A_305 = arith.index_cast %scan3A_290 : i32 to index
      %swap3A_306 = arith.constant 48 : index
      %swap3A_307 = tpu.vector_load %arg9[%swap3A_305, %swap3A_306] {strides = array<i32>} : memref<64x64xf32, #tpu.memory_space<vmem>>, vector<1x16xf32>,
      %swap3A_308 = vector.shape_cast %swap3A_307 : vector<1x16xf32> to vector<16xf32>
      %swap3A_309 = vector.shape_cast %broadcast_in_dim3A_144 : vector<16xf32> to vector<1x16xf32>
      tpu.vector_store %arg9[%swap3A_305, %swap3A_306], %swap3A_309 {strides = array<i32>} : memref<64x64xf32, #tpu.memory_space<vmem>>, vector<1x16xf32>,
    }
    %scan3A_150 = arith.constant 64 : i32
    %mul3A_151 = arith.constant 632 : i32
    %mul3A_152 = arith.muli %arg1, %mul3A_151 : i32
    %mul3A_153 = arith.constant 632 : i32
    %mul3A_154 = arith.muli %arg1, %mul3A_153 : i32
    "tpu.region"() ({
      %run_scoped3A_290 = tpu.sem_alloc : memref<!tpu.dma_semaphore, #tpu.memory_space<semaphore_mem>>
      %dma_start3A_291 = arith.constant 0 : i32
      %dma_start3A_292 = tpu.memref_slice %arg13[%mul3A_154, %dma_start3A_291] : memref<10112x64xf32, #tpu.memory_space<vmem_shared>> -> memref<632x64xf32, #tpu.memory_space<vmem_shared>>
      %dma_start3A_293 = arith.constant 0 : i32
      %dma_start3A_294 = tpu.memref_slice %arg3[%mul3A_152, %dma_start3A_293] : memref<10112x64xf32, #tpu.memory_space<hbm>> -> memref<632x64xf32, #tpu.memory_space<hbm>>
      tpu.enqueue_dma source(%dma_start3A_294 : memref<632x64xf32, #tpu.memory_space<hbm>>) target(%dma_start3A_292 : memref<632x64xf32, #tpu.memory_space<vmem_shared>>) target_semaphore(%run_scoped3A_290 : memref<!tpu.dma_semaphore, #tpu.memory_space<semaphore_mem>>)
      %dma_wait3A_295 = arith.constant 0 : i32
      %dma_wait3A_296 = tpu.memref_slice %arg13[%mul3A_154, %dma_wait3A_295] : memref<10112x64xf32, #tpu.memory_space<vmem_shared>> -> memref<632x64xf32, #tpu.memory_space<vmem_shared>>
      %dma_wait3A_297 = arith.constant 0 : i32
      %dma_wait3A_298 = tpu.memref_slice %arg3[%mul3A_152, %dma_wait3A_297] : memref<10112x64xf32, #tpu.memory_space<hbm>> -> memref<632x64xf32, #tpu.memory_space<hbm>>
      tpu.wait_dma2 semaphore(%run_scoped3A_290 : memref<!tpu.dma_semaphore, #tpu.memory_space<semaphore_mem>>) src(%dma_wait3A_298 : memref<632x64xf32, #tpu.memory_space<hbm>>) dst(%dma_wait3A_296 : memref<632x64xf32, #tpu.memory_space<vmem_shared>>)
      tpu.yield
    }) : () -> ()
    %scan3A_155 = arith.constant 0 : i32
    %scan3A_156 = arith.constant 0 : i32
    %scan3A_157 = arith.constant 9 : i32
    %scan3A_158 = arith.addi %scan3A_156, %scan3A_157 : i32
    %scan3A_159 = arith.constant 1 : i32
    scf.for %scan3A_290 = %scan3A_156 to %scan3A_158 step %scan3A_159  : i32 {
      %mul3A_291 = arith.constant 632 : i32
      %mul3A_292 = arith.muli %arg1, %mul3A_291 : i32
      %mul3A_293 = arith.constant 64 : i32
      %mul3A_294 = arith.muli %scan3A_290, %mul3A_293 : i32
      %add3A_295 = arith.addi %mul3A_292, %mul3A_294 : i32
      "tpu.region"() ({
        %run_scoped3A_296 = tpu.sem_alloc : memref<!tpu.dma_semaphore, #tpu.memory_space<semaphore_mem>>
        %dma_start3A_297 = arith.constant 0 : i32
        %dma_start3A_298 = tpu.memref_slice %arg14[%add3A_295, %dma_start3A_297] : memref<10112x64xf32, #tpu.memory_space<vmem_shared>> -> memref<64x64xf32, #tpu.memory_space<vmem_shared>>
        %dma_start3A_299 = arith.constant 0 : i32
        %dma_start3A_300 = tpu.memref_slice %arg14[%add3A_295, %dma_start3A_299] : memref<10112x64xf32, #tpu.memory_space<vmem_shared>> -> memref<64x64xf32, #tpu.memory_space<vmem_shared>>
        tpu.enqueue_dma source(%arg9 : memref<64x64xf32, #tpu.memory_space<vmem>>) target(%dma_start3A_300 : memref<64x64xf32, #tpu.memory_space<vmem_shared>>) target_semaphore(%run_scoped3A_296 : memref<!tpu.dma_semaphore, #tpu.memory_space<semaphore_mem>>)
        %dma_wait3A_301 = arith.constant 0 : i32
        %dma_wait3A_302 = tpu.memref_slice %arg14[%add3A_295, %dma_wait3A_301] : memref<10112x64xf32, #tpu.memory_space<vmem_shared>> -> memref<64x64xf32, #tpu.memory_space<vmem_shared>>
        %dma_wait3A_303 = arith.constant 0 : i32
        %dma_wait3A_304 = tpu.memref_slice %arg14[%add3A_295, %dma_wait3A_303] : memref<10112x64xf32, #tpu.memory_space<vmem_shared>> -> memref<64x64xf32, #tpu.memory_space<vmem_shared>>
        tpu.wait_dma2 semaphore(%run_scoped3A_296 : memref<!tpu.dma_semaphore, #tpu.memory_space<semaphore_mem>>) src(%arg9 : memref<64x64xf32, #tpu.memory_space<vmem>>) dst(%dma_wait3A_304 : memref<64x64xf32, #tpu.memory_space<vmem_shared>>)
        tpu.yield
      }) : () -> ()
    }
    %scan3A_160 = arith.constant 9 : i32
    %mul3A_161 = arith.constant 632 : i32
    %mul3A_162 = arith.muli %arg1, %mul3A_161 : i32
    %add3A_163 = arith.constant 576 : i32
    %add3A_164 = arith.addi %mul3A_162, %add3A_163 : i32
    "tpu.region"() ({
      %run_scoped3A_290 = tpu.sem_alloc : memref<!tpu.dma_semaphore, #tpu.memory_space<semaphore_mem>>
      %dma_start3A_291 = arith.constant 0 : i32
      %dma_start3A_292 = arith.constant 0 : i32
      %dma_start3A_293 = tpu.memref_slice %arg9[%dma_start3A_291, %dma_start3A_292] : memref<64x64xf32, #tpu.memory_space<vmem>> -> memref<56x64xf32, #tpu.memory_space<vmem>>
      %dma_start3A_294 = arith.constant 0 : i32
      %dma_start3A_295 = tpu.memref_slice %arg14[%add3A_164, %dma_start3A_294] : memref<10112x64xf32, #tpu.memory_space<vmem_shared>> -> memref<56x64xf32, #tpu.memory_space<vmem_shared>>
      %dma_start3A_296 = arith.constant 0 : i32
      %dma_start3A_297 = tpu.memref_slice %arg14[%add3A_164, %dma_start3A_296] : memref<10112x64xf32, #tpu.memory_space<vmem_shared>> -> memref<56x64xf32, #tpu.memory_space<vmem_shared>>
      %dma_start3A_298 = arith.constant 0 : i32
      %dma_start3A_299 = arith.constant 0 : i32
      %dma_start3A_300 = tpu.memref_slice %arg9[%dma_start3A_298, %dma_start3A_299] : memref<64x64xf32, #tpu.memory_space<vmem>> -> memref<56x64xf32, #tpu.memory_space<vmem>>
      tpu.enqueue_dma source(%dma_start3A_300 : memref<56x64xf32, #tpu.memory_space<vmem>>) target(%dma_start3A_297 : memref<56x64xf32, #tpu.memory_space<vmem_shared>>) target_semaphore(%run_scoped3A_290 : memref<!tpu.dma_semaphore, #tpu.memory_space<semaphore_mem>>)
      %dma_wait3A_301 = arith.constant 0 : i32
      %dma_wait3A_302 = arith.constant 0 : i32
      %dma_wait3A_303 = tpu.memref_slice %arg9[%dma_wait3A_301, %dma_wait3A_302] : memref<64x64xf32, #tpu.memory_space<vmem>> -> memref<56x64xf32, #tpu.memory_space<vmem>>
      %dma_wait3A_304 = arith.constant 0 : i32
      %dma_wait3A_305 = tpu.memref_slice %arg14[%add3A_164, %dma_wait3A_304] : memref<10112x64xf32, #tpu.memory_space<vmem_shared>> -> memref<56x64xf32, #tpu.memory_space<vmem_shared>>
      %dma_wait3A_306 = arith.constant 0 : i32
      %dma_wait3A_307 = tpu.memref_slice %arg14[%add3A_164, %dma_wait3A_306] : memref<10112x64xf32, #tpu.memory_space<vmem_shared>> -> memref<56x64xf32, #tpu.memory_space<vmem_shared>>
      %dma_wait3A_308 = arith.constant 0 : i32
      %dma_wait3A_309 = arith.constant 0 : i32
      %dma_wait3A_310 = tpu.memref_slice %arg9[%dma_wait3A_308, %dma_wait3A_309] : memref<64x64xf32, #tpu.memory_space<vmem>> -> memref<56x64xf32, #tpu.memory_space<vmem>>
      tpu.wait_dma2 semaphore(%run_scoped3A_290 : memref<!tpu.dma_semaphore, #tpu.memory_space<semaphore_mem>>) src(%dma_wait3A_310 : memref<56x64xf32, #tpu.memory_space<vmem>>) dst(%dma_wait3A_307 : memref<56x64xf32, #tpu.memory_space<vmem_shared>>)
      tpu.yield
    }) : () -> ()
    %barrier3A_165 = arith.constant 0 : index
    tpu.barrier barrier_id(%barrier3A_165)
    %dma_start3A_166 = arith.constant 0 : i32
    %dma_start3A_167 = arith.constant 0 : i32
    %dma_start3A_168 = tpu.memref_slice %arg7[%dma_start3A_166, %dma_start3A_167] : memref<160x64xi32, #tpu.memory_space<vmem>> -> memref<1x64xi32, #tpu.memory_space<vmem>>
    %dma_start3A_169 = tpu.memref_squeeze %dma_start3A_168 : memref<1x64xi32, #tpu.memory_space<vmem>> -> memref<64xi32, #tpu.memory_space<vmem>>
    %dma_start3A_170 = arith.constant 0 : i32
    %dma_start3A_171 = arith.constant 0 : i32
    %dma_start3A_172 = tpu.memref_slice %arg13[%dma_start3A_170, %dma_start3A_171] : memref<10112x64xf32, #tpu.memory_space<vmem_shared>> -> memref<10112x64xf32, #tpu.memory_space<vmem_shared>>
    tpu.enqueue_indirect_dma source(%dma_start3A_172 : memref<10112x64xf32, #tpu.memory_space<vmem_shared>>) target(%arg9 : memref<64x64xf32, #tpu.memory_space<vmem>>) offsets(%dma_start3A_169 : memref<64xi32, #tpu.memory_space<vmem>>) semaphore(%arg15 : memref<!tpu.dma_semaphore, #tpu.memory_space<semaphore_mem>>)
    %dma_start3A_173 = arith.constant 1 : i32
    %dma_start3A_174 = arith.constant 0 : i32
    %dma_start3A_175 = tpu.memref_slice %arg7[%dma_start3A_173, %dma_start3A_174] : memref<160x64xi32, #tpu.memory_space<vmem>> -> memref<1x64xi32, #tpu.memory_space<vmem>>
    %dma_start3A_176 = tpu.memref_squeeze %dma_start3A_175 : memref<1x64xi32, #tpu.memory_space<vmem>> -> memref<64xi32, #tpu.memory_space<vmem>>
    %dma_start3A_177 = arith.constant 0 : i32
    %dma_start3A_178 = arith.constant 0 : i32
    %dma_start3A_179 = tpu.memref_slice %arg13[%dma_start3A_177, %dma_start3A_178] : memref<10112x64xf32, #tpu.memory_space<vmem_shared>> -> memref<10112x64xf32, #tpu.memory_space<vmem_shared>>
    tpu.enqueue_indirect_dma source(%dma_start3A_179 : memref<10112x64xf32, #tpu.memory_space<vmem_shared>>) target(%arg10 : memref<64x64xf32, #tpu.memory_space<vmem>>) offsets(%dma_start3A_176 : memref<64xi32, #tpu.memory_space<vmem>>) semaphore(%arg16 : memref<!tpu.dma_semaphore, #tpu.memory_space<semaphore_mem>>)
    %dma_wait3A_180 = arith.constant 0 : i32
    %dma_wait3A_181 = arith.constant 0 : i32
    %dma_wait3A_182 = tpu.memref_slice %arg7[%dma_wait3A_180, %dma_wait3A_181] : memref<160x64xi32, #tpu.memory_space<vmem>> -> memref<1x64xi32, #tpu.memory_space<vmem>>
    %dma_wait3A_183 = tpu.memref_squeeze %dma_wait3A_182 : memref<1x64xi32, #tpu.memory_space<vmem>> -> memref<64xi32, #tpu.memory_space<vmem>>
    %dma_wait3A_184 = arith.constant 0 : i32
    %dma_wait3A_185 = arith.constant 0 : i32
    %dma_wait3A_186 = tpu.memref_slice %arg13[%dma_wait3A_184, %dma_wait3A_185] : memref<10112x64xf32, #tpu.memory_space<vmem_shared>> -> memref<10112x64xf32, #tpu.memory_space<vmem_shared>>
    tpu.wait_indirect_dma semaphore(%arg15 : memref<!tpu.dma_semaphore, #tpu.memory_space<semaphore_mem>>) src(%dma_wait3A_186 : memref<10112x64xf32, #tpu.memory_space<vmem_shared>>) dst(%arg9 : memref<64x64xf32, #tpu.memory_space<vmem>>)
    %dma_start3A_187 = arith.constant 0 : i32
    %dma_start3A_188 = arith.constant 0 : i32
    %dma_start3A_189 = tpu.memref_slice %arg8[%dma_start3A_187, %dma_start3A_188] : memref<160x64xi32, #tpu.memory_space<vmem>> -> memref<1x64xi32, #tpu.memory_space<vmem>>
    %dma_start3A_190 = tpu.memref_squeeze %dma_start3A_189 : memref<1x64xi32, #tpu.memory_space<vmem>> -> memref<64xi32, #tpu.memory_space<vmem>>
    %dma_start3A_191 = arith.constant 0 : i32
    %dma_start3A_192 = arith.constant 0 : i32
    %dma_start3A_193 = tpu.memref_slice %arg14[%dma_start3A_191, %dma_start3A_192] : memref<10112x64xf32, #tpu.memory_space<vmem_shared>> -> memref<10112x64xf32, #tpu.memory_space<vmem_shared>>
    tpu.enqueue_indirect_dma source(%arg9 : memref<64x64xf32, #tpu.memory_space<vmem>>) target(%dma_start3A_193 : memref<10112x64xf32, #tpu.memory_space<vmem_shared>>) offsets(%dma_start3A_190 : memref<64xi32, #tpu.memory_space<vmem>>) semaphore(%arg19 : memref<!tpu.dma_semaphore, #tpu.memory_space<semaphore_mem>>) {add = true}
    %dma_start3A_194 = arith.constant 2 : i32
    %dma_start3A_195 = arith.constant 0 : i32
    %dma_start3A_196 = tpu.memref_slice %arg7[%dma_start3A_194, %dma_start3A_195] : memref<160x64xi32, #tpu.memory_space<vmem>> -> memref<1x64xi32, #tpu.memory_space<vmem>>
    %dma_start3A_197 = tpu.memref_squeeze %dma_start3A_196 : memref<1x64xi32, #tpu.memory_space<vmem>> -> memref<64xi32, #tpu.memory_space<vmem>>
    %dma_start3A_198 = arith.constant 0 : i32
    %dma_start3A_199 = arith.constant 0 : i32
    %dma_start3A_200 = tpu.memref_slice %arg13[%dma_start3A_198, %dma_start3A_199] : memref<10112x64xf32, #tpu.memory_space<vmem_shared>> -> memref<10112x64xf32, #tpu.memory_space<vmem_shared>>
    tpu.enqueue_indirect_dma source(%dma_start3A_200 : memref<10112x64xf32, #tpu.memory_space<vmem_shared>>) target(%arg11 : memref<64x64xf32, #tpu.memory_space<vmem>>) offsets(%dma_start3A_197 : memref<64xi32, #tpu.memory_space<vmem>>) semaphore(%arg17 : memref<!tpu.dma_semaphore, #tpu.memory_space<semaphore_mem>>)
    %dma_wait3A_201 = arith.constant 1 : i32
    %dma_wait3A_202 = arith.constant 0 : i32
    %dma_wait3A_203 = tpu.memref_slice %arg7[%dma_wait3A_201, %dma_wait3A_202] : memref<160x64xi32, #tpu.memory_space<vmem>> -> memref<1x64xi32, #tpu.memory_space<vmem>>
    %dma_wait3A_204 = tpu.memref_squeeze %dma_wait3A_203 : memref<1x64xi32, #tpu.memory_space<vmem>> -> memref<64xi32, #tpu.memory_space<vmem>>
    %dma_wait3A_205 = arith.constant 0 : i32
    %dma_wait3A_206 = arith.constant 0 : i32
    %dma_wait3A_207 = tpu.memref_slice %arg13[%dma_wait3A_205, %dma_wait3A_206] : memref<10112x64xf32, #tpu.memory_space<vmem_shared>> -> memref<10112x64xf32, #tpu.memory_space<vmem_shared>>
    tpu.wait_indirect_dma semaphore(%arg16 : memref<!tpu.dma_semaphore, #tpu.memory_space<semaphore_mem>>) src(%dma_wait3A_207 : memref<10112x64xf32, #tpu.memory_space<vmem_shared>>) dst(%arg10 : memref<64x64xf32, #tpu.memory_space<vmem>>)
    %dma_start3A_208 = arith.constant 1 : i32
    %dma_start3A_209 = arith.constant 0 : i32
    %dma_start3A_210 = tpu.memref_slice %arg8[%dma_start3A_208, %dma_start3A_209] : memref<160x64xi32, #tpu.memory_space<vmem>> -> memref<1x64xi32, #tpu.memory_space<vmem>>
    %dma_start3A_211 = tpu.memref_squeeze %dma_start3A_210 : memref<1x64xi32, #tpu.memory_space<vmem>> -> memref<64xi32, #tpu.memory_space<vmem>>
    %dma_start3A_212 = arith.constant 0 : i32
    %dma_start3A_213 = arith.constant 0 : i32
    %dma_start3A_214 = tpu.memref_slice %arg14[%dma_start3A_212, %dma_start3A_213] : memref<10112x64xf32, #tpu.memory_space<vmem_shared>> -> memref<10112x64xf32, #tpu.memory_space<vmem_shared>>
    tpu.enqueue_indirect_dma source(%arg10 : memref<64x64xf32, #tpu.memory_space<vmem>>) target(%dma_start3A_214 : memref<10112x64xf32, #tpu.memory_space<vmem_shared>>) offsets(%dma_start3A_211 : memref<64xi32, #tpu.memory_space<vmem>>) semaphore(%arg20 : memref<!tpu.dma_semaphore, #tpu.memory_space<semaphore_mem>>) {add = true}
    %dma_start3A_215 = arith.constant 3 : i32
    %dma_start3A_216 = arith.constant 0 : i32
    %dma_start3A_217 = tpu.memref_slice %arg7[%dma_start3A_215, %dma_start3A_216] : memref<160x64xi32, #tpu.memory_space<vmem>> -> memref<1x64xi32, #tpu.memory_space<vmem>>
    %dma_start3A_218 = tpu.memref_squeeze %dma_start3A_217 : memref<1x64xi32, #tpu.memory_space<vmem>> -> memref<64xi32, #tpu.memory_space<vmem>>
    %dma_start3A_219 = arith.constant 0 : i32
    %dma_start3A_220 = arith.constant 0 : i32
    %dma_start3A_221 = tpu.memref_slice %arg13[%dma_start3A_219, %dma_start3A_220] : memref<10112x64xf32, #tpu.memory_space<vmem_shared>> -> memref<10112x64xf32, #tpu.memory_space<vmem_shared>>
    tpu.enqueue_indirect_dma source(%dma_start3A_221 : memref<10112x64xf32, #tpu.memory_space<vmem_shared>>) target(%arg12 : memref<64x64xf32, #tpu.memory_space<vmem>>) offsets(%dma_start3A_218 : memref<64xi32, #tpu.memory_space<vmem>>) semaphore(%arg18 : memref<!tpu.dma_semaphore, #tpu.memory_space<semaphore_mem>>)
    %scan3A_222 = arith.constant 0 : i32
    %scan3A_223 = arith.constant 0 : i32
    %scan3A_224 = arith.constant 39 : i32
    %scan3A_225 = arith.addi %scan3A_223, %scan3A_224 : i32
    %scan3A_226 = arith.constant 1 : i32
    scf.for %scan3A_290 = %scan3A_223 to %scan3A_225 step %scan3A_226  : i32 {
      %mul3A_291 = arith.constant 4 : i32
      %mul3A_292 = arith.muli %mul3A_291, %scan3A_290 : i32
      %add3A_293 = arith.constant 2 : i32
      %add3A_294 = arith.addi %add3A_293, %mul3A_292 : i32
      %add3A_295 = arith.constant 0 : i32
      %add3A_296 = arith.addi %add3A_294, %add3A_295 : i32
      %dma_wait3A_297 = arith.constant 0 : i32
      %dma_wait3A_298 = tpu.memref_slice %arg7[%add3A_296, %dma_wait3A_297] : memref<160x64xi32, #tpu.memory_space<vmem>> -> memref<1x64xi32, #tpu.memory_space<vmem>>
      %dma_wait3A_299 = tpu.memref_squeeze %dma_wait3A_298 : memref<1x64xi32, #tpu.memory_space<vmem>> -> memref<64xi32, #tpu.memory_space<vmem>>
      %dma_wait3A_300 = arith.constant 0 : i32
      %dma_wait3A_301 = arith.constant 0 : i32
      %dma_wait3A_302 = tpu.memref_slice %arg13[%dma_wait3A_300, %dma_wait3A_301] : memref<10112x64xf32, #tpu.memory_space<vmem_shared>> -> memref<10112x64xf32, #tpu.memory_space<vmem_shared>>
      tpu.wait_indirect_dma semaphore(%arg17 : memref<!tpu.dma_semaphore, #tpu.memory_space<semaphore_mem>>) src(%dma_wait3A_302 : memref<10112x64xf32, #tpu.memory_space<vmem_shared>>) dst(%arg11 : memref<64x64xf32, #tpu.memory_space<vmem>>)
      %dma_start3A_303 = arith.constant 0 : i32
      %dma_start3A_304 = tpu.memref_slice %arg8[%add3A_296, %dma_start3A_303] : memref<160x64xi32, #tpu.memory_space<vmem>> -> memref<1x64xi32, #tpu.memory_space<vmem>>
      %dma_start3A_305 = tpu.memref_squeeze %dma_start3A_304 : memref<1x64xi32, #tpu.memory_space<vmem>> -> memref<64xi32, #tpu.memory_space<vmem>>
      %dma_start3A_306 = arith.constant 0 : i32
      %dma_start3A_307 = arith.constant 0 : i32
      %dma_start3A_308 = tpu.memref_slice %arg14[%dma_start3A_306, %dma_start3A_307] : memref<10112x64xf32, #tpu.memory_space<vmem_shared>> -> memref<10112x64xf32, #tpu.memory_space<vmem_shared>>
      tpu.enqueue_indirect_dma source(%arg11 : memref<64x64xf32, #tpu.memory_space<vmem>>) target(%dma_start3A_308 : memref<10112x64xf32, #tpu.memory_space<vmem_shared>>) offsets(%dma_start3A_305 : memref<64xi32, #tpu.memory_space<vmem>>) semaphore(%arg21 : memref<!tpu.dma_semaphore, #tpu.memory_space<semaphore_mem>>) {add = true}
      %add3A_309 = arith.constant 2 : i32
      %add3A_310 = arith.addi %add3A_296, %add3A_309 : i32
      %sub3A = arith.constant 4 : i32
      %sub3A_311 = arith.subi %add3A_310, %sub3A : i32
      %dma_wait3A_312 = arith.constant 0 : i32
      %dma_wait3A_313 = tpu.memref_slice %arg8[%sub3A_311, %dma_wait3A_312] : memref<160x64xi32, #tpu.memory_space<vmem>> -> memref<1x64xi32, #tpu.memory_space<vmem>>
      %dma_wait3A_314 = tpu.memref_squeeze %dma_wait3A_313 : memref<1x64xi32, #tpu.memory_space<vmem>> -> memref<64xi32, #tpu.memory_space<vmem>>
      %dma_wait3A_315 = arith.constant 0 : i32
      %dma_wait3A_316 = arith.constant 0 : i32
      %dma_wait3A_317 = tpu.memref_slice %arg14[%dma_wait3A_315, %dma_wait3A_316] : memref<10112x64xf32, #tpu.memory_space<vmem_shared>> -> memref<10112x64xf32, #tpu.memory_space<vmem_shared>>
      tpu.wait_indirect_dma semaphore(%arg19 : memref<!tpu.dma_semaphore, #tpu.memory_space<semaphore_mem>>) src(%arg9 : memref<64x64xf32, #tpu.memory_space<vmem>>) dst(%dma_wait3A_317 : memref<10112x64xf32, #tpu.memory_space<vmem_shared>>)
      %add3A_318 = arith.constant 2 : i32
      %add3A_319 = arith.addi %add3A_296, %add3A_318 : i32
      %dma_start3A_320 = arith.constant 0 : i32
      %dma_start3A_321 = tpu.memref_slice %arg7[%add3A_319, %dma_start3A_320] : memref<160x64xi32, #tpu.memory_space<vmem>> -> memref<1x64xi32, #tpu.memory_space<vmem>>
      %dma_start3A_322 = tpu.memref_squeeze %dma_start3A_321 : memref<1x64xi32, #tpu.memory_space<vmem>> -> memref<64xi32, #tpu.memory_space<vmem>>
      %dma_start3A_323 = arith.constant 0 : i32
      %dma_start3A_324 = arith.constant 0 : i32
      %dma_start3A_325 = tpu.memref_slice %arg13[%dma_start3A_323, %dma_start3A_324] : memref<10112x64xf32, #tpu.memory_space<vmem_shared>> -> memref<10112x64xf32, #tpu.memory_space<vmem_shared>>
      tpu.enqueue_indirect_dma source(%dma_start3A_325 : memref<10112x64xf32, #tpu.memory_space<vmem_shared>>) target(%arg9 : memref<64x64xf32, #tpu.memory_space<vmem>>) offsets(%dma_start3A_322 : memref<64xi32, #tpu.memory_space<vmem>>) semaphore(%arg15 : memref<!tpu.dma_semaphore, #tpu.memory_space<semaphore_mem>>)
      %add3A_326 = arith.constant 1 : i32
      %add3A_327 = arith.addi %add3A_294, %add3A_326 : i32
      %dma_wait3A_328 = arith.constant 0 : i32
      %dma_wait3A_329 = tpu.memref_slice %arg7[%add3A_327, %dma_wait3A_328] : memref<160x64xi32, #tpu.memory_space<vmem>> -> memref<1x64xi32, #tpu.memory_space<vmem>>
      %dma_wait3A_330 = tpu.memref_squeeze %dma_wait3A_329 : memref<1x64xi32, #tpu.memory_space<vmem>> -> memref<64xi32, #tpu.memory_space<vmem>>
      %dma_wait3A_331 = arith.constant 0 : i32
      %dma_wait3A_332 = arith.constant 0 : i32
      %dma_wait3A_333 = tpu.memref_slice %arg13[%dma_wait3A_331, %dma_wait3A_332] : memref<10112x64xf32, #tpu.memory_space<vmem_shared>> -> memref<10112x64xf32, #tpu.memory_space<vmem_shared>>
      tpu.wait_indirect_dma semaphore(%arg18 : memref<!tpu.dma_semaphore, #tpu.memory_space<semaphore_mem>>) src(%dma_wait3A_333 : memref<10112x64xf32, #tpu.memory_space<vmem_shared>>) dst(%arg12 : memref<64x64xf32, #tpu.memory_space<vmem>>)
      %dma_start3A_334 = arith.constant 0 : i32
      %dma_start3A_335 = tpu.memref_slice %arg8[%add3A_327, %dma_start3A_334] : memref<160x64xi32, #tpu.memory_space<vmem>> -> memref<1x64xi32, #tpu.memory_space<vmem>>
      %dma_start3A_336 = tpu.memref_squeeze %dma_start3A_335 : memref<1x64xi32, #tpu.memory_space<vmem>> -> memref<64xi32, #tpu.memory_space<vmem>>
      %dma_start3A_337 = arith.constant 0 : i32
      %dma_start3A_338 = arith.constant 0 : i32
      %dma_start3A_339 = tpu.memref_slice %arg14[%dma_start3A_337, %dma_start3A_338] : memref<10112x64xf32, #tpu.memory_space<vmem_shared>> -> memref<10112x64xf32, #tpu.memory_space<vmem_shared>>
      tpu.enqueue_indirect_dma source(%arg12 : memref<64x64xf32, #tpu.memory_space<vmem>>) target(%dma_start3A_339 : memref<10112x64xf32, #tpu.memory_space<vmem_shared>>) offsets(%dma_start3A_336 : memref<64xi32, #tpu.memory_space<vmem>>) semaphore(%arg22 : memref<!tpu.dma_semaphore, #tpu.memory_space<semaphore_mem>>) {add = true}
      %add3A_340 = arith.constant 2 : i32
      %add3A_341 = arith.addi %add3A_327, %add3A_340 : i32
      %sub3A_342 = arith.constant 4 : i32
      %sub3A_343 = arith.subi %add3A_341, %sub3A_342 : i32
      %dma_wait3A_344 = arith.constant 0 : i32
      %dma_wait3A_345 = tpu.memref_slice %arg8[%sub3A_343, %dma_wait3A_344] : memref<160x64xi32, #tpu.memory_space<vmem>> -> memref<1x64xi32, #tpu.memory_space<vmem>>
      %dma_wait3A_346 = tpu.memref_squeeze %dma_wait3A_345 : memref<1x64xi32, #tpu.memory_space<vmem>> -> memref<64xi32, #tpu.memory_space<vmem>>
      %dma_wait3A_347 = arith.constant 0 : i32
      %dma_wait3A_348 = arith.constant 0 : i32
      %dma_wait3A_349 = tpu.memref_slice %arg14[%dma_wait3A_347, %dma_wait3A_348] : memref<10112x64xf32, #tpu.memory_space<vmem_shared>> -> memref<10112x64xf32, #tpu.memory_space<vmem_shared>>
      tpu.wait_indirect_dma semaphore(%arg20 : memref<!tpu.dma_semaphore, #tpu.memory_space<semaphore_mem>>) src(%arg10 : memref<64x64xf32, #tpu.memory_space<vmem>>) dst(%dma_wait3A_349 : memref<10112x64xf32, #tpu.memory_space<vmem_shared>>)
      %add3A_350 = arith.constant 2 : i32
      %add3A_351 = arith.addi %add3A_327, %add3A_350 : i32
      %dma_start3A_352 = arith.constant 0 : i32
      %dma_start3A_353 = tpu.memref_slice %arg7[%add3A_351, %dma_start3A_352] : memref<160x64xi32, #tpu.memory_space<vmem>> -> memref<1x64xi32, #tpu.memory_space<vmem>>
      %dma_start3A_354 = tpu.memref_squeeze %dma_start3A_353 : memref<1x64xi32, #tpu.memory_space<vmem>> -> memref<64xi32, #tpu.memory_space<vmem>>
      %dma_start3A_355 = arith.constant 0 : i32
      %dma_start3A_356 = arith.constant 0 : i32
      %dma_start3A_357 = tpu.memref_slice %arg13[%dma_start3A_355, %dma_start3A_356] : memref<10112x64xf32, #tpu.memory_space<vmem_shared>> -> memref<10112x64xf32, #tpu.memory_space<vmem_shared>>
      tpu.enqueue_indirect_dma source(%dma_start3A_357 : memref<10112x64xf32, #tpu.memory_space<vmem_shared>>) target(%arg10 : memref<64x64xf32, #tpu.memory_space<vmem>>) offsets(%dma_start3A_354 : memref<64xi32, #tpu.memory_space<vmem>>) semaphore(%arg16 : memref<!tpu.dma_semaphore, #tpu.memory_space<semaphore_mem>>)
      %add3A_358 = arith.constant 2 : i32
      %add3A_359 = arith.addi %add3A_294, %add3A_358 : i32
      %dma_wait3A_360 = arith.constant 0 : i32
      %dma_wait3A_361 = tpu.memref_slice %arg7[%add3A_359, %dma_wait3A_360] : memref<160x64xi32, #tpu.memory_space<vmem>> -> memref<1x64xi32, #tpu.memory_space<vmem>>
      %dma_wait3A_362 = tpu.memref_squeeze %dma_wait3A_361 : memref<1x64xi32, #tpu.memory_space<vmem>> -> memref<64xi32, #tpu.memory_space<vmem>>
      %dma_wait3A_363 = arith.constant 0 : i32
      %dma_wait3A_364 = arith.constant 0 : i32
      %dma_wait3A_365 = tpu.memref_slice %arg13[%dma_wait3A_363, %dma_wait3A_364] : memref<10112x64xf32, #tpu.memory_space<vmem_shared>> -> memref<10112x64xf32, #tpu.memory_space<vmem_shared>>
      tpu.wait_indirect_dma semaphore(%arg15 : memref<!tpu.dma_semaphore, #tpu.memory_space<semaphore_mem>>) src(%dma_wait3A_365 : memref<10112x64xf32, #tpu.memory_space<vmem_shared>>) dst(%arg9 : memref<64x64xf32, #tpu.memory_space<vmem>>)
      %dma_start3A_366 = arith.constant 0 : i32
      %dma_start3A_367 = tpu.memref_slice %arg8[%add3A_359, %dma_start3A_366] : memref<160x64xi32, #tpu.memory_space<vmem>> -> memref<1x64xi32, #tpu.memory_space<vmem>>
      %dma_start3A_368 = tpu.memref_squeeze %dma_start3A_367 : memref<1x64xi32, #tpu.memory_space<vmem>> -> memref<64xi32, #tpu.memory_space<vmem>>
      %dma_start3A_369 = arith.constant 0 : i32
      %dma_start3A_370 = arith.constant 0 : i32
      %dma_start3A_371 = tpu.memref_slice %arg14[%dma_start3A_369, %dma_start3A_370] : memref<10112x64xf32, #tpu.memory_space<vmem_shared>> -> memref<10112x64xf32, #tpu.memory_space<vmem_shared>>
      tpu.enqueue_indirect_dma source(%arg9 : memref<64x64xf32, #tpu.memory_space<vmem>>) target(%dma_start3A_371 : memref<10112x64xf32, #tpu.memory_space<vmem_shared>>) offsets(%dma_start3A_368 : memref<64xi32, #tpu.memory_space<vmem>>) semaphore(%arg19 : memref<!tpu.dma_semaphore, #tpu.memory_space<semaphore_mem>>) {add = true}
      %add3A_372 = arith.constant 2 : i32
      %add3A_373 = arith.addi %add3A_359, %add3A_372 : i32
      %sub3A_374 = arith.constant 4 : i32
      %sub3A_375 = arith.subi %add3A_373, %sub3A_374 : i32
      %dma_wait3A_376 = arith.constant 0 : i32
      %dma_wait3A_377 = tpu.memref_slice %arg8[%sub3A_375, %dma_wait3A_376] : memref<160x64xi32, #tpu.memory_space<vmem>> -> memref<1x64xi32, #tpu.memory_space<vmem>>
      %dma_wait3A_378 = tpu.memref_squeeze %dma_wait3A_377 : memref<1x64xi32, #tpu.memory_space<vmem>> -> memref<64xi32, #tpu.memory_space<vmem>>
      %dma_wait3A_379 = arith.constant 0 : i32
      %dma_wait3A_380 = arith.constant 0 : i32
      %dma_wait3A_381 = tpu.memref_slice %arg14[%dma_wait3A_379, %dma_wait3A_380] : memref<10112x64xf32, #tpu.memory_space<vmem_shared>> -> memref<10112x64xf32, #tpu.memory_space<vmem_shared>>
      tpu.wait_indirect_dma semaphore(%arg21 : memref<!tpu.dma_semaphore, #tpu.memory_space<semaphore_mem>>) src(%arg11 : memref<64x64xf32, #tpu.memory_space<vmem>>) dst(%dma_wait3A_381 : memref<10112x64xf32, #tpu.memory_space<vmem_shared>>)
      %add3A_382 = arith.constant 2 : i32
      %add3A_383 = arith.addi %add3A_359, %add3A_382 : i32
      %dma_start3A_384 = arith.constant 0 : i32
      %dma_start3A_385 = tpu.memref_slice %arg7[%add3A_383, %dma_start3A_384] : memref<160x64xi32, #tpu.memory_space<vmem>> -> memref<1x64xi32, #tpu.memory_space<vmem>>
      %dma_start3A_386 = tpu.memref_squeeze %dma_start3A_385 : memref<1x64xi32, #tpu.memory_space<vmem>> -> memref<64xi32, #tpu.memory_space<vmem>>
      %dma_start3A_387 = arith.constant 0 : i32
      %dma_start3A_388 = arith.constant 0 : i32
      %dma_start3A_389 = tpu.memref_slice %arg13[%dma_start3A_387, %dma_start3A_388] : memref<10112x64xf32, #tpu.memory_space<vmem_shared>> -> memref<10112x64xf32, #tpu.memory_space<vmem_shared>>
      tpu.enqueue_indirect_dma source(%dma_start3A_389 : memref<10112x64xf32, #tpu.memory_space<vmem_shared>>) target(%arg11 : memref<64x64xf32, #tpu.memory_space<vmem>>) offsets(%dma_start3A_386 : memref<64xi32, #tpu.memory_space<vmem>>) semaphore(%arg17 : memref<!tpu.dma_semaphore, #tpu.memory_space<semaphore_mem>>)
      %add3A_390 = arith.constant 3 : i32
      %add3A_391 = arith.addi %add3A_294, %add3A_390 : i32
      %dma_wait3A_392 = arith.constant 0 : i32
      %dma_wait3A_393 = tpu.memref_slice %arg7[%add3A_391, %dma_wait3A_392] : memref<160x64xi32, #tpu.memory_space<vmem>> -> memref<1x64xi32, #tpu.memory_space<vmem>>
      %dma_wait3A_394 = tpu.memref_squeeze %dma_wait3A_393 : memref<1x64xi32, #tpu.memory_space<vmem>> -> memref<64xi32, #tpu.memory_space<vmem>>
      %dma_wait3A_395 = arith.constant 0 : i32
      %dma_wait3A_396 = arith.constant 0 : i32
      %dma_wait3A_397 = tpu.memref_slice %arg13[%dma_wait3A_395, %dma_wait3A_396] : memref<10112x64xf32, #tpu.memory_space<vmem_shared>> -> memref<10112x64xf32, #tpu.memory_space<vmem_shared>>
      tpu.wait_indirect_dma semaphore(%arg16 : memref<!tpu.dma_semaphore, #tpu.memory_space<semaphore_mem>>) src(%dma_wait3A_397 : memref<10112x64xf32, #tpu.memory_space<vmem_shared>>) dst(%arg10 : memref<64x64xf32, #tpu.memory_space<vmem>>)
      %dma_start3A_398 = arith.constant 0 : i32
      %dma_start3A_399 = tpu.memref_slice %arg8[%add3A_391, %dma_start3A_398] : memref<160x64xi32, #tpu.memory_space<vmem>> -> memref<1x64xi32, #tpu.memory_space<vmem>>
      %dma_start3A_400 = tpu.memref_squeeze %dma_start3A_399 : memref<1x64xi32, #tpu.memory_space<vmem>> -> memref<64xi32, #tpu.memory_space<vmem>>
      %dma_start3A_401 = arith.constant 0 : i32
      %dma_start3A_402 = arith.constant 0 : i32
      %dma_start3A_403 = tpu.memref_slice %arg14[%dma_start3A_401, %dma_start3A_402] : memref<10112x64xf32, #tpu.memory_space<vmem_shared>> -> memref<10112x64xf32, #tpu.memory_space<vmem_shared>>
      tpu.enqueue_indirect_dma source(%arg10 : memref<64x64xf32, #tpu.memory_space<vmem>>) target(%dma_start3A_403 : memref<10112x64xf32, #tpu.memory_space<vmem_shared>>) offsets(%dma_start3A_400 : memref<64xi32, #tpu.memory_space<vmem>>) semaphore(%arg20 : memref<!tpu.dma_semaphore, #tpu.memory_space<semaphore_mem>>) {add = true}
      %add3A_404 = arith.constant 2 : i32
      %add3A_405 = arith.addi %add3A_391, %add3A_404 : i32
      %sub3A_406 = arith.constant 4 : i32
      %sub3A_407 = arith.subi %add3A_405, %sub3A_406 : i32
      %dma_wait3A_408 = arith.constant 0 : i32
      %dma_wait3A_409 = tpu.memref_slice %arg8[%sub3A_407, %dma_wait3A_408] : memref<160x64xi32, #tpu.memory_space<vmem>> -> memref<1x64xi32, #tpu.memory_space<vmem>>
      %dma_wait3A_410 = tpu.memref_squeeze %dma_wait3A_409 : memref<1x64xi32, #tpu.memory_space<vmem>> -> memref<64xi32, #tpu.memory_space<vmem>>
      %dma_wait3A_411 = arith.constant 0 : i32
      %dma_wait3A_412 = arith.constant 0 : i32
      %dma_wait3A_413 = tpu.memref_slice %arg14[%dma_wait3A_411, %dma_wait3A_412] : memref<10112x64xf32, #tpu.memory_space<vmem_shared>> -> memref<10112x64xf32, #tpu.memory_space<vmem_shared>>
      tpu.wait_indirect_dma semaphore(%arg22 : memref<!tpu.dma_semaphore, #tpu.memory_space<semaphore_mem>>) src(%arg12 : memref<64x64xf32, #tpu.memory_space<vmem>>) dst(%dma_wait3A_413 : memref<10112x64xf32, #tpu.memory_space<vmem_shared>>)
      %add3A_414 = arith.constant 2 : i32
      %add3A_415 = arith.addi %add3A_391, %add3A_414 : i32
      %dma_start3A_416 = arith.constant 0 : i32
      %dma_start3A_417 = tpu.memref_slice %arg7[%add3A_415, %dma_start3A_416] : memref<160x64xi32, #tpu.memory_space<vmem>> -> memref<1x64xi32, #tpu.memory_space<vmem>>
      %dma_start3A_418 = tpu.memref_squeeze %dma_start3A_417 : memref<1x64xi32, #tpu.memory_space<vmem>> -> memref<64xi32, #tpu.memory_space<vmem>>
      %dma_start3A_419 = arith.constant 0 : i32
      %dma_start3A_420 = arith.constant 0 : i32
      %dma_start3A_421 = tpu.memref_slice %arg13[%dma_start3A_419, %dma_start3A_420] : memref<10112x64xf32, #tpu.memory_space<vmem_shared>> -> memref<10112x64xf32, #tpu.memory_space<vmem_shared>>
      tpu.enqueue_indirect_dma source(%dma_start3A_421 : memref<10112x64xf32, #tpu.memory_space<vmem_shared>>) target(%arg12 : memref<64x64xf32, #tpu.memory_space<vmem>>) offsets(%dma_start3A_418 : memref<64xi32, #tpu.memory_space<vmem>>) semaphore(%arg18 : memref<!tpu.dma_semaphore, #tpu.memory_space<semaphore_mem>>)
    }
    %scan3A_227 = arith.constant 39 : i32
    %dma_wait3A_228 = arith.constant 158 : i32
    %dma_wait3A_229 = arith.constant 0 : i32
    %dma_wait3A_230 = tpu.memref_slice %arg7[%dma_wait3A_228, %dma_wait3A_229] : memref<160x64xi32, #tpu.memory_space<vmem>> -> memref<1x64xi32, #tpu.memory_space<vmem>>
    %dma_wait3A_231 = tpu.memref_squeeze %dma_wait3A_230 : memref<1x64xi32, #tpu.memory_space<vmem>> -> memref<64xi32, #tpu.memory_space<vmem>>
    %dma_wait3A_232 = arith.constant 0 : i32
    %dma_wait3A_233 = arith.constant 0 : i32
    %dma_wait3A_234 = tpu.memref_slice %arg13[%dma_wait3A_232, %dma_wait3A_233] : memref<10112x64xf32, #tpu.memory_space<vmem_shared>> -> memref<10112x64xf32, #tpu.memory_space<vmem_shared>>
    tpu.wait_indirect_dma semaphore(%arg17 : memref<!tpu.dma_semaphore, #tpu.memory_space<semaphore_mem>>) src(%dma_wait3A_234 : memref<10112x64xf32, #tpu.memory_space<vmem_shared>>) dst(%arg11 : memref<64x64xf32, #tpu.memory_space<vmem>>)
    %dma_start3A_235 = arith.constant 158 : i32
    %dma_start3A_236 = arith.constant 0 : i32
    %dma_start3A_237 = tpu.memref_slice %arg8[%dma_start3A_235, %dma_start3A_236] : memref<160x64xi32, #tpu.memory_space<vmem>> -> memref<1x64xi32, #tpu.memory_space<vmem>>
    %dma_start3A_238 = tpu.memref_squeeze %dma_start3A_237 : memref<1x64xi32, #tpu.memory_space<vmem>> -> memref<64xi32, #tpu.memory_space<vmem>>
    %dma_start3A_239 = arith.constant 0 : i32
    %dma_start3A_240 = arith.constant 0 : i32
    %dma_start3A_241 = tpu.memref_slice %arg14[%dma_start3A_239, %dma_start3A_240] : memref<10112x64xf32, #tpu.memory_space<vmem_shared>> -> memref<10112x64xf32, #tpu.memory_space<vmem_shared>>
    tpu.enqueue_indirect_dma source(%arg11 : memref<64x64xf32, #tpu.memory_space<vmem>>) target(%dma_start3A_241 : memref<10112x64xf32, #tpu.memory_space<vmem_shared>>) offsets(%dma_start3A_238 : memref<64xi32, #tpu.memory_space<vmem>>) semaphore(%arg21 : memref<!tpu.dma_semaphore, #tpu.memory_space<semaphore_mem>>) {add = true}
    %dma_wait3A_242 = arith.constant 159 : i32
    %dma_wait3A_243 = arith.constant 0 : i32
    %dma_wait3A_244 = tpu.memref_slice %arg7[%dma_wait3A_242, %dma_wait3A_243] : memref<160x64xi32, #tpu.memory_space<vmem>> -> memref<1x64xi32, #tpu.memory_space<vmem>>
    %dma_wait3A_245 = tpu.memref_squeeze %dma_wait3A_244 : memref<1x64xi32, #tpu.memory_space<vmem>> -> memref<64xi32, #tpu.memory_space<vmem>>
    %dma_wait3A_246 = arith.constant 0 : i32
    %dma_wait3A_247 = arith.constant 0 : i32
    %dma_wait3A_248 = tpu.memref_slice %arg13[%dma_wait3A_246, %dma_wait3A_247] : memref<10112x64xf32, #tpu.memory_space<vmem_shared>> -> memref<10112x64xf32, #tpu.memory_space<vmem_shared>>
    tpu.wait_indirect_dma semaphore(%arg18 : memref<!tpu.dma_semaphore, #tpu.memory_space<semaphore_mem>>) src(%dma_wait3A_248 : memref<10112x64xf32, #tpu.memory_space<vmem_shared>>) dst(%arg12 : memref<64x64xf32, #tpu.memory_space<vmem>>)
    %dma_start3A_249 = arith.constant 159 : i32
    %dma_start3A_250 = arith.constant 0 : i32
    %dma_start3A_251 = tpu.memref_slice %arg8[%dma_start3A_249, %dma_start3A_250] : memref<160x64xi32, #tpu.memory_space<vmem>> -> memref<1x64xi32, #tpu.memory_space<vmem>>
    %dma_start3A_252 = tpu.memref_squeeze %dma_start3A_251 : memref<1x64xi32, #tpu.memory_space<vmem>> -> memref<64xi32, #tpu.memory_space<vmem>>
    %dma_start3A_253 = arith.constant 0 : i32
    %dma_start3A_254 = arith.constant 0 : i32
    %dma_start3A_255 = tpu.memref_slice %arg14[%dma_start3A_253, %dma_start3A_254] : memref<10112x64xf32, #tpu.memory_space<vmem_shared>> -> memref<10112x64xf32, #tpu.memory_space<vmem_shared>>
    tpu.enqueue_indirect_dma source(%arg12 : memref<64x64xf32, #tpu.memory_space<vmem>>) target(%dma_start3A_255 : memref<10112x64xf32, #tpu.memory_space<vmem_shared>>) offsets(%dma_start3A_252 : memref<64xi32, #tpu.memory_space<vmem>>) semaphore(%arg22 : memref<!tpu.dma_semaphore, #tpu.memory_space<semaphore_mem>>) {add = true}
    %dma_wait3A_256 = arith.constant 156 : i32
    %dma_wait3A_257 = arith.constant 0 : i32
    %dma_wait3A_258 = tpu.memref_slice %arg8[%dma_wait3A_256, %dma_wait3A_257] : memref<160x64xi32, #tpu.memory_space<vmem>> -> memref<1x64xi32, #tpu.memory_space<vmem>>
    %dma_wait3A_259 = tpu.memref_squeeze %dma_wait3A_258 : memref<1x64xi32, #tpu.memory_space<vmem>> -> memref<64xi32, #tpu.memory_space<vmem>>
    %dma_wait3A_260 = arith.constant 0 : i32
    %dma_wait3A_261 = arith.constant 0 : i32
    %dma_wait3A_262 = tpu.memref_slice %arg14[%dma_wait3A_260, %dma_wait3A_261] : memref<10112x64xf32, #tpu.memory_space<vmem_shared>> -> memref<10112x64xf32, #tpu.memory_space<vmem_shared>>
    tpu.wait_indirect_dma semaphore(%arg19 : memref<!tpu.dma_semaphore, #tpu.memory_space<semaphore_mem>>) src(%arg9 : memref<64x64xf32, #tpu.memory_space<vmem>>) dst(%dma_wait3A_262 : memref<10112x64xf32, #tpu.memory_space<vmem_shared>>)
    %dma_wait3A_263 = arith.constant 157 : i32
    %dma_wait3A_264 = arith.constant 0 : i32
    %dma_wait3A_265 = tpu.memref_slice %arg8[%dma_wait3A_263, %dma_wait3A_264] : memref<160x64xi32, #tpu.memory_space<vmem>> -> memref<1x64xi32, #tpu.memory_space<vmem>>
    %dma_wait3A_266 = tpu.memref_squeeze %dma_wait3A_265 : memref<1x64xi32, #tpu.memory_space<vmem>> -> memref<64xi32, #tpu.memory_space<vmem>>
    %dma_wait3A_267 = arith.constant 0 : i32
    %dma_wait3A_268 = arith.constant 0 : i32
    %dma_wait3A_269 = tpu.memref_slice %arg14[%dma_wait3A_267, %dma_wait3A_268] : memref<10112x64xf32, #tpu.memory_space<vmem_shared>> -> memref<10112x64xf32, #tpu.memory_space<vmem_shared>>
    tpu.wait_indirect_dma semaphore(%arg20 : memref<!tpu.dma_semaphore, #tpu.memory_space<semaphore_mem>>) src(%arg10 : memref<64x64xf32, #tpu.memory_space<vmem>>) dst(%dma_wait3A_269 : memref<10112x64xf32, #tpu.memory_space<vmem_shared>>)
    %dma_wait3A_270 = arith.constant 158 : i32
    %dma_wait3A_271 = arith.constant 0 : i32
    %dma_wait3A_272 = tpu.memref_slice %arg8[%dma_wait3A_270, %dma_wait3A_271] : memref<160x64xi32, #tpu.memory_space<vmem>> -> memref<1x64xi32, #tpu.memory_space<vmem>>
    %dma_wait3A_273 = tpu.memref_squeeze %dma_wait3A_272 : memref<1x64xi32, #tpu.memory_space<vmem>> -> memref<64xi32, #tpu.memory_space<vmem>>
    %dma_wait3A_274 = arith.constant 0 : i32
    %dma_wait3A_275 = arith.constant 0 : i32
    %dma_wait3A_276 = tpu.memref_slice %arg14[%dma_wait3A_274, %dma_wait3A_275] : memref<10112x64xf32, #tpu.memory_space<vmem_shared>> -> memref<10112x64xf32, #tpu.memory_space<vmem_shared>>
    tpu.wait_indirect_dma semaphore(%arg21 : memref<!tpu.dma_semaphore, #tpu.memory_space<semaphore_mem>>) src(%arg11 : memref<64x64xf32, #tpu.memory_space<vmem>>) dst(%dma_wait3A_276 : memref<10112x64xf32, #tpu.memory_space<vmem_shared>>)
    %dma_wait3A_277 = arith.constant 159 : i32
    %dma_wait3A_278 = arith.constant 0 : i32
    %dma_wait3A_279 = tpu.memref_slice %arg8[%dma_wait3A_277, %dma_wait3A_278] : memref<160x64xi32, #tpu.memory_space<vmem>> -> memref<1x64xi32, #tpu.memory_space<vmem>>
    %dma_wait3A_280 = tpu.memref_squeeze %dma_wait3A_279 : memref<1x64xi32, #tpu.memory_space<vmem>> -> memref<64xi32, #tpu.memory_space<vmem>>
    %dma_wait3A_281 = arith.constant 0 : i32
    %dma_wait3A_282 = arith.constant 0 : i32
    %dma_wait3A_283 = tpu.memref_slice %arg14[%dma_wait3A_281, %dma_wait3A_282] : memref<10112x64xf32, #tpu.memory_space<vmem_shared>> -> memref<10112x64xf32, #tpu.memory_space<vmem_shared>>
    tpu.wait_indirect_dma semaphore(%arg22 : memref<!tpu.dma_semaphore, #tpu.memory_space<semaphore_mem>>) src(%arg12 : memref<64x64xf32, #tpu.memory_space<vmem>>) dst(%dma_wait3A_283 : memref<10112x64xf32, #tpu.memory_space<vmem_shared>>)
    %barrier3A_284 = arith.constant 0 : index
    tpu.barrier barrier_id(%barrier3A_284)
    %mul3A_285 = arith.constant 632 : i32
    %mul3A_286 = arith.muli %arg1, %mul3A_285 : i32
    %mul3A_287 = arith.constant 632 : i32
    %mul3A_288 = arith.muli %arg1, %mul3A_287 : i32
    %run_scoped3A_289 = arith.constant 1 : i32
    "tpu.region"() ({
      %run_scoped3A_290 = tpu.sem_alloc : memref<!tpu.dma_semaphore, #tpu.memory_space<semaphore_mem>>
      %dma_start3A_291 = arith.constant 0 : i32
      %dma_start3A_292 = tpu.memref_slice %arg6[%arg0, %run_scoped3A_289, %mul3A_288, %dma_start3A_291] : memref<2x2x10112x64xf32, #tpu.memory_space<hbm>> -> memref<1x1x632x64xf32, #tpu.memory_space<hbm>>
      %dma_start3A_293 = tpu.memref_squeeze %dma_start3A_292 : memref<1x1x632x64xf32, #tpu.memory_space<hbm>> -> memref<632x64xf32, #tpu.memory_space<hbm>>
      %dma_start3A_294 = arith.constant 0 : i32
      %dma_start3A_295 = tpu.memref_slice %arg14[%mul3A_286, %dma_start3A_294] : memref<10112x64xf32, #tpu.memory_space<vmem_shared>> -> memref<632x64xf32, #tpu.memory_space<vmem_shared>>
      tpu.enqueue_dma source(%dma_start3A_295 : memref<632x64xf32, #tpu.memory_space<vmem_shared>>) target(%dma_start3A_293 : memref<632x64xf32, #tpu.memory_space<hbm>>) target_semaphore(%run_scoped3A_290 : memref<!tpu.dma_semaphore, #tpu.memory_space<semaphore_mem>>)
      %dma_wait3A_296 = arith.constant 0 : i32
      %dma_wait3A_297 = tpu.memref_slice %arg6[%arg0, %run_scoped3A_289, %mul3A_288, %dma_wait3A_296] : memref<2x2x10112x64xf32, #tpu.memory_space<hbm>> -> memref<1x1x632x64xf32, #tpu.memory_space<hbm>>
      %dma_wait3A_298 = tpu.memref_squeeze %dma_wait3A_297 : memref<1x1x632x64xf32, #tpu.memory_space<hbm>> -> memref<632x64xf32, #tpu.memory_space<hbm>>
      %dma_wait3A_299 = arith.constant 0 : i32
      %dma_wait3A_300 = tpu.memref_slice %arg14[%mul3A_286, %dma_wait3A_299] : memref<10112x64xf32, #tpu.memory_space<vmem_shared>> -> memref<632x64xf32, #tpu.memory_space<vmem_shared>>
      tpu.wait_dma2 semaphore(%run_scoped3A_290 : memref<!tpu.dma_semaphore, #tpu.memory_space<semaphore_mem>>) src(%dma_wait3A_300 : memref<632x64xf32, #tpu.memory_space<vmem_shared>>) dst(%dma_wait3A_298 : memref<632x64xf32, #tpu.memory_space<hbm>>)
      tpu.yield
    }) : () -> ()
    return
  }
}

module attributes {stable_mosaic.version = 14 : i64} {
  func.func @body(%arg0: i32, %arg1: memref<632x128xf32, #tpu.memory_space<vmem>>, %arg2: memref<632x16xf32, #tpu.memory_space<vmem>>, %arg3: memref<632x16xf32, #tpu.memory_space<vmem>>, %arg4: memref<128x128xf32, #tpu.memory_space<vmem>>, %arg5: memref<632x64xf32, #tpu.memory_space<vmem>>, %arg6: memref<632x64xf32, #tpu.memory_space<vmem>>, %arg7: memref<632x16xf32, #tpu.memory_space<vmem>>) attributes {dimension_semantics = [#tpu.dimension_semantics<arbitrary>], iteration_bounds = array<i64: 16>, scalar_prefetch = 0 : i64, scratch_operands = 0 : i64, tpu.core_type = #tpu.core_type<tc>, window_params = [{transform_indices = @transform_0, window_bounds = array<i64: 632, 128>}, {transform_indices = @transform_1, window_bounds = array<i64: 632, 16>}, {transform_indices = @transform_2, window_bounds = array<i64: 632, 16>}, {pipeline_mode = #tpu.pipeline_mode<synchronous>, transform_indices = @transform_3, window_bounds = array<i64: 128, 128>}, {transform_indices = @transform_4, window_bounds = array<i64: 632, 64>}, {transform_indices = @transform_5, window_bounds = array<i64: 632, 64>}, {transform_indices = @transform_6, window_bounds = array<i64: 632, 16>}]} {
    %get3A = arith.constant 0 : index
    %get3A_0 = arith.constant 0 : index
    %get3A_1 = vector.load %arg2[%get3A, %get3A_0] : memref<632x16xf32, #tpu.memory_space<vmem>>, vector<632x16xf32>
    %get3A_2 = arith.constant 0 : index
    %get3A_3 = arith.constant 0 : index
    %get3A_4 = vector.load %arg3[%get3A_2, %get3A_3] : memref<632x16xf32, #tpu.memory_space<vmem>>, vector<632x16xf32>
    %add3A = arith.addf %get3A_1, %get3A_4 : vector<632x16xf32>
    %add3A_5 = arith.constant 1.000000e+00 : f32
    %add3A_6 = vector.broadcast %add3A_5 : f32 to vector<632x16xf32>
    %add3A_7 = arith.addf %add3A, %add3A_6 : vector<632x16xf32>
    %rsqrt3A = math.rsqrt %add3A_7 : vector<632x16xf32>
    %swap3A = arith.constant 0 : index
    %swap3A_8 = arith.constant 0 : index
    %swap3A_9 = vector.load %arg7[%swap3A, %swap3A_8] : memref<632x16xf32, #tpu.memory_space<vmem>>, vector<632x16xf32>
    tpu.vector_store %arg7[%swap3A, %swap3A_8], %rsqrt3A {strides = array<i32>} : memref<632x16xf32, #tpu.memory_space<vmem>>, vector<632x16xf32>,
    %get3A_10 = arith.constant 0 : index
    %get3A_11 = arith.constant 0 : index
    %get3A_12 = vector.load %arg1[%get3A_10, %get3A_11] : memref<632x128xf32, #tpu.memory_space<vmem>>, vector<632x128xf32>
    %slice3A = vector.extract_strided_slice %rsqrt3A {offsets = [0, 0], sizes = [632, 1], strides = [1, 1]} : vector<632x16xf32> to vector<632x1xf32>
    %mul3A = vector.broadcast %slice3A : vector<632x1xf32> to vector<632x128xf32>
    %mul3A_13 = arith.mulf %get3A_12, %mul3A : vector<632x128xf32>
    %get3A_14 = arith.constant 0 : index
    %get3A_15 = arith.constant 0 : index
    %get3A_16 = vector.load %arg4[%get3A_14, %get3A_15] : memref<128x128xf32, #tpu.memory_space<vmem>>, vector<128x128xf32>
    %dot_general3A = arith.constant dense<0.000000e+00> : vector<632x128xf32>
    %dot_general3A_17 = tpu.matmul %mul3A_13, %get3A_16, %dot_general3A {dimension_numbers = #tpu.dot_dimension_numbers<[1], [1], [0], [0], [0, 0, 1, 0], [], []>, transpose_lhs_hint = false} : vector<632x128xf32>, vector<128x128xf32>, vector<632x128xf32> -> vector<632x128xf32>
    %slice3A_18 = vector.extract_strided_slice %dot_general3A_17 {offsets = [0, 0], sizes = [632, 64], strides = [1, 1]} : vector<632x128xf32> to vector<632x64xf32>
    %swap3A_19 = arith.constant 0 : index
    %swap3A_20 = arith.constant 0 : index
    %swap3A_21 = vector.load %arg5[%swap3A_19, %swap3A_20] : memref<632x64xf32, #tpu.memory_space<vmem>>, vector<632x64xf32>
    tpu.vector_store %arg5[%swap3A_19, %swap3A_20], %slice3A_18 {strides = array<i32>} : memref<632x64xf32, #tpu.memory_space<vmem>>, vector<632x64xf32>,
    %slice3A_22 = vector.extract_strided_slice %dot_general3A_17 {offsets = [0, 64], sizes = [632, 64], strides = [1, 1]} : vector<632x128xf32> to vector<632x64xf32>
    %swap3A_23 = arith.constant 0 : index
    %swap3A_24 = arith.constant 0 : index
    %swap3A_25 = vector.load %arg6[%swap3A_23, %swap3A_24] : memref<632x64xf32, #tpu.memory_space<vmem>>, vector<632x64xf32>
    tpu.vector_store %arg6[%swap3A_23, %swap3A_24], %slice3A_22 {strides = array<i32>} : memref<632x64xf32, #tpu.memory_space<vmem>>, vector<632x64xf32>,
    return
  }
  func.func @transform_0(%arg0: i32) -> (i32, i32) {
    %c0_i32 = arith.constant 0 : i32
    %c0_i32_0 = arith.constant 0 : i32
    return %arg0, %c0_i32 : i32, i32
  }
  func.func @transform_1(%arg0: i32) -> (i32, i32) {
    %c0_i32 = arith.constant 0 : i32
    %c0_i32_0 = arith.constant 0 : i32
    return %arg0, %c0_i32 : i32, i32
  }
  func.func @transform_2(%arg0: i32) -> (i32, i32) {
    %c0_i32 = arith.constant 0 : i32
    %c0_i32_0 = arith.constant 0 : i32
    return %arg0, %c0_i32 : i32, i32
  }
  func.func @transform_3(%arg0: i32) -> (i32, i32) {
    %c0_i32 = arith.constant 0 : i32
    %c0_i32_0 = arith.constant 0 : i32
    %c0_i32_1 = arith.constant 0 : i32
    return %c0_i32, %c0_i32_0 : i32, i32
  }
  func.func @transform_4(%arg0: i32) -> (i32, i32) {
    %c0_i32 = arith.constant 0 : i32
    %c0_i32_0 = arith.constant 0 : i32
    return %arg0, %c0_i32 : i32, i32
  }
  func.func @transform_5(%arg0: i32) -> (i32, i32) {
    %c0_i32 = arith.constant 0 : i32
    %c0_i32_0 = arith.constant 0 : i32
    return %arg0, %c0_i32 : i32, i32
  }
  func.func @transform_6(%arg0: i32) -> (i32, i32) {
    %c0_i32 = arith.constant 0 : i32
    %c0_i32_0 = arith.constant 0 : i32
    return %arg0, %c0_i32 : i32, i32
  }
}

module attributes {stable_mosaic.version = 14 : i64} {
  func.func @body(%arg0: i32, %arg1: memref<632x64xf32, #tpu.memory_space<vmem>>, %arg2: memref<632x64xf32, #tpu.memory_space<vmem>>, %arg3: memref<632x64xf32, #tpu.memory_space<vmem>>, %arg4: memref<632x64xf32, #tpu.memory_space<vmem>>, %arg5: memref<632x64xf32, #tpu.memory_space<vmem>>, %arg6: memref<632x64xf32, #tpu.memory_space<vmem>>, %arg7: memref<632x16xf32, #tpu.memory_space<vmem>>, %arg8: memref<1x128xf32, #tpu.memory_space<vmem>>, %arg9: memref<64x128xf32, #tpu.memory_space<vmem>>, %arg10: memref<632x64xf32, #tpu.memory_space<vmem>>) attributes {dimension_semantics = [#tpu.dimension_semantics<arbitrary>], iteration_bounds = array<i64: 16>, scalar_prefetch = 0 : i64, scratch_operands = 0 : i64, tpu.core_type = #tpu.core_type<tc>, window_params = [{transform_indices = @transform_0, window_bounds = array<i64: 632, 64>}, {transform_indices = @transform_1, window_bounds = array<i64: 632, 64>}, {transform_indices = @transform_2, window_bounds = array<i64: 632, 64>}, {transform_indices = @transform_3, window_bounds = array<i64: 632, 64>}, {transform_indices = @transform_4, window_bounds = array<i64: 632, 64>}, {transform_indices = @transform_5, window_bounds = array<i64: 632, 64>}, {transform_indices = @transform_6, window_bounds = array<i64: 632, 16>}, {pipeline_mode = #tpu.pipeline_mode<synchronous>, transform_indices = @transform_7, window_bounds = array<i64: 1, 128>}, {pipeline_mode = #tpu.pipeline_mode<synchronous>, transform_indices = @transform_8, window_bounds = array<i64: 64, 128>}, {transform_indices = @transform_9, window_bounds = array<i64: 632, 64>}]} {
    %get3A = arith.constant 0 : index
    %get3A_0 = arith.constant 0 : index
    %get3A_1 = vector.load %arg7[%get3A, %get3A_0] : memref<632x16xf32, #tpu.memory_space<vmem>>, vector<632x16xf32>
    %slice3A = vector.extract_strided_slice %get3A_1 {offsets = [0, 0], sizes = [632, 1], strides = [1, 1]} : vector<632x16xf32> to vector<632x1xf32>
    %get3A_2 = arith.constant 0 : index
    %get3A_3 = arith.constant 0 : index
    %get3A_4 = vector.load %arg8[%get3A_2, %get3A_3] : memref<1x128xf32, #tpu.memory_space<vmem>>, vector<1x128xf32>
    %get3A_5 = arith.constant 0 : index
    %get3A_6 = arith.constant 0 : index
    %get3A_7 = vector.load %arg1[%get3A_5, %get3A_6] : memref<632x64xf32, #tpu.memory_space<vmem>>, vector<632x64xf32>
    %get3A_8 = arith.constant 0 : index
    %get3A_9 = arith.constant 0 : index
    %get3A_10 = vector.load %arg3[%get3A_8, %get3A_9] : memref<632x64xf32, #tpu.memory_space<vmem>>, vector<632x64xf32>
    %add3A = arith.addf %get3A_7, %get3A_10 : vector<632x64xf32>
    %get3A_11 = arith.constant 0 : index
    %get3A_12 = arith.constant 0 : index
    %get3A_13 = vector.load %arg5[%get3A_11, %get3A_12] : memref<632x64xf32, #tpu.memory_space<vmem>>, vector<632x64xf32>
    %add3A_14 = arith.addf %add3A, %get3A_13 : vector<632x64xf32>
    %mul3A = vector.broadcast %slice3A : vector<632x1xf32> to vector<632x64xf32>
    %mul3A_15 = arith.mulf %mul3A, %add3A_14 : vector<632x64xf32>
    %slice3A_16 = vector.extract_strided_slice %get3A_4 {offsets = [0, 0], sizes = [1, 64], strides = [1, 1]} : vector<1x128xf32> to vector<1x64xf32>
    %add3A_17 = vector.broadcast %slice3A_16 : vector<1x64xf32> to vector<632x64xf32>
    %add3A_18 = arith.addf %mul3A_15, %add3A_17 : vector<632x64xf32>
    %get3A_19 = arith.constant 0 : index
    %get3A_20 = arith.constant 0 : index
    %get3A_21 = vector.load %arg2[%get3A_19, %get3A_20] : memref<632x64xf32, #tpu.memory_space<vmem>>, vector<632x64xf32>
    %get3A_22 = arith.constant 0 : index
    %get3A_23 = arith.constant 0 : index
    %get3A_24 = vector.load %arg4[%get3A_22, %get3A_23] : memref<632x64xf32, #tpu.memory_space<vmem>>, vector<632x64xf32>
    %add3A_25 = arith.addf %get3A_21, %get3A_24 : vector<632x64xf32>
    %get3A_26 = arith.constant 0 : index
    %get3A_27 = arith.constant 0 : index
    %get3A_28 = vector.load %arg6[%get3A_26, %get3A_27] : memref<632x64xf32, #tpu.memory_space<vmem>>, vector<632x64xf32>
    %add3A_29 = arith.addf %add3A_25, %get3A_28 : vector<632x64xf32>
    %mul3A_30 = vector.broadcast %slice3A : vector<632x1xf32> to vector<632x64xf32>
    %mul3A_31 = arith.mulf %mul3A_30, %add3A_29 : vector<632x64xf32>
    %slice3A_32 = vector.extract_strided_slice %get3A_4 {offsets = [0, 64], sizes = [1, 64], strides = [1, 1]} : vector<1x128xf32> to vector<1x64xf32>
    %add3A_33 = vector.broadcast %slice3A_32 : vector<1x64xf32> to vector<632x64xf32>
    %add3A_34 = arith.addf %mul3A_31, %add3A_33 : vector<632x64xf32>
    %max3A = arith.constant 0.000000e+00 : f32
    %max3A_35 = vector.broadcast %max3A : f32 to vector<632x64xf32>
    %max3A_36 = arith.maximumf %add3A_18, %max3A_35 : vector<632x64xf32>
    %mul3A_37 = vector.broadcast %slice3A : vector<632x1xf32> to vector<632x64xf32>
    %mul3A_38 = arith.mulf %max3A_36, %mul3A_37 : vector<632x64xf32>
    %max3A_39 = arith.constant 0.000000e+00 : f32
    %max3A_40 = vector.broadcast %max3A_39 : f32 to vector<632x64xf32>
    %max3A_41 = arith.maximumf %add3A_34, %max3A_40 : vector<632x64xf32>
    %mul3A_42 = vector.broadcast %slice3A : vector<632x1xf32> to vector<632x64xf32>
    %mul3A_43 = arith.mulf %max3A_41, %mul3A_42 : vector<632x64xf32>
    %get3A_44 = arith.constant 0 : index
    %get3A_45 = arith.constant 0 : index
    %get3A_46 = vector.load %arg9[%get3A_44, %get3A_45] : memref<64x128xf32, #tpu.memory_space<vmem>>, vector<64x128xf32>
    %slice3A_47 = vector.extract_strided_slice %get3A_46 {offsets = [0, 0], sizes = [64, 64], strides = [1, 1]} : vector<64x128xf32> to vector<64x64xf32>
    %dot_general3A = arith.constant dense<0.000000e+00> : vector<632x64xf32>
    %dot_general3A_48 = tpu.matmul %mul3A_38, %slice3A_47, %dot_general3A {dimension_numbers = #tpu.dot_dimension_numbers<[1], [1], [0], [0], [0, 0, 1, 0], [], []>, transpose_lhs_hint = false} : vector<632x64xf32>, vector<64x64xf32>, vector<632x64xf32> -> vector<632x64xf32>
    %slice3A_49 = vector.extract_strided_slice %get3A_46 {offsets = [0, 64], sizes = [64, 64], strides = [1, 1]} : vector<64x128xf32> to vector<64x64xf32>
    %dot_general3A_50 = arith.constant dense<0.000000e+00> : vector<632x64xf32>
    %dot_general3A_51 = tpu.matmul %mul3A_43, %slice3A_49, %dot_general3A_50 {dimension_numbers = #tpu.dot_dimension_numbers<[1], [1], [0], [0], [0, 0, 1, 0], [], []>, transpose_lhs_hint = false} : vector<632x64xf32>, vector<64x64xf32>, vector<632x64xf32> -> vector<632x64xf32>
    %add3A_52 = arith.addf %dot_general3A_48, %dot_general3A_51 : vector<632x64xf32>
    %swap3A = arith.constant 0 : index
    %swap3A_53 = arith.constant 0 : index
    %swap3A_54 = vector.load %arg10[%swap3A, %swap3A_53] : memref<632x64xf32, #tpu.memory_space<vmem>>, vector<632x64xf32>
    tpu.vector_store %arg10[%swap3A, %swap3A_53], %add3A_52 {strides = array<i32>} : memref<632x64xf32, #tpu.memory_space<vmem>>, vector<632x64xf32>,
    return
  }
  func.func @transform_0(%arg0: i32) -> (i32, i32) {
    %c0_i32 = arith.constant 0 : i32
    %c0_i32_0 = arith.constant 0 : i32
    return %arg0, %c0_i32 : i32, i32
  }
  func.func @transform_1(%arg0: i32) -> (i32, i32) {
    %c0_i32 = arith.constant 0 : i32
    %c0_i32_0 = arith.constant 0 : i32
    return %arg0, %c0_i32 : i32, i32
  }
  func.func @transform_2(%arg0: i32) -> (i32, i32) {
    %c0_i32 = arith.constant 0 : i32
    %c0_i32_0 = arith.constant 0 : i32
    return %arg0, %c0_i32 : i32, i32
  }
  func.func @transform_3(%arg0: i32) -> (i32, i32) {
    %c0_i32 = arith.constant 0 : i32
    %c0_i32_0 = arith.constant 0 : i32
    return %arg0, %c0_i32 : i32, i32
  }
  func.func @transform_4(%arg0: i32) -> (i32, i32) {
    %c0_i32 = arith.constant 0 : i32
    %c0_i32_0 = arith.constant 0 : i32
    return %arg0, %c0_i32 : i32, i32
  }
  func.func @transform_5(%arg0: i32) -> (i32, i32) {
    %c0_i32 = arith.constant 0 : i32
    %c0_i32_0 = arith.constant 0 : i32
    return %arg0, %c0_i32 : i32, i32
  }
  func.func @transform_6(%arg0: i32) -> (i32, i32) {
    %c0_i32 = arith.constant 0 : i32
    %c0_i32_0 = arith.constant 0 : i32
    return %arg0, %c0_i32 : i32, i32
  }
  func.func @transform_7(%arg0: i32) -> (i32, i32) {
    %c0_i32 = arith.constant 0 : i32
    %c0_i32_0 = arith.constant 0 : i32
    %c0_i32_1 = arith.constant 0 : i32
    return %c0_i32, %c0_i32_0 : i32, i32
  }
  func.func @transform_8(%arg0: i32) -> (i32, i32) {
    %c0_i32 = arith.constant 0 : i32
    %c0_i32_0 = arith.constant 0 : i32
    %c0_i32_1 = arith.constant 0 : i32
    return %c0_i32, %c0_i32_0 : i32, i32
  }
  func.func @transform_9(%arg0: i32) -> (i32, i32) {
    %c0_i32 = arith.constant 0 : i32
    %c0_i32_0 = arith.constant 0 : i32
    return %arg0, %c0_i32 : i32, i32
  }
}

module attributes {stable_mosaic.version = 14 : i64} {
  func.func @body(%arg0: i32, %arg1: memref<632x64xf32, #tpu.memory_space<vmem>>, %arg2: memref<632x64xf32, #tpu.memory_space<vmem>>, %arg3: memref<632x64xf32, #tpu.memory_space<vmem>>, %arg4: memref<632x16xf32, #tpu.memory_space<vmem>>, %arg5: memref<1x64xf32, #tpu.memory_space<vmem>>, %arg6: memref<632x64xf32, #tpu.memory_space<vmem>>) attributes {dimension_semantics = [#tpu.dimension_semantics<arbitrary>], iteration_bounds = array<i64: 16>, scalar_prefetch = 0 : i64, scratch_operands = 0 : i64, tpu.core_type = #tpu.core_type<tc>, window_params = [{transform_indices = @transform_0, window_bounds = array<i64: 632, 64>}, {transform_indices = @transform_1, window_bounds = array<i64: 632, 64>}, {transform_indices = @transform_2, window_bounds = array<i64: 632, 64>}, {transform_indices = @transform_3, window_bounds = array<i64: 632, 16>}, {pipeline_mode = #tpu.pipeline_mode<synchronous>, transform_indices = @transform_4, window_bounds = array<i64: 1, 64>}, {transform_indices = @transform_5, window_bounds = array<i64: 632, 64>}]} {
    %get3A = arith.constant 0 : index
    %get3A_0 = arith.constant 0 : index
    %get3A_1 = vector.load %arg4[%get3A, %get3A_0] : memref<632x16xf32, #tpu.memory_space<vmem>>, vector<632x16xf32>
    %slice3A = vector.extract_strided_slice %get3A_1 {offsets = [0, 0], sizes = [632, 1], strides = [1, 1]} : vector<632x16xf32> to vector<632x1xf32>
    %get3A_2 = arith.constant 0 : index
    %get3A_3 = arith.constant 0 : index
    %get3A_4 = vector.load %arg1[%get3A_2, %get3A_3] : memref<632x64xf32, #tpu.memory_space<vmem>>, vector<632x64xf32>
    %get3A_5 = arith.constant 0 : index
    %get3A_6 = arith.constant 0 : index
    %get3A_7 = vector.load %arg2[%get3A_5, %get3A_6] : memref<632x64xf32, #tpu.memory_space<vmem>>, vector<632x64xf32>
    %add3A = arith.addf %get3A_4, %get3A_7 : vector<632x64xf32>
    %get3A_8 = arith.constant 0 : index
    %get3A_9 = arith.constant 0 : index
    %get3A_10 = vector.load %arg3[%get3A_8, %get3A_9] : memref<632x64xf32, #tpu.memory_space<vmem>>, vector<632x64xf32>
    %add3A_11 = arith.addf %add3A, %get3A_10 : vector<632x64xf32>
    %mul3A = vector.broadcast %slice3A : vector<632x1xf32> to vector<632x64xf32>
    %mul3A_12 = arith.mulf %mul3A, %add3A_11 : vector<632x64xf32>
    %get3A_13 = arith.constant 0 : index
    %get3A_14 = arith.constant 0 : index
    %get3A_15 = vector.load %arg5[%get3A_13, %get3A_14] : memref<1x64xf32, #tpu.memory_space<vmem>>, vector<1x64xf32>
    %add3A_16 = vector.broadcast %get3A_15 : vector<1x64xf32> to vector<632x64xf32>
    %add3A_17 = arith.addf %mul3A_12, %add3A_16 : vector<632x64xf32>
    %swap3A = arith.constant 0 : index
    %swap3A_18 = arith.constant 0 : index
    %swap3A_19 = vector.load %arg6[%swap3A, %swap3A_18] : memref<632x64xf32, #tpu.memory_space<vmem>>, vector<632x64xf32>
    tpu.vector_store %arg6[%swap3A, %swap3A_18], %add3A_17 {strides = array<i32>} : memref<632x64xf32, #tpu.memory_space<vmem>>, vector<632x64xf32>,
    return
  }
  func.func @transform_0(%arg0: i32) -> (i32, i32) {
    %c0_i32 = arith.constant 0 : i32
    %c0_i32_0 = arith.constant 0 : i32
    return %arg0, %c0_i32 : i32, i32
  }
  func.func @transform_1(%arg0: i32) -> (i32, i32) {
    %c0_i32 = arith.constant 0 : i32
    %c0_i32_0 = arith.constant 0 : i32
    return %arg0, %c0_i32 : i32, i32
  }
  func.func @transform_2(%arg0: i32) -> (i32, i32) {
    %c0_i32 = arith.constant 0 : i32
    %c0_i32_0 = arith.constant 0 : i32
    return %arg0, %c0_i32 : i32, i32
  }
  func.func @transform_3(%arg0: i32) -> (i32, i32) {
    %c0_i32 = arith.constant 0 : i32
    %c0_i32_0 = arith.constant 0 : i32
    return %arg0, %c0_i32 : i32, i32
  }
  func.func @transform_4(%arg0: i32) -> (i32, i32) {
    %c0_i32 = arith.constant 0 : i32
    %c0_i32_0 = arith.constant 0 : i32
    %c0_i32_1 = arith.constant 0 : i32
    return %c0_i32, %c0_i32_0 : i32, i32
  }
  func.func @transform_5(%arg0: i32) -> (i32, i32) {
    %c0_i32 = arith.constant 0 : i32
    %c0_i32_0 = arith.constant 0 : i32
    return %arg0, %c0_i32 : i32, i32
  }
}

</mosaic_0001>

<sc_bundles>
// kernel: kernel.11.cloned.1.call-start
scs
__scs_entry_jumppad:
0x0: {  	(pc) =	sbr.rel $0x88, $3  }
0x1: {  	(tag) =	ssettag $0x0;
	lr =	simm.s32 $0x1  }
0x2: {  	[smem:$0x3F9B] =	sst lr;
	_ =	strace $0xD0000000  }
0x3: {  	_ = 	snop  }
0x4: {  	_ = 	snop  }
0x5: {  	_ = 	snop  }
0x6: {  	_ = 	snop  }
0x7: {  	_ = 	snop  }
__scs_overlays_trampoline_lowered:
0x8: {  	[smem:$0x3FAA] =	sst s0  }
0x9: {  	[smem:$0x3FAB] =	sst s1  }
0xa: {  	[smem:$0x3FAC] =	sst s2  }
0xb: {  	[smem:$0x3FAD] =	sst s3  }
0xc: {  	[smem:$0x3FAE] =	sst s4  }
0xd: {  	[smem:$0x3FAF] =	sst s5  }
0xe: {  	[smem:$0x3FB0] =	sst s6  }
0xf: {  	[smem:$0x3FB1] =	sst s7  }
0x10: {  	[smem:$0x3FB2] =	sst s8  }
0x11: {  	[smem:$0x3FB3] =	sst s9;
	s0 =	simm.s32 @!p0 $0x0  }
0x12: {  	s1 =	sld [smem:$0x3F99];
	s0 =	simm.s32 @p0 $0x1  }
0x13: {  	[smem:$0x3FB4] =	sst s0;
	s0 =	simm.s32 @!p1 $0x0  }
0x14: {  	s2 =	sld [smem:$0x3F98];
	s0 =	simm.s32 @p1 $0x1  }
0x15: {  	[smem:$0x3FB5] =	sst s0;
	s0 =	simm.s32 @!p2 $0x0  }
0x16: {  	s3 =	sld [smem:$0x3FDB];
	s0 =	simm.s32 @p2 $0x1  }
0x17: {  	s4 =	simm.s32 $0x1BF5;
	[smem:$0x3FB7] =	sst s0  }
0x18: {  	s0 =	sld [smem:$0x3F9A];
	_ =	swait.ge [sflag:s4], $0x0  }
0x19: {  	s7 =	sld [smem:$0x3F9B]  }
0x1a: {  	s8 =	sadd.s32 $0xFFFFE003, lr  }
0x1b: {  	s9 =	sadd.s32 $0xFFFFFEF7, lr;
	s5 =	simm.s32 $0xFFFFFFFF;
	p2 =	slt.u32 s8, $0xFFFFF086  }
0x1c: {  	p1 =	slt.u32 s9, $0xF7A;
	s5 =	simm.s32 @!p2 $0x0  }
0x1d: {  	s5 =	simm.s32 @p1 $0x1;
	p0 =	seq.s32 s7, s2  }
0x1e: {  	s7 =	smul.u32 @!p0 $0xF7A, s2;
	p2 =	seq.s32 @!p0 s5, $0x0  }
0x1f: {  	s9 =	smul.u32 $0xF7A, s1;
	s8 =	simm.s32 @!p0 $0x1BF5;
	p2 =	por !p2, p0  }
0x20: {  	[sflag:s8] =	ssyncset.s32 @!p0 $0xFFFFF086;
	s6 =	sadd.s32 @!p0 s3, s7;
	s7 =	simm.s32 @!p0 $0x108  }
0x21: {  	s3 =	sadd.s32 s3, s9;
	s6 =	sadd.s32 @!p0 $0x88, s6;
	s7 =	simm.s32 @p2 $0x1082  }
0x22: {  	[simem:s7], [sflag:s8] =	dma.local @!p0 [hbm:s6], $0xF7A  }
0x23: {  	s9 =	sor.u32 $0xD0000000, s2;
	s6 =	simm.s32 $0x108;
	_ =	swait.ge @!p0 [sflag:s8], $0x0  }
0x24: {  	s3 =	sadd.s32 $0x88, s3;
	s6 =	simm.s32 @!p1 $0x1082;
	[sflag:s4] =	ssyncset.s32 $0xFFFFF086  }
0x25: {  	[simem:s6], [sflag:s4] =	dma.local [hbm:s3], $0xF7A  }
0x26: {  	[smem:$0x3F9B] =	sst s1;
	(tag) =	ssettag s2;
	_ =	strace s9  }
0x27: {  	s1 =	sld [smem:$0x3FAB]  }
0x28: {  	s2 =	sld [smem:$0x3FAC]  }
0x29: {  	s4 =	sld [smem:$0x3FAE]  }
0x2a: {  	p0 =	seq.s32 s5, $0x0;
	s5 =	sld [smem:$0x3FAF]  }
0x2b: {  	s6 =	sld [smem:$0x3FB0]  }
0x2c: {  	s7 =	sld [smem:$0x3FB1]  }
0x2d: {  	s3 =	simm.s32 $0x108;
	s8 =	sld [smem:$0x3FB2]  }
0x2e: {  	s3 =	simm.s32 @!p0 $0x1082;
	s9 =	sld [smem:$0x3FB3]  }
0x2f: {  	lr =	sadd.s32 s0, s3;
	s0 =	sld [smem:$0x3FAA]  }
0x30: {  	s3 =	sld [smem:$0x3FAD]  }
0x31: {  	[smem:$0x3FB6] =	sst s10  }
0x32: {  	s10 =	sld [smem:$0x3FB4];
	_ =	sdelay $0x3  }
0x33: {  	p0 =	seq.s32 s10, $0x1;
	s10 =	sld [smem:$0x3FB6];
	_ =	sdelay $0x3  }
0x34: {  	[smem:$0x3FB6] =	sst s10  }
0x35: {  	s10 =	sld [smem:$0x3FB5];
	_ =	sdelay $0x3  }
0x36: {  	p1 =	seq.s32 s10, $0x1;
	s10 =	sld [smem:$0x3FB6];
	_ =	sdelay $0x3  }
0x37: {  	[smem:$0x3FB6] =	sst s10  }
0x38: {  	s10 =	sld [smem:$0x3FB7]  }
0x39: {  	_ = 	snop;
	(pc) =	sbr.ind lr, $3  }
0x3a: {  	_ = 	snop  }
0x3b: {  	_ = 	snop  }
0x3c: {  	p2 =	seq.s32 s10, $0x1;
	s10 =	sld [smem:$0x3FB6]  }
0x3d: {  	_ =	shalt  }
0x3e: {  	_ =	shalt  }
0x3f: {  	_ =	shalt  }
0x40: {  	_ =	shalt  }
0x41: {  	_ =	shalt  }
0x42: {  	_ =	shalt  }
0x43: {  	_ =	shalt  }
0x44: {  	_ =	shalt  }
0x45: {  	_ =	shalt  }
0x46: {  	_ =	shalt  }
0x47: {  	_ =	shalt  }
0x48: {  	_ =	shalt  }
0x49: {  	_ =	shalt  }
0x4a: {  	_ =	shalt  }
0x4b: {  	_ =	shalt  }
0x4c: {  	_ =	shalt  }
0x4d: {  	_ =	shalt  }
0x4e: {  	_ =	shalt  }
0x4f: {  	_ =	shalt  }
0x50: {  	_ =	shalt  }
0x51: {  	_ =	shalt  }
0x52: {  	_ =	shalt  }
0x53: {  	_ =	shalt  }
0x54: {  	_ =	shalt  }
0x55: {  	_ =	shalt  }
0x56: {  	_ =	shalt  }
0x57: {  	_ =	shalt  }
0x58: {  	_ =	shalt  }
0x59: {  	_ =	shalt  }
0x5a: {  	_ =	shalt  }
0x5b: {  	_ =	shalt  }
0x5c: {  	_ =	shalt  }
0x5d: {  	_ =	shalt  }
0x5e: {  	_ =	shalt  }
0x5f: {  	_ =	shalt  }
0x60: {  	_ =	shalt  }
0x61: {  	_ =	shalt  }
0x62: {  	_ =	shalt  }
0x63: {  	_ =	shalt  }
0x64: {  	_ =	shalt  }
0x65: {  	_ =	shalt  }
0x66: {  	_ =	shalt  }
0x67: {  	_ =	shalt  }
0x68: {  	_ =	shalt  }
0x69: {  	_ =	shalt  }
0x6a: {  	_ =	shalt  }
0x6b: {  	_ =	shalt  }
0x6c: {  	_ =	shalt  }
0x6d: {  	_ =	shalt  }
0x6e: {  	_ =	shalt  }
0x6f: {  	_ =	shalt  }
0x70: {  	_ =	shalt  }
0x71: {  	_ =	shalt  }
0x72: {  	_ =	shalt  }
0x73: {  	_ =	shalt  }
0x74: {  	_ =	shalt  }
0x75: {  	_ =	shalt  }
0x76: {  	_ =	shalt  }
0x77: {  	_ =	shalt  }
0x78: {  	_ =	shalt  }
0x79: {  	_ =	shalt  }
0x7a: {  	_ =	shalt  }
0x7b: {  	_ =	shalt  }
0x7c: {  	_ =	shalt  }
0x7d: {  	_ =	shalt  }
0x7e: {  	_ =	shalt  }
0x7f: {  	_ =	shalt  }
0x80: {  	_ =	shalt  }
0x81: {  	_ =	shalt  }
0x82: {  	_ =	shalt  }
0x83: {  	_ =	shalt  }
0x84: {  	_ =	shalt  }
0x85: {  	_ =	shalt  }
0x86: {  	_ =	shalt  }
0x87: {  	_ =	shalt  }
.Lfunc_end0:
.L_simem_size_0:
called_computation.1_lowered:
.L_overlay_start_0:
0x88: {  	s2 =	sld [smem:$0x3FD9]  }
0x89: {  	s3 =	sld [smem:$0x3FFE];
	_ =	sdelay $0x1  }
0x8a: {  	s1 =	srdreg.scid  }
0x8b: {  	s0 =	sand.u32 $0x1, s1  }
0x8c: {  	s17 =	sshll.u32 s0, $0xA;
	s2 =	sadd.s32 s3, s2  }
0x8d: {  	s2 =	sadd.s32 s2, s17  }
0x8e: {  	[smem:$0x3FC2] =	sst s2  }
0x8f: {  	_ = 	snop  }
0x90: {  	s2 =	sld [smem:$0x3FD0];
	(tm) =	ssettm $0x1  }
0x91: {  	s18 =	sld [smem:$0x3FFB];
	_ =	sdelay $0x3  }
0x92: {  	_ =	strace s18  }
0x93: {  	s3 =	sld [smem:$0x3FFC];
	_ =	sdelay $0x3  }
0x94: {  	_ =	strace s3  }
0x95: {  	s3 =	sld [smem:$0x3FFD];
	_ =	sdelay $0x3  }
0x96: {  	_ =	strace s3  }
0x97: {  	_ =	strace $0x8FFFFFFF  }
0x98: {  	s19 =	sld [smem:$0x3FDB];
	_ =	sdelay $0x1  }
0x99: {  	s4 =	simm.s32 $_scs_section_size  }
0x9a: {  	s5 =	simm.s32 $_size__tile_overlayer_lowered;
	s6 =	simm.s32 $_tile_overlayer_lowered  }
0x9b: {  	s22 =	simm.s32 $0x1BFF;
	s21 =	sshll.u32 s6, $0x1;
	s3 =	sadd.s32 s4, s19  }
0x9c: {  	s7 =	simm.s32 $0x0;
	s20 =	sshll.u32 s5, $0x1;
	s5 =	sadd.s32 s21, s3  }
0x9d: {  	[timem:s7], [sflag:s22] =	dma.local [hbm:s5], s20  }
0x9e: {  	_ =	swait.ge [sflag:s22], s20  }
0x9f: {  	s4 =	ssub.s32 $0x0, s20;
	[sflag:s22] =	ssyncset.done $0x0  }
0xa0: {  	[sflag:s22] =	ssyncadd.s32 s4;
	_ =	sdelay $0x1  }
0xa1: {  	s23 =	simm.s32 $0x1B8B  }
0xa2: {  	_ =	swait.ge [sflag:s23], $0x1  }
0xa3: {  	[sflag:s23] =	ssyncset.done $0x0  }
0xa4: {  	s25 =	simm.s32 $0x1B8E;
	s24 =	sld [smem:$0x3FFE];
	[sflag:s23] =	ssyncadd.s32 $0xFFFFFFFF  }
0xa5: {  	s26 =	simm.s32 $execute0_lowered;
	[smem:$0x3FD2] =	sst s25  }
0xa6: {  	s5 =	sshll.u32 s26, $0x1;
	_ =	strace $0x80000049;
	[dreg:$0x1] =	wrdreg $0xFFFFFFFF  }
0xa7: {  	s28 =	simm.s32 $_size_execute0_lowered;
	s3 =	sadd.s32 s3, s5;
	[dreg:$0x0] =	wrdreg $0x0  }
0xa8: {  	s5 =	sshll.u32 s28, $0x1;
	[dreg:$0x2] =	wrdreg s3  }
0xa9: {  	[dreg:$0x3] =	wrdreg s5  }
0xaa: {  	[dreg:$0x4] =	wrdreg $0xC0  }
0xab: {  	_ =	task [dreg:s7], $0x5FFFF  }
0xac: {  	[dreg:$0x1] =	wrdreg $0xFFFFFFFF  }
0xad: {  	[dreg:$0x0] =	wrdreg $0x60  }
0xae: {  	[dreg:$0x2] =	wrdreg s2  }
0xaf: {  	[dreg:$0x3] =	wrdreg s24  }
0xb0: {  	[dreg:$0x4] =	wrdreg $0x90000  }
0xb1: {  	[dreg:$0x5] =	wrdreg $0x12E000  }
0xb2: {  	[dreg:$0x6] =	wrdreg $0x9  }
0xb3: {  	_ =	task.clear_ibuf [dreg:s7], $0x7FFFF;
	_ =	strace $0x90000049  }
0xb4: {  	s29 =	simm.s32 $0x9;
	_ =	strace $0x8000004B  }
0xb5: {  	_ =	swait.ge [sflag:s29], $0x1  }
0xb6: {  	[sflag:s29] =	ssyncadd.s32 $0xFFFFFFFF  }
0xb7: {  	_ =	strace $0x9000004B  }
0xb8: {  	_ =	sfence  }
0xb9: {  	s30 =	sld [smem:$0x0];
	_ =	sdelay $0x2  }
0xba: {  	s31 =	sshll.u32 s1, $0xD;
	s1 =	sshrl.u32 s1, $0x2  }
0xbb: {  	s3 =	sand.u32 $0x4000, s31;
	s1 =	sadd.s32 s1, s30  }
0xbc: {  	s0 =	sor.u32 s3, s0;
	s1 =	sshll.u32 s1, $0x11  }
0xbd: {  	s0 =	sor.u32 s1, s0  }
0xbe: {  	s0 =	sadd.s32 $0x8F2B, s0  }
0xbf: {  	[sflag:s0] =	ssyncadd.remote.s32 $0x1  }
0xc0: {  	_ =	sfence.sel $0xFFFF  }
0xc1: {  	[dreg:$0x0] =	wrdreg $0xFFFFFFFF;
	(pc) =	sbr.abs _section_cstart, $3  }
0xc2: {  	[dreg:$0x1] =	wrdreg $0xFFFFFFFF  }
0xc3: {  	_ =	task.clear_ibuf [dreg:s7], $0x2FFFF;
	_ =	strace $0x9FFFFFFF  }
0xc4: {  	(tm) =	ssettm $0x7FFFFFFF  }
0xc5: {  	_ =	shalt  }
tec
execute0_lowered:
.L_overlay_start_1:
0x0: {  	(tag) =	ssettag $0x1  }
0x1: {  	s0 =	rddreg [dreg:$0x0]  }
0x2: {  	s1 =	rddreg [dreg:$0x1]  }
0x3: {  	s2 =	rddreg [dreg:$0x2]  }
0x4: {  	s3 =	rddreg [dreg:$0x3];
	s8 =	stileid.u32  }
0x5: {  	s4 =	srdreg.scid;
	s6 =	simm.s32 $0x0;
	s28 =	simm.s32 $0x40  }
0x6: {  	s29 =	simm.s32 $0x6000;
	s30 =	simm.s32 $0x1;
	s11 =	simm.s32 $0x4  }
0x7: {  	s12 =	simm.s32 $0x6;
	s13 =	simm.s32 $0x7;
	s14 =	simm.s32 $0x8  }
0x8: {  	s5 =	smul.u32 $0x9E00, s8;
	s4 =	sand.u32 $0x1, s4;
	[smem:$0x7FF] =	sst s6  }
0x9: {  	s16 =	sshll.u32 s4, $0x4;
	s7 =	smul.u32 $0x13C000, s4;
	_ =	strace $0x8000004A  }
0xa: {  	s4 =	ssub.s32 $0x2, s4;
	s9 =	sshrl.u32 s5, $0x3;
	s6 =	sor.u32 s8, s16  }
0xb: {  	s8 =	smul.u32 $0x27800, s8;
	s17 =	sshrl.u32 s4, $0x1;
	s20 =	sadd.s32 s5, s2  }
0xc: {  	s22 =	sadd.s32 s5, s3;
	s10 =	sadd.s32 s9, s1;
	s6 =	smul.u32 $0x500, s6  }
0xd: {  	s7 =	sadd.s32 s5, s7;
	s4 =	ssub.s32 s4, s17;
	[dreg:$0x7] =	wrdreg s20  }
0xe: {  	s0 =	sadd.s32 s0, s9;
	[dreg:$0xa] =	wrdreg s22;
	s9 =	simm.s32 $0x5  }
0xf: {  	s7 =	sshrl.u32 s7, $0x3;
	s19 =	sshrl.u32 s8, $0x2;
	[dreg:$0x8] =	wrdreg s0  }
0x10: {  	s23 =	sadd.s32 $0x8CA00, s10;
	s25 =	smax.u32 s4, $0x1;
	s0 =	simm.s32 $0x7000  }
0x11: {  	s4 =	simm.s32 $0x0;
	s6 =	sadd.s32 s6, s1;
	[dreg:$0xb] =	wrdreg s23  }
0x12: {  	s1 =	sadd.s32 s7, s1;
	s8 =	sadd.s32 s19, s3;
	[dreg:$0xd] =	wrdreg s25  }
0x13: {  	s7 =	simm.s32 $0x3;
	s18 =	sadd.s32 $0xC200, s6;
	s6 =	sadd.s32 $0x2200, s6  }
0x14: {  	s16 =	sadd.s32 $0x9000, s8;
	s21 =	sadd.s32 $0xA0600, s1;
	[dreg:$0x5] =	wrdreg s18  }
0x15: {  	s24 =	sadd.s32 $0xB4200, s1;
	s26 =	sadd.s32 $0x1000, s8;
	[dreg:$0x6] =	wrdreg s6  }
0x16: {  	s31 =	sadd.s32 $0x2000, s8;
	s19 =	sadd.s32 $0x4000, s8;
	[dreg:$0x9] =	wrdreg s21  }
0x17: {  	s20 =	sadd.s32 $0x5000, s8;
	s22 =	sadd.s32 $0x7000, s8;
	[dreg:$0xc] =	wrdreg s24  }
0x18: {  	s23 =	sadd.s32 $0x8000, s8;
	s1 =	simm.s32 $0x2;
	[dreg:$0xe] =	wrdreg s26  }
0x19: {  	[dreg:$0xf] =	wrdreg s31;
	s18 =	sadd.s32 $0x3000, s8;
	s21 =	sadd.s32 $0x6000, s8  }
0x1a: {  	v0 =	vimm.f32 $0.0e+00;
	s24 =	simm.s32 $0x9;
	s26 =	simm.s32 $0x5000;
	s6 =	simm.s32 $0x8000  }
.LBB2_1:
0x1b: {  	s5 =	simm.s32 $0x0;
	s10 =	rddreg [dreg:$0x5]  }
0x1c: {  	[tilespmem:s5], [sflag:$0x9] =	stream.linear.gather [hbm4b:s10+s5], $0x2800, $0x38;
	[tilespmem:$0x1CC00] =	vst v63  }
0x1d: {  	_ =	swait.ge [sflag:s24], $0x2800  }
0x1e: {  	[sflag:s24] =	ssyncset.done $0x0  }
0x1f: {  	s15 =	simm.s32 $0x2800;
	s31 =	rddreg [dreg:$0x6];
	[sflag:s24] =	ssyncadd.s32 $0xFFFFD800  }
0x20: {  	[tilespmem:s15], [sflag:$0x9] =	stream.linear.gather [hbm4b:s31+s5], $0x2800, $0x38;
	[tilespmem:$0x1CC00] =	vst v63  }
0x21: {  	_ =	swait.ge [sflag:s24], $0x2800  }
0x22: {  	[sflag:s24] =	ssyncset.done $0x0  }
0x23: {  	s15 =	simm.s32 $0x100;
	s5 =	simm.s32 $0x0;
	[sflag:s24] =	ssyncadd.s32 $0xFFFFD800  }
.LBB2_2:
0x24: {  	p0 =	sne.s32 s15, $0x3F00;
	[tilespmem:s5+$0x5030] =	vst v0;
	s10 =	smov.u32 s15;
	s15 =	sadd.s32 $0x100, s15  }
.Ltmp0:
0x25: {  	[tilespmem:s5+$0x5020] =	vst v0;
	(pc) =	sbr.rel @p0 .LBB2_2-.Ltmp0, $3  }
0x26: {  	[tilespmem:s5+$0x5000] =	vst v0  }
0x27: {  	[tilespmem:s5+$0x5010] =	vst v0;
	_ =	sdelay $0x1  }
0x28: {  	s5 =	sshra.s32 s10, $0x2  }
0x29: {  	[tilespmem:s5+$0x5030] =	vst v0  }
0x2a: {  	[tilespmem:s5+$0x5020] =	vst v0;
	s10 =	stileid.u32  }
0x2b: {  	[tilespmem:s5+$0x5000] =	vst v0;
	s17 =	rddreg [dreg:$0x7];
	s10 =	sshll.u32 s10, $0x6  }
0x2c: {  	[tilespmem:s5+$0x5010] =	vst v0;
	s25 =	rddreg [dreg:$0x8];
	s15 =	sshrl.u32 s17, $0x3;
	s5 =	sor.u32 $0x1C09, s10  }
0x2d: {  	[spmem:s15], [sflag:s5] =	dma.local [hbm:s25], $0x13C0  }
0x2e: {  	_ =	swait.ge [sflag:s24], $0x13C0  }
0x2f: {  	[sflag:s24] =	ssyncset.done $0x0  }
0x30: {  	[sflag:s24] =	ssyncadd.s32 $0xFFFFEC40  }
0x31: {  	[spmem:s8] =	stream.linear.scatter [tilespmem:s26], [sflag:$0x9], $0x1000, $0x38;
	[tilespmem:$0x1CC00] =	vst v63  }
0x32: {  	_ =	swait.ge [sflag:s24], $0x1000  }
0x33: {  	[sflag:s24] =	ssyncset.done $0x0  }
0x34: {  	s17 =	rddreg [dreg:$0xe];
	[sflag:s24] =	ssyncadd.s32 $0xFFFFF000  }
0x35: {  	[spmem:s17] =	stream.linear.scatter [tilespmem:s26], [sflag:$0x9], $0x1000, $0x38;
	[tilespmem:$0x1CC00] =	vst v63  }
0x36: {  	_ =	swait.ge [sflag:s24], $0x1000  }
0x37: {  	[sflag:s24] =	ssyncset.done $0x0  }
0x38: {  	s25 =	rddreg [dreg:$0xf];
	[sflag:s24] =	ssyncadd.s32 $0xFFFFF000  }
0x39: {  	[spmem:s25] =	stream.linear.scatter [tilespmem:s26], [sflag:$0x9], $0x1000, $0x38;
	[tilespmem:$0x1CC00] =	vst v63  }
0x3a: {  	_ =	swait.ge [sflag:s24], $0x1000  }
0x3b: {  	[sflag:s24] =	ssyncset.done $0x0  }
0x3c: {  	[sflag:s24] =	ssyncadd.s32 $0xFFFFF000  }
0x3d: {  	[spmem:s18] =	stream.linear.scatter [tilespmem:s26], [sflag:$0x9], $0x1000, $0x38;
	[tilespmem:$0x1CC00] =	vst v63  }
0x3e: {  	_ =	swait.ge [sflag:s24], $0x1000  }
0x3f: {  	[sflag:s24] =	ssyncset.done $0x0  }
0x40: {  	[sflag:s24] =	ssyncadd.s32 $0xFFFFF000  }
0x41: {  	[spmem:s19] =	stream.linear.scatter [tilespmem:s26], [sflag:$0x9], $0x1000, $0x38;
	[tilespmem:$0x1CC00] =	vst v63  }
0x42: {  	_ =	swait.ge [sflag:s24], $0x1000  }
0x43: {  	[sflag:s24] =	ssyncset.done $0x0  }
0x44: {  	[sflag:s24] =	ssyncadd.s32 $0xFFFFF000  }
0x45: {  	[spmem:s20] =	stream.linear.scatter [tilespmem:s26], [sflag:$0x9], $0x1000, $0x38;
	[tilespmem:$0x1CC00] =	vst v63  }
0x46: {  	_ =	swait.ge [sflag:s24], $0x1000  }
0x47: {  	[sflag:s24] =	ssyncset.done $0x0  }
0x48: {  	[sflag:s24] =	ssyncadd.s32 $0xFFFFF000  }
0x49: {  	[spmem:s21] =	stream.linear.scatter [tilespmem:s26], [sflag:$0x9], $0x1000, $0x38;
	[tilespmem:$0x1CC00] =	vst v63  }
0x4a: {  	_ =	swait.ge [sflag:s24], $0x1000  }
0x4b: {  	[sflag:s24] =	ssyncset.done $0x0  }
0x4c: {  	[sflag:s24] =	ssyncadd.s32 $0xFFFFF000  }
0x4d: {  	[spmem:s22] =	stream.linear.scatter [tilespmem:s26], [sflag:$0x9], $0x1000, $0x38;
	[tilespmem:$0x1CC00] =	vst v63  }
0x4e: {  	_ =	swait.ge [sflag:s24], $0x1000  }
0x4f: {  	[sflag:s24] =	ssyncset.done $0x0  }
0x50: {  	[sflag:s24] =	ssyncadd.s32 $0xFFFFF000  }
0x51: {  	[spmem:s23] =	stream.linear.scatter [tilespmem:s26], [sflag:$0x9], $0x1000, $0x38;
	[tilespmem:$0x1CC00] =	vst v63  }
0x52: {  	_ =	swait.ge [sflag:s24], $0x1000  }
0x53: {  	[sflag:s24] =	ssyncset.done $0x0  }
0x54: {  	[sflag:s24] =	ssyncadd.s32 $0xFFFFF000  }
0x55: {  	[spmem:s16] =	stream.linear.scatter [tilespmem:s26], [sflag:$0x9], $0xE00, $0x38;
	[tilespmem:$0x1CC00] =	vst v63  }
0x56: {  	_ =	swait.ge [sflag:s24], $0xE00  }
0x57: {  	[sflag:s24] =	ssyncset.done $0x0  }
0x58: {  	[sflag:s24] =	ssyncadd.s32 $0xFFFFF200  }
0x59: {  	s17 =	smov.u32 s16;
	s16 =	simm.s32 $0x0;
	[bflag:$0x0] =	sbarrier.arrive $0xFFFF  }
0x5a: {  	[tilespmem:s26], [sflag:$0x1] =	stream.indirect.gather [spmem:s2], $0x40, s16, s28, $0xb8;
	[tilespmem:$0x1CC00] =	vst v63  }
0x5b: {  	_ = 	snop  }
0x5c: {  	[tilespmem:s29], [sflag:$0x2] =	stream.indirect.gather [spmem:s2], $0x40, s28, s28, $0xb8;
	[tilespmem:$0x1CC00] =	vst v63  }
0x5d: {  	_ =	swait.ge [sflag:s30], $0x1000  }
0x5e: {  	[sflag:s30] =	ssyncset.done $0x0  }
0x5f: {  	s25 =	simm.s32 $0x2800;
	[sflag:s30] =	ssyncadd.s32 $0xFFFFF000  }
0x60: {  	[spmem:s3] =	stream.indirect.scatter.add.f32 [tilespmem:s26], [sflag:$0x5], $0x40, s25, s28, $0xb8;
	[tilespmem:$0x1CC00] =	vst v63  }
0x61: {  	s16 =	simm.s32 $0x80  }
0x62: {  	[tilespmem:s0], [sflag:$0x3] =	stream.indirect.gather [spmem:s2], $0x40, s16, s28, $0xb8;
	[tilespmem:$0x1CC00] =	vst v63  }
0x63: {  	_ =	swait.ge [sflag:s1], $0x1000  }
0x64: {  	[sflag:s1] =	ssyncset.done $0x0  }
0x65: {  	s25 =	simm.s32 $0x2840;
	[sflag:s1] =	ssyncadd.s32 $0xFFFFF000  }
0x66: {  	[spmem:s3] =	stream.indirect.scatter.add.f32 [tilespmem:s29], [sflag:$0x6], $0x40, s25, s28, $0xb8;
	[tilespmem:$0x1CC00] =	vst v63  }
0x67: {  	s16 =	simm.s32 $0xC0  }
0x68: {  	[tilespmem:s6], [sflag:$0x4] =	stream.indirect.gather [spmem:s2], $0x40, s16, s28, $0xb8;
	[tilespmem:$0x1CC00] =	vst v63  }
0x69: {  	_ =	swait.ge [sflag:s7], $0x1000  }
0x6a: {  	[sflag:s7] =	ssyncset.done $0x0  }
0x6b: {  	s25 =	simm.s32 $0x2880;
	[sflag:s7] =	ssyncadd.s32 $0xFFFFF000  }
0x6c: {  	[spmem:s3] =	stream.indirect.scatter.add.f32 [tilespmem:s0], [sflag:$0x7], $0x40, s25, s28, $0xb8;
	[tilespmem:$0x1CC00] =	vst v63  }
0x6d: {  	_ =	swait.ge [sflag:s9], $0x1000  }
0x6e: {  	[sflag:s9] =	ssyncset.done $0x0  }
0x6f: {  	s16 =	simm.s32 $0x100;
	[sflag:s9] =	ssyncadd.s32 $0xFFFFF000  }
0x70: {  	[tilespmem:s26], [sflag:$0x1] =	stream.indirect.gather [spmem:s2], $0x40, s16, s28, $0xb8;
	[tilespmem:$0x1CC00] =	vst v63  }
0x71: {  	_ =	swait.ge [sflag:s11], $0x1000  }
0x72: {  	[sflag:s11] =	ssyncset.done $0x0  }
0x73: {  	s25 =	simm.s32 $0x28C0;
	[sflag:s11] =	ssyncadd.s32 $0xFFFFF000  }
0x74: {  	[spmem:s3] =	stream.indirect.scatter.add.f32 [tilespmem:s6], [sflag:$0x8], $0x40, s25, s28, $0xb8;
	[tilespmem:$0x1CC00] =	vst v63  }
0x75: {  	_ =	swait.ge [sflag:s12], $0x1000  }
0x76: {  	[sflag:s12] =	ssyncset.done $0x0  }
0x77: {  	s16 =	simm.s32 $0x140;
	[sflag:s12] =	ssyncadd.s32 $0xFFFFF000  }
0x78: {  	[tilespmem:s29], [sflag:$0x2] =	stream.indirect.gather [spmem:s2], $0x40, s16, s28, $0xb8;
	[tilespmem:$0x1CC00] =	vst v63  }
0x79: {  	_ =	swait.ge [sflag:s30], $0x1000  }
0x7a: {  	[sflag:s30] =	ssyncset.done $0x0  }
0x7b: {  	s25 =	simm.s32 $0x2900;
	[sflag:s30] =	ssyncadd.s32 $0xFFFFF000  }
0x7c: {  	[spmem:s3] =	stream.indirect.scatter.add.f32 [tilespmem:s26], [sflag:$0x5], $0x40, s25, s28, $0xb8;
	[tilespmem:$0x1CC00] =	vst v63  }
0x7d: {  	_ =	swait.ge [sflag:s13], $0x1000  }
0x7e: {  	[sflag:s13] =	ssyncset.done $0x0  }
0x7f: {  	s16 =	simm.s32 $0x180;
	[sflag:s13] =	ssyncadd.s32 $0xFFFFF000  }
0x80: {  	[tilespmem:s0], [sflag:$0x3] =	stream.indirect.gather [spmem:s2], $0x40, s16, s28, $0xb8;
	[tilespmem:$0x1CC00] =	vst v63  }
0x81: {  	_ =	swait.ge [sflag:s1], $0x1000  }
0x82: {  	[sflag:s1] =	ssyncset.done $0x0  }
0x83: {  	s25 =	simm.s32 $0x2940;
	[sflag:s1] =	ssyncadd.s32 $0xFFFFF000  }
0x84: {  	[spmem:s3] =	stream.indirect.scatter.add.f32 [tilespmem:s29], [sflag:$0x6], $0x40, s25, s28, $0xb8;
	[tilespmem:$0x1CC00] =	vst v63  }
0x85: {  	_ =	swait.ge [sflag:s14], $0x1000  }
0x86: {  	[sflag:s14] =	ssyncset.done $0x0  }
0x87: {  	s31 =	simm.s32 $0x400;
	s10 =	simm.s32 $0x1C0;
	[sflag:s14] =	ssyncadd.s32 $0xFFFFF000  }
.LBB2_4:
0x88: {  	[tilespmem:s6], [sflag:$0x4] =	stream.indirect.gather [spmem:s2], $0x40, s10, s28, $0xb8;
	[tilespmem:$0x1CC00] =	vst v63  }
0x89: {  	s10 =	smov.u32 s31  }
0x8a: {  	p0 =	sne.s32 s31, $0x9800;
	s31 =	sadd.s32 $0x400, s31;
	_ =	swait.ge [sflag:s7], $0x1000  }
0x8b: {  	s25 =	sshra.s32 s10, $0x2;
	[sflag:s7] =	ssyncset.done $0x0  }
0x8c: {  	s10 =	sadd.s32 $0x2880, s25;
	[sflag:s7] =	ssyncadd.s32 $0xFFFFF000  }
0x8d: {  	[spmem:s3] =	stream.indirect.scatter.add.f32 [tilespmem:s0], [sflag:$0x7], $0x40, s10, s28, $0xb8;
	[tilespmem:$0x1CC00] =	vst v63  }
0x8e: {  	_ =	swait.ge [sflag:s9], $0x1000  }
0x8f: {  	[sflag:s9] =	ssyncset.done $0x0  }
0x90: {  	s10 =	sadd.s32 $0x100, s25;
	[sflag:s9] =	ssyncadd.s32 $0xFFFFF000  }
0x91: {  	[tilespmem:s26], [sflag:$0x1] =	stream.indirect.gather [spmem:s2], $0x40, s10, s28, $0xb8;
	[tilespmem:$0x1CC00] =	vst v63  }
0x92: {  	_ =	swait.ge [sflag:s11], $0x1000  }
0x93: {  	[sflag:s11] =	ssyncset.done $0x0  }
0x94: {  	s10 =	sadd.s32 $0x28C0, s25;
	[sflag:s11] =	ssyncadd.s32 $0xFFFFF000  }
0x95: {  	[spmem:s3] =	stream.indirect.scatter.add.f32 [tilespmem:s6], [sflag:$0x8], $0x40, s10, s28, $0xb8;
	[tilespmem:$0x1CC00] =	vst v63  }
0x96: {  	_ =	swait.ge [sflag:s12], $0x1000  }
0x97: {  	[sflag:s12] =	ssyncset.done $0x0  }
0x98: {  	s10 =	sadd.s32 $0x140, s25;
	[sflag:s12] =	ssyncadd.s32 $0xFFFFF000  }
0x99: {  	[tilespmem:s29], [sflag:$0x2] =	stream.indirect.gather [spmem:s2], $0x40, s10, s28, $0xb8;
	[tilespmem:$0x1CC00] =	vst v63  }
0x9a: {  	_ =	swait.ge [sflag:s30], $0x1000  }
0x9b: {  	[sflag:s30] =	ssyncset.done $0x0  }
0x9c: {  	s10 =	sadd.s32 $0x2900, s25;
	[sflag:s30] =	ssyncadd.s32 $0xFFFFF000  }
0x9d: {  	[spmem:s3] =	stream.indirect.scatter.add.f32 [tilespmem:s26], [sflag:$0x5], $0x40, s10, s28, $0xb8;
	[tilespmem:$0x1CC00] =	vst v63  }
0x9e: {  	_ =	swait.ge [sflag:s13], $0x1000  }
0x9f: {  	[sflag:s13] =	ssyncset.done $0x0  }
0xa0: {  	s10 =	sadd.s32 $0x180, s25;
	[sflag:s13] =	ssyncadd.s32 $0xFFFFF000  }
0xa1: {  	[tilespmem:s0], [sflag:$0x3] =	stream.indirect.gather [spmem:s2], $0x40, s10, s28, $0xb8;
	[tilespmem:$0x1CC00] =	vst v63  }
0xa2: {  	_ =	swait.ge [sflag:s1], $0x1000  }
0xa3: {  	[sflag:s1] =	ssyncset.done $0x0  }
.Ltmp1:
0xa4: {  	s10 =	sadd.s32 $0x2940, s25;
	[sflag:s1] =	ssyncadd.s32 $0xFFFFF000;
	(pc) =	sbr.rel @p0 .LBB2_4-.Ltmp1, $4  }
0xa5: {  	[spmem:s3] =	stream.indirect.scatter.add.f32 [tilespmem:s29], [sflag:$0x6], $0x40, s10, s28, $0xb8;
	[tilespmem:$0x1CC00] =	vst v63  }
0xa6: {  	_ =	swait.ge [sflag:s14], $0x1000  }
0xa7: {  	[sflag:s14] =	ssyncset.done $0x0  }
0xa8: {  	s10 =	sadd.s32 $0x1C0, s25;
	[sflag:s14] =	ssyncadd.s32 $0xFFFFF000  }
0xa9: {  	[tilespmem:s6], [sflag:$0x4] =	stream.indirect.gather [spmem:s2], $0x40, s10, s28, $0xb8;
	[tilespmem:$0x1CC00] =	vst v63  }
0xaa: {  	_ =	swait.ge [sflag:s7], $0x1000  }
0xab: {  	[sflag:s7] =	ssyncset.done $0x0  }
0xac: {  	s16 =	simm.s32 $0x4F80;
	[sflag:s7] =	ssyncadd.s32 $0xFFFFF000  }
0xad: {  	[spmem:s3] =	stream.indirect.scatter.add.f32 [tilespmem:s0], [sflag:$0x7], $0x40, s16, s28, $0xb8;
	[tilespmem:$0x1CC00] =	vst v63  }
0xae: {  	_ =	swait.ge [sflag:s11], $0x1000  }
0xaf: {  	[sflag:s11] =	ssyncset.done $0x0  }
0xb0: {  	s25 =	simm.s32 $0x4FC0;
	[sflag:s11] =	ssyncadd.s32 $0xFFFFF000  }
0xb1: {  	[spmem:s3] =	stream.indirect.scatter.add.f32 [tilespmem:s6], [sflag:$0x8], $0x40, s25, s28, $0xb8;
	[tilespmem:$0x1CC00] =	vst v63  }
0xb2: {  	_ =	swait.ge [sflag:s9], $0x1000  }
0xb3: {  	[sflag:s9] =	ssyncset.done $0x0  }
0xb4: {  	[sflag:s9] =	ssyncadd.s32 $0xFFFFF000  }
0xb5: {  	_ =	swait.ge [sflag:s12], $0x1000  }
0xb6: {  	[sflag:s12] =	ssyncset.done $0x0  }
0xb7: {  	[sflag:s12] =	ssyncadd.s32 $0xFFFFF000  }
0xb8: {  	_ =	swait.ge [sflag:s13], $0x1000  }
0xb9: {  	[sflag:s13] =	ssyncset.done $0x0  }
0xba: {  	[sflag:s13] =	ssyncadd.s32 $0xFFFFF000  }
0xbb: {  	_ =	swait.ge [sflag:s14], $0x1000  }
0xbc: {  	[sflag:s14] =	ssyncset.done $0x0  }
0xbd: {  	[sflag:s14] =	ssyncadd.s32 $0xFFFFF000  }
0xbe: {  	[bflag:$0x0] =	sbarrier.arrive $0xFFFF  }
0xbf: {  	s16 =	rddreg [dreg:$0xa]  }
0xc0: {  	s25 =	rddreg [dreg:$0x9];
	s31 =	sshrl.u32 s16, $0x3  }
0xc1: {  	[hbm:s25], [sflag:s5] =	dma.local [spmem:s31], $0x13C0  }
0xc2: {  	_ =	swait.ge [sflag:s24], $0x13C0  }
0xc3: {  	[sflag:s24] =	ssyncset.done $0x0  }
0xc4: {  	[sflag:s24] =	ssyncadd.s32 $0xFFFFEC40  }
0xc5: {  	s10 =	simm.s32 $0x100;
	s25 =	simm.s32 $0x0;
	[bflag:$0x0] =	sbarrier.arrive $0xFFFF  }
.LBB2_6:
0xc6: {  	p0 =	sne.s32 s10, $0x3F00;
	[tilespmem:s25+$0x5030] =	vst v0;
	s16 =	smov.u32 s10;
	s10 =	sadd.s32 $0x100, s10  }
.Ltmp2:
0xc7: {  	[tilespmem:s25+$0x5020] =	vst v0;
	(pc) =	sbr.rel @p0 .LBB2_6-.Ltmp2, $3  }
0xc8: {  	[tilespmem:s25+$0x5000] =	vst v0  }
0xc9: {  	[tilespmem:s25+$0x5010] =	vst v0;
	_ =	sdelay $0x1  }
0xca: {  	s25 =	sshra.s32 s16, $0x2  }
0xcb: {  	[tilespmem:s25+$0x5030] =	vst v0  }
0xcc: {  	[tilespmem:s25+$0x5020] =	vst v0  }
0xcd: {  	[tilespmem:s25+$0x5000] =	vst v0  }
0xce: {  	[tilespmem:s25+$0x5010] =	vst v0;
	s10 =	rddreg [dreg:$0xb]  }
0xcf: {  	[spmem:s15], [sflag:s5] =	dma.local [hbm:s10], $0x13C0  }
0xd0: {  	_ =	swait.ge [sflag:s24], $0x13C0  }
0xd1: {  	[sflag:s24] =	ssyncset.done $0x0  }
0xd2: {  	[sflag:s24] =	ssyncadd.s32 $0xFFFFEC40  }
0xd3: {  	[spmem:s8] =	stream.linear.scatter [tilespmem:s26], [sflag:$0x9], $0x1000, $0x38;
	[tilespmem:$0x1CC00] =	vst v63  }
0xd4: {  	_ =	swait.ge [sflag:s24], $0x1000  }
0xd5: {  	[sflag:s24] =	ssyncset.done $0x0  }
0xd6: {  	s16 =	rddreg [dreg:$0xe];
	[sflag:s24] =	ssyncadd.s32 $0xFFFFF000  }
0xd7: {  	[spmem:s16] =	stream.linear.scatter [tilespmem:s26], [sflag:$0x9], $0x1000, $0x38;
	[tilespmem:$0x1CC00] =	vst v63  }
0xd8: {  	_ =	swait.ge [sflag:s24], $0x1000  }
0xd9: {  	[sflag:s24] =	ssyncset.done $0x0  }
0xda: {  	s25 =	rddreg [dreg:$0xf];
	[sflag:s24] =	ssyncadd.s32 $0xFFFFF000  }
0xdb: {  	[spmem:s25] =	stream.linear.scatter [tilespmem:s26], [sflag:$0x9], $0x1000, $0x38;
	[tilespmem:$0x1CC00] =	vst v63  }
0xdc: {  	_ =	swait.ge [sflag:s24], $0x1000  }
0xdd: {  	[sflag:s24] =	ssyncset.done $0x0  }
0xde: {  	[sflag:s24] =	ssyncadd.s32 $0xFFFFF000  }
0xdf: {  	[spmem:s18] =	stream.linear.scatter [tilespmem:s26], [sflag:$0x9], $0x1000, $0x38;
	[tilespmem:$0x1CC00] =	vst v63  }
0xe0: {  	_ =	swait.ge [sflag:s24], $0x1000  }
0xe1: {  	[sflag:s24] =	ssyncset.done $0x0  }
0xe2: {  	[sflag:s24] =	ssyncadd.s32 $0xFFFFF000  }
0xe3: {  	[spmem:s19] =	stream.linear.scatter [tilespmem:s26], [sflag:$0x9], $0x1000, $0x38;
	[tilespmem:$0x1CC00] =	vst v63  }
0xe4: {  	_ =	swait.ge [sflag:s24], $0x1000  }
0xe5: {  	[sflag:s24] =	ssyncset.done $0x0  }
0xe6: {  	[sflag:s24] =	ssyncadd.s32 $0xFFFFF000  }
0xe7: {  	[spmem:s20] =	stream.linear.scatter [tilespmem:s26], [sflag:$0x9], $0x1000, $0x38;
	[tilespmem:$0x1CC00] =	vst v63  }
0xe8: {  	_ =	swait.ge [sflag:s24], $0x1000  }
0xe9: {  	[sflag:s24] =	ssyncset.done $0x0  }
0xea: {  	[sflag:s24] =	ssyncadd.s32 $0xFFFFF000  }
0xeb: {  	[spmem:s21] =	stream.linear.scatter [tilespmem:s26], [sflag:$0x9], $0x1000, $0x38;
	[tilespmem:$0x1CC00] =	vst v63  }
0xec: {  	_ =	swait.ge [sflag:s24], $0x1000  }
0xed: {  	[sflag:s24] =	ssyncset.done $0x0  }
0xee: {  	[sflag:s24] =	ssyncadd.s32 $0xFFFFF000  }
0xef: {  	[spmem:s22] =	stream.linear.scatter [tilespmem:s26], [sflag:$0x9], $0x1000, $0x38;
	[tilespmem:$0x1CC00] =	vst v63  }
0xf0: {  	_ =	swait.ge [sflag:s24], $0x1000  }
0xf1: {  	[sflag:s24] =	ssyncset.done $0x0  }
0xf2: {  	[sflag:s24] =	ssyncadd.s32 $0xFFFFF000  }
0xf3: {  	[spmem:s23] =	stream.linear.scatter [tilespmem:s26], [sflag:$0x9], $0x1000, $0x38;
	[tilespmem:$0x1CC00] =	vst v63  }
0xf4: {  	_ =	swait.ge [sflag:s24], $0x1000  }
0xf5: {  	[sflag:s24] =	ssyncset.done $0x0  }
0xf6: {  	[sflag:s24] =	ssyncadd.s32 $0xFFFFF000  }
0xf7: {  	[spmem:s17] =	stream.linear.scatter [tilespmem:s26], [sflag:$0x9], $0xE00, $0x38;
	[tilespmem:$0x1CC00] =	vst v63  }
0xf8: {  	_ =	swait.ge [sflag:s24], $0xE00  }
0xf9: {  	[sflag:s24] =	ssyncset.done $0x0  }
0xfa: {  	[sflag:s24] =	ssyncadd.s32 $0xFFFFF200  }
0xfb: {  	s15 =	simm.s32 $0x0;
	[bflag:$0x0] =	sbarrier.arrive $0xFFFF  }
0xfc: {  	[tilespmem:s26], [sflag:$0x1] =	stream.indirect.gather [spmem:s2], $0x40, s15, s28, $0xb8;
	[tilespmem:$0x1CC00] =	vst v63  }
0xfd: {  	_ = 	snop  }
0xfe: {  	[tilespmem:s29], [sflag:$0x2] =	stream.indirect.gather [spmem:s2], $0x40, s28, s28, $0xb8;
	[tilespmem:$0x1CC00] =	vst v63  }
0xff: {  	_ =	swait.ge [sflag:s30], $0x1000  }
0x100: {  	[sflag:s30] =	ssyncset.done $0x0  }
0x101: {  	s16 =	smov.u32 s17;
	s17 =	simm.s32 $0x2800;
	[sflag:s30] =	ssyncadd.s32 $0xFFFFF000  }
0x102: {  	[spmem:s3] =	stream.indirect.scatter.add.f32 [tilespmem:s26], [sflag:$0x5], $0x40, s17, s28, $0xb8;
	[tilespmem:$0x1CC00] =	vst v63  }
0x103: {  	s25 =	simm.s32 $0x80  }
0x104: {  	[tilespmem:s0], [sflag:$0x3] =	stream.indirect.gather [spmem:s2], $0x40, s25, s28, $0xb8;
	[tilespmem:$0x1CC00] =	vst v63  }
0x105: {  	_ =	swait.ge [sflag:s1], $0x1000  }
0x106: {  	[sflag:s1] =	ssyncset.done $0x0  }
0x107: {  	s15 =	simm.s32 $0x2840;
	[sflag:s1] =	ssyncadd.s32 $0xFFFFF000  }
0x108: {  	[spmem:s3] =	stream.indirect.scatter.add.f32 [tilespmem:s29], [sflag:$0x6], $0x40, s15, s28, $0xb8;
	[tilespmem:$0x1CC00] =	vst v63  }
0x109: {  	s17 =	simm.s32 $0xC0  }
0x10a: {  	[tilespmem:s6], [sflag:$0x4] =	stream.indirect.gather [spmem:s2], $0x40, s17, s28, $0xb8;
	[tilespmem:$0x1CC00] =	vst v63  }
0x10b: {  	_ =	swait.ge [sflag:s7], $0x1000  }
0x10c: {  	[sflag:s7] =	ssyncset.done $0x0  }
0x10d: {  	s25 =	simm.s32 $0x2880;
	[sflag:s7] =	ssyncadd.s32 $0xFFFFF000  }
0x10e: {  	[spmem:s3] =	stream.indirect.scatter.add.f32 [tilespmem:s0], [sflag:$0x7], $0x40, s25, s28, $0xb8;
	[tilespmem:$0x1CC00] =	vst v63  }
0x10f: {  	_ =	swait.ge [sflag:s9], $0x1000  }
0x110: {  	[sflag:s9] =	ssyncset.done $0x0  }
0x111: {  	s15 =	simm.s32 $0x100;
	[sflag:s9] =	ssyncadd.s32 $0xFFFFF000  }
0x112: {  	[tilespmem:s26], [sflag:$0x1] =	stream.indirect.gather [spmem:s2], $0x40, s15, s28, $0xb8;
	[tilespmem:$0x1CC00] =	vst v63  }
0x113: {  	_ =	swait.ge [sflag:s11], $0x1000  }
0x114: {  	[sflag:s11] =	ssyncset.done $0x0  }
0x115: {  	s17 =	simm.s32 $0x28C0;
	[sflag:s11] =	ssyncadd.s32 $0xFFFFF000  }
0x116: {  	[spmem:s3] =	stream.indirect.scatter.add.f32 [tilespmem:s6], [sflag:$0x8], $0x40, s17, s28, $0xb8;
	[tilespmem:$0x1CC00] =	vst v63  }
0x117: {  	_ =	swait.ge [sflag:s12], $0x1000  }
0x118: {  	[sflag:s12] =	ssyncset.done $0x0  }
0x119: {  	s25 =	simm.s32 $0x140;
	[sflag:s12] =	ssyncadd.s32 $0xFFFFF000  }
0x11a: {  	[tilespmem:s29], [sflag:$0x2] =	stream.indirect.gather [spmem:s2], $0x40, s25, s28, $0xb8;
	[tilespmem:$0x1CC00] =	vst v63  }
0x11b: {  	_ =	swait.ge [sflag:s30], $0x1000  }
0x11c: {  	[sflag:s30] =	ssyncset.done $0x0  }
0x11d: {  	s15 =	simm.s32 $0x2900;
	[sflag:s30] =	ssyncadd.s32 $0xFFFFF000  }
0x11e: {  	[spmem:s3] =	stream.indirect.scatter.add.f32 [tilespmem:s26], [sflag:$0x5], $0x40, s15, s28, $0xb8;
	[tilespmem:$0x1CC00] =	vst v63  }
0x11f: {  	_ =	swait.ge [sflag:s13], $0x1000  }
0x120: {  	[sflag:s13] =	ssyncset.done $0x0  }
0x121: {  	s17 =	simm.s32 $0x180;
	[sflag:s13] =	ssyncadd.s32 $0xFFFFF000  }
0x122: {  	[tilespmem:s0], [sflag:$0x3] =	stream.indirect.gather [spmem:s2], $0x40, s17, s28, $0xb8;
	[tilespmem:$0x1CC00] =	vst v63  }
0x123: {  	_ =	swait.ge [sflag:s1], $0x1000  }
0x124: {  	[sflag:s1] =	ssyncset.done $0x0  }
0x125: {  	s25 =	simm.s32 $0x2940;
	[sflag:s1] =	ssyncadd.s32 $0xFFFFF000  }
0x126: {  	[spmem:s3] =	stream.indirect.scatter.add.f32 [tilespmem:s29], [sflag:$0x6], $0x40, s25, s28, $0xb8;
	[tilespmem:$0x1CC00] =	vst v63  }
0x127: {  	_ =	swait.ge [sflag:s14], $0x1000  }
0x128: {  	[sflag:s14] =	ssyncset.done $0x0  }
0x129: {  	s10 =	simm.s32 $0x1C0;
	s15 =	simm.s32 $0x400;
	[sflag:s14] =	ssyncadd.s32 $0xFFFFF000  }
.LBB2_8:
0x12a: {  	[tilespmem:s6], [sflag:$0x4] =	stream.indirect.gather [spmem:s2], $0x40, s10, s28, $0xb8;
	[tilespmem:$0x1CC00] =	vst v63  }
0x12b: {  	s10 =	smov.u32 s15  }
0x12c: {  	p0 =	sne.s32 s15, $0x9800;
	s15 =	sadd.s32 $0x400, s15;
	_ =	swait.ge [sflag:s7], $0x1000  }
0x12d: {  	s25 =	sshra.s32 s10, $0x2;
	[sflag:s7] =	ssyncset.done $0x0  }
0x12e: {  	s10 =	sadd.s32 $0x2880, s25;
	[sflag:s7] =	ssyncadd.s32 $0xFFFFF000  }
0x12f: {  	[spmem:s3] =	stream.indirect.scatter.add.f32 [tilespmem:s0], [sflag:$0x7], $0x40, s10, s28, $0xb8;
	[tilespmem:$0x1CC00] =	vst v63  }
0x130: {  	_ =	swait.ge [sflag:s9], $0x1000  }
0x131: {  	[sflag:s9] =	ssyncset.done $0x0  }
0x132: {  	s10 =	sadd.s32 $0x100, s25;
	[sflag:s9] =	ssyncadd.s32 $0xFFFFF000  }
0x133: {  	[tilespmem:s26], [sflag:$0x1] =	stream.indirect.gather [spmem:s2], $0x40, s10, s28, $0xb8;
	[tilespmem:$0x1CC00] =	vst v63  }
0x134: {  	_ =	swait.ge [sflag:s11], $0x1000  }
0x135: {  	[sflag:s11] =	ssyncset.done $0x0  }
0x136: {  	s10 =	sadd.s32 $0x28C0, s25;
	[sflag:s11] =	ssyncadd.s32 $0xFFFFF000  }
0x137: {  	[spmem:s3] =	stream.indirect.scatter.add.f32 [tilespmem:s6], [sflag:$0x8], $0x40, s10, s28, $0xb8;
	[tilespmem:$0x1CC00] =	vst v63  }
0x138: {  	_ =	swait.ge [sflag:s12], $0x1000  }
0x139: {  	[sflag:s12] =	ssyncset.done $0x0  }
0x13a: {  	s10 =	sadd.s32 $0x140, s25;
	[sflag:s12] =	ssyncadd.s32 $0xFFFFF000  }
0x13b: {  	[tilespmem:s29], [sflag:$0x2] =	stream.indirect.gather [spmem:s2], $0x40, s10, s28, $0xb8;
	[tilespmem:$0x1CC00] =	vst v63  }
0x13c: {  	_ =	swait.ge [sflag:s30], $0x1000  }
0x13d: {  	[sflag:s30] =	ssyncset.done $0x0  }
0x13e: {  	s10 =	sadd.s32 $0x2900, s25;
	[sflag:s30] =	ssyncadd.s32 $0xFFFFF000  }
0x13f: {  	[spmem:s3] =	stream.indirect.scatter.add.f32 [tilespmem:s26], [sflag:$0x5], $0x40, s10, s28, $0xb8;
	[tilespmem:$0x1CC00] =	vst v63  }
0x140: {  	_ =	swait.ge [sflag:s13], $0x1000  }
0x141: {  	[sflag:s13] =	ssyncset.done $0x0  }
0x142: {  	s10 =	sadd.s32 $0x180, s25;
	[sflag:s13] =	ssyncadd.s32 $0xFFFFF000  }
0x143: {  	[tilespmem:s0], [sflag:$0x3] =	stream.indirect.gather [spmem:s2], $0x40, s10, s28, $0xb8;
	[tilespmem:$0x1CC00] =	vst v63  }
0x144: {  	_ =	swait.ge [sflag:s1], $0x1000  }
0x145: {  	[sflag:s1] =	ssyncset.done $0x0  }
.Ltmp3:
0x146: {  	s10 =	sadd.s32 $0x2940, s25;
	[sflag:s1] =	ssyncadd.s32 $0xFFFFF000;
	(pc) =	sbr.rel @p0 .LBB2_8-.Ltmp3, $4  }
0x147: {  	[spmem:s3] =	stream.indirect.scatter.add.f32 [tilespmem:s29], [sflag:$0x6], $0x40, s10, s28, $0xb8;
	[tilespmem:$0x1CC00] =	vst v63  }
0x148: {  	_ =	swait.ge [sflag:s14], $0x1000  }
0x149: {  	[sflag:s14] =	ssyncset.done $0x0  }
0x14a: {  	s10 =	sadd.s32 $0x1C0, s25;
	[sflag:s14] =	ssyncadd.s32 $0xFFFFF000  }
0x14b: {  	[tilespmem:s6], [sflag:$0x4] =	stream.indirect.gather [spmem:s2], $0x40, s10, s28, $0xb8;
	[tilespmem:$0x1CC00] =	vst v63  }
0x14c: {  	_ =	swait.ge [sflag:s7], $0x1000  }
0x14d: {  	[sflag:s7] =	ssyncset.done $0x0  }
0x14e: {  	s15 =	simm.s32 $0x4F80;
	[sflag:s7] =	ssyncadd.s32 $0xFFFFF000  }
0x14f: {  	[spmem:s3] =	stream.indirect.scatter.add.f32 [tilespmem:s0], [sflag:$0x7], $0x40, s15, s28, $0xb8;
	[tilespmem:$0x1CC00] =	vst v63  }
0x150: {  	_ =	swait.ge [sflag:s11], $0x1000  }
0x151: {  	[sflag:s11] =	ssyncset.done $0x0  }
0x152: {  	s17 =	simm.s32 $0x4FC0;
	[sflag:s11] =	ssyncadd.s32 $0xFFFFF000  }
0x153: {  	[spmem:s3] =	stream.indirect.scatter.add.f32 [tilespmem:s6], [sflag:$0x8], $0x40, s17, s28, $0xb8;
	[tilespmem:$0x1CC00] =	vst v63  }
0x154: {  	_ =	swait.ge [sflag:s9], $0x1000  }
0x155: {  	[sflag:s9] =	ssyncset.done $0x0  }
0x156: {  	[sflag:s9] =	ssyncadd.s32 $0xFFFFF000  }
0x157: {  	_ =	swait.ge [sflag:s12], $0x1000  }
0x158: {  	[sflag:s12] =	ssyncset.done $0x0  }
0x159: {  	[sflag:s12] =	ssyncadd.s32 $0xFFFFF000  }
0x15a: {  	_ =	swait.ge [sflag:s13], $0x1000  }
0x15b: {  	[sflag:s13] =	ssyncset.done $0x0  }
0x15c: {  	[sflag:s13] =	ssyncadd.s32 $0xFFFFF000  }
0x15d: {  	_ =	swait.ge [sflag:s14], $0x1000  }
0x15e: {  	[sflag:s14] =	ssyncset.done $0x0  }
0x15f: {  	[sflag:s14] =	ssyncadd.s32 $0xFFFFF000  }
0x160: {  	[bflag:$0x0] =	sbarrier.arrive $0xFFFF  }
0x161: {  	s25 =	rddreg [dreg:$0xc]  }
0x162: {  	[hbm:s25], [sflag:s5] =	dma.local [spmem:s31], $0x13C0  }
0x163: {  	_ =	swait.ge [sflag:s24], $0x13C0  }
0x164: {  	s4 =	sadd.s32 $0x1, s4;
	s31 =	rddreg [dreg:$0xd]  }
0x165: {  	p0 =	sne.s32 s4, s31  }
.Ltmp4:
0x166: {  	_ = 	snop;
	(pc) =	sbr.rel @p0 .LBB2_1-.Ltmp4, $3  }
0x167: {  	_ =	sdelay $0x1  }
0x168: {  	[sflag:s24] =	ssyncset.done $0x0  }
0x169: {  	[sflag:s24] =	ssyncadd.s32 $0xFFFFEC40  }
0x16a: {  	_ =	sfence.sel $0x180000  }
0x16b: {  	[bflag:$0x0] =	sbarrier.arrive $0xFFFF  }
0x16c: {  	_ =	strace $0x9000004A  }
0x16d: {  	s0 =	stileid.u32;
	[bflag:$0x2] =	sbarrier.arrive $0xFFFF  }
0x16e: {  	p0 =	sne.s32 s0, $0x0;
	s0 =	rddreg [dreg:$0x4]  }
0x16f: {  	s0 =	sadd.s32 @!p0 $0x100000, s0  }
0x170: {  	[sflag:s0] =	ssyncadd.tile.s32 @!p0 $0x1;
	_ =	shalt  }
.Lfunc_end2:
_tile_overlayer_lowered:
.L_overlay_start_2:
0x171: {  	(tag) =	ssettag $0x2  }
0x172: {  	s0 =	rddreg [dreg:$0x0];
	s2 =	stileid.u32  }
0x173: {  	s1 =	rddreg [dreg:$0x1];
	p0 =	sne.s32 s2, $0x0  }
0x174: {  	s3 =	rddreg [dreg:$0x2];
	[bflag:$0x3] =	sbarrier.arrive $0xFFFF;
	s2 =	simm.s32 @!p0 $0x1C09  }
0x175: {  	[timem:s3], [sflag:s2] =	dma.local @!p0 [hbm:s0], s1  }
0x176: {  	s0 =	simm.s32 @!p0 $0x9  }
0x177: {  	_ =	swait.ge @!p0 [sflag:s0], s1  }
0x178: {  	s1 =	ssub.s32 @!p0 $0x0, s1;
	[sflag:s0] =	ssyncset.done @!p0 $0x0  }
0x179: {  	[sflag:s0] =	ssyncadd.s32 @!p0 s1  }
0x17a: {  	[bflag:$0x3] =	sbarrier.arrive $0xFFFF  }
0x17b: {  	_ =	shalt  }

// kernel: kernel.14.cloned.1.call-start
scs
__scs_entry_jumppad:
0x0: {  	(pc) =	sbr.rel $0x88, $3  }
0x1: {  	(tag) =	ssettag $0x0;
	lr =	simm.s32 $0x1  }
0x2: {  	[smem:$0x3F9B] =	sst lr;
	_ =	strace $0xD0000000  }
0x3: {  	_ = 	snop  }
0x4: {  	_ = 	snop  }
0x5: {  	_ = 	snop  }
0x6: {  	_ = 	snop  }
0x7: {  	_ = 	snop  }
__scs_overlays_trampoline_lowered:
0x8: {  	[smem:$0x3FAA] =	sst s0  }
0x9: {  	[smem:$0x3FAB] =	sst s1  }
0xa: {  	[smem:$0x3FAC] =	sst s2  }
0xb: {  	[smem:$0x3FAD] =	sst s3  }
0xc: {  	[smem:$0x3FAE] =	sst s4  }
0xd: {  	[smem:$0x3FAF] =	sst s5  }
0xe: {  	[smem:$0x3FB0] =	sst s6  }
0xf: {  	[smem:$0x3FB1] =	sst s7  }
0x10: {  	[smem:$0x3FB2] =	sst s8  }
0x11: {  	[smem:$0x3FB3] =	sst s9;
	s0 =	simm.s32 @!p0 $0x0  }
0x12: {  	s1 =	sld [smem:$0x3F99];
	s0 =	simm.s32 @p0 $0x1  }
0x13: {  	[smem:$0x3FB4] =	sst s0;
	s0 =	simm.s32 @!p1 $0x0  }
0x14: {  	s2 =	sld [smem:$0x3F98];
	s0 =	simm.s32 @p1 $0x1  }
0x15: {  	[smem:$0x3FB5] =	sst s0;
	s0 =	simm.s32 @!p2 $0x0  }
0x16: {  	s3 =	sld [smem:$0x3FDB];
	s0 =	simm.s32 @p2 $0x1  }
0x17: {  	s4 =	simm.s32 $0x1BF5;
	[smem:$0x3FB7] =	sst s0  }
0x18: {  	s0 =	sld [smem:$0x3F9A];
	_ =	swait.ge [sflag:s4], $0x0  }
0x19: {  	s7 =	sld [smem:$0x3F9B]  }
0x1a: {  	s8 =	sadd.s32 $0xFFFFE003, lr  }
0x1b: {  	s9 =	sadd.s32 $0xFFFFFEF7, lr;
	s5 =	simm.s32 $0xFFFFFFFF;
	p2 =	slt.u32 s8, $0xFFFFF086  }
0x1c: {  	p1 =	slt.u32 s9, $0xF7A;
	s5 =	simm.s32 @!p2 $0x0  }
0x1d: {  	s5 =	simm.s32 @p1 $0x1;
	p0 =	seq.s32 s7, s2  }
0x1e: {  	s7 =	smul.u32 @!p0 $0xF7A, s2;
	p2 =	seq.s32 @!p0 s5, $0x0  }
0x1f: {  	s9 =	smul.u32 $0xF7A, s1;
	s8 =	simm.s32 @!p0 $0x1BF5;
	p2 =	por !p2, p0  }
0x20: {  	[sflag:s8] =	ssyncset.s32 @!p0 $0xFFFFF086;
	s6 =	sadd.s32 @!p0 s3, s7;
	s7 =	simm.s32 @!p0 $0x108  }
0x21: {  	s3 =	sadd.s32 s3, s9;
	s6 =	sadd.s32 @!p0 $0x88, s6;
	s7 =	simm.s32 @p2 $0x1082  }
0x22: {  	[simem:s7], [sflag:s8] =	dma.local @!p0 [hbm:s6], $0xF7A  }
0x23: {  	s9 =	sor.u32 $0xD0000000, s2;
	s6 =	simm.s32 $0x108;
	_ =	swait.ge @!p0 [sflag:s8], $0x0  }
0x24: {  	s3 =	sadd.s32 $0x88, s3;
	s6 =	simm.s32 @!p1 $0x1082;
	[sflag:s4] =	ssyncset.s32 $0xFFFFF086  }
0x25: {  	[simem:s6], [sflag:s4] =	dma.local [hbm:s3], $0xF7A  }
0x26: {  	[smem:$0x3F9B] =	sst s1;
	(tag) =	ssettag s2;
	_ =	strace s9  }
0x27: {  	s1 =	sld [smem:$0x3FAB]  }
0x28: {  	s2 =	sld [smem:$0x3FAC]  }
0x29: {  	s4 =	sld [smem:$0x3FAE]  }
0x2a: {  	p0 =	seq.s32 s5, $0x0;
	s5 =	sld [smem:$0x3FAF]  }
0x2b: {  	s6 =	sld [smem:$0x3FB0]  }
0x2c: {  	s7 =	sld [smem:$0x3FB1]  }
0x2d: {  	s3 =	simm.s32 $0x108;
	s8 =	sld [smem:$0x3FB2]  }
0x2e: {  	s3 =	simm.s32 @!p0 $0x1082;
	s9 =	sld [smem:$0x3FB3]  }
0x2f: {  	lr =	sadd.s32 s0, s3;
	s0 =	sld [smem:$0x3FAA]  }
0x30: {  	s3 =	sld [smem:$0x3FAD]  }
0x31: {  	[smem:$0x3FB6] =	sst s10  }
0x32: {  	s10 =	sld [smem:$0x3FB4];
	_ =	sdelay $0x3  }
0x33: {  	p0 =	seq.s32 s10, $0x1;
	s10 =	sld [smem:$0x3FB6];
	_ =	sdelay $0x3  }
0x34: {  	[smem:$0x3FB6] =	sst s10  }
0x35: {  	s10 =	sld [smem:$0x3FB5];
	_ =	sdelay $0x3  }
0x36: {  	p1 =	seq.s32 s10, $0x1;
	s10 =	sld [smem:$0x3FB6];
	_ =	sdelay $0x3  }
0x37: {  	[smem:$0x3FB6] =	sst s10  }
0x38: {  	s10 =	sld [smem:$0x3FB7]  }
0x39: {  	_ = 	snop;
	(pc) =	sbr.ind lr, $3  }
0x3a: {  	_ = 	snop  }
0x3b: {  	_ = 	snop  }
0x3c: {  	p2 =	seq.s32 s10, $0x1;
	s10 =	sld [smem:$0x3FB6]  }
0x3d: {  	_ =	shalt  }
0x3e: {  	_ =	shalt  }
0x3f: {  	_ =	shalt  }
0x40: {  	_ =	shalt  }
0x41: {  	_ =	shalt  }
0x42: {  	_ =	shalt  }
0x43: {  	_ =	shalt  }
0x44: {  	_ =	shalt  }
0x45: {  	_ =	shalt  }
0x46: {  	_ =	shalt  }
0x47: {  	_ =	shalt  }
0x48: {  	_ =	shalt  }
0x49: {  	_ =	shalt  }
0x4a: {  	_ =	shalt  }
0x4b: {  	_ =	shalt  }
0x4c: {  	_ =	shalt  }
0x4d: {  	_ =	shalt  }
0x4e: {  	_ =	shalt  }
0x4f: {  	_ =	shalt  }
0x50: {  	_ =	shalt  }
0x51: {  	_ =	shalt  }
0x52: {  	_ =	shalt  }
0x53: {  	_ =	shalt  }
0x54: {  	_ =	shalt  }
0x55: {  	_ =	shalt  }
0x56: {  	_ =	shalt  }
0x57: {  	_ =	shalt  }
0x58: {  	_ =	shalt  }
0x59: {  	_ =	shalt  }
0x5a: {  	_ =	shalt  }
0x5b: {  	_ =	shalt  }
0x5c: {  	_ =	shalt  }
0x5d: {  	_ =	shalt  }
0x5e: {  	_ =	shalt  }
0x5f: {  	_ =	shalt  }
0x60: {  	_ =	shalt  }
0x61: {  	_ =	shalt  }
0x62: {  	_ =	shalt  }
0x63: {  	_ =	shalt  }
0x64: {  	_ =	shalt  }
0x65: {  	_ =	shalt  }
0x66: {  	_ =	shalt  }
0x67: {  	_ =	shalt  }
0x68: {  	_ =	shalt  }
0x69: {  	_ =	shalt  }
0x6a: {  	_ =	shalt  }
0x6b: {  	_ =	shalt  }
0x6c: {  	_ =	shalt  }
0x6d: {  	_ =	shalt  }
0x6e: {  	_ =	shalt  }
0x6f: {  	_ =	shalt  }
0x70: {  	_ =	shalt  }
0x71: {  	_ =	shalt  }
0x72: {  	_ =	shalt  }
0x73: {  	_ =	shalt  }
0x74: {  	_ =	shalt  }
0x75: {  	_ =	shalt  }
0x76: {  	_ =	shalt  }
0x77: {  	_ =	shalt  }
0x78: {  	_ =	shalt  }
0x79: {  	_ =	shalt  }
0x7a: {  	_ =	shalt  }
0x7b: {  	_ =	shalt  }
0x7c: {  	_ =	shalt  }
0x7d: {  	_ =	shalt  }
0x7e: {  	_ =	shalt  }
0x7f: {  	_ =	shalt  }
0x80: {  	_ =	shalt  }
0x81: {  	_ =	shalt  }
0x82: {  	_ =	shalt  }
0x83: {  	_ =	shalt  }
0x84: {  	_ =	shalt  }
0x85: {  	_ =	shalt  }
0x86: {  	_ =	shalt  }
0x87: {  	_ =	shalt  }
.Lfunc_end0:
.L_simem_size_0:
called_computation.2_lowered:
.L_overlay_start_0:
0x88: {  	s2 =	sld [smem:$0x3FD9]  }
0x89: {  	s3 =	sld [smem:$0x3FFE];
	_ =	sdelay $0x1  }
0x8a: {  	s1 =	srdreg.scid  }
0x8b: {  	s0 =	sand.u32 $0x1, s1  }
0x8c: {  	s17 =	sshll.u32 s0, $0xA;
	s2 =	sadd.s32 s3, s2  }
0x8d: {  	s2 =	sadd.s32 s2, s17  }
0x8e: {  	[smem:$0x3FC2] =	sst s2  }
0x8f: {  	_ = 	snop  }
0x90: {  	s2 =	sld [smem:$0x3FD0];
	(tm) =	ssettm $0x1  }
0x91: {  	s18 =	sld [smem:$0x3FFB];
	_ =	sdelay $0x3  }
0x92: {  	_ =	strace s18  }
0x93: {  	s3 =	sld [smem:$0x3FFC];
	_ =	sdelay $0x3  }
0x94: {  	_ =	strace s3  }
0x95: {  	s3 =	sld [smem:$0x3FFD];
	_ =	sdelay $0x3  }
0x96: {  	_ =	strace s3  }
0x97: {  	_ =	strace $0x8FFFFFFF  }
0x98: {  	s19 =	sld [smem:$0x3FDB];
	_ =	sdelay $0x1  }
0x99: {  	s4 =	simm.s32 $_scs_section_size  }
0x9a: {  	s5 =	simm.s32 $_size__tile_overlayer_lowered;
	s6 =	simm.s32 $_tile_overlayer_lowered  }
0x9b: {  	s22 =	simm.s32 $0x1BFF;
	s21 =	sshll.u32 s6, $0x1;
	s3 =	sadd.s32 s4, s19  }
0x9c: {  	s7 =	simm.s32 $0x0;
	s20 =	sshll.u32 s5, $0x1;
	s5 =	sadd.s32 s21, s3  }
0x9d: {  	[timem:s7], [sflag:s22] =	dma.local [hbm:s5], s20  }
0x9e: {  	_ =	swait.ge [sflag:s22], s20  }
0x9f: {  	s4 =	ssub.s32 $0x0, s20;
	[sflag:s22] =	ssyncset.done $0x0  }
0xa0: {  	[sflag:s22] =	ssyncadd.s32 s4;
	_ =	sdelay $0x1  }
0xa1: {  	s23 =	simm.s32 $0x1B8B  }
0xa2: {  	_ =	swait.ge [sflag:s23], $0x1  }
0xa3: {  	[sflag:s23] =	ssyncset.done $0x0  }
0xa4: {  	s25 =	simm.s32 $0x1B8E;
	s24 =	sld [smem:$0x3FFE];
	[sflag:s23] =	ssyncadd.s32 $0xFFFFFFFF  }
0xa5: {  	s26 =	simm.s32 $execute0_lowered;
	[smem:$0x3FD2] =	sst s25  }
0xa6: {  	s5 =	sshll.u32 s26, $0x1;
	_ =	strace $0x8000004C;
	[dreg:$0x1] =	wrdreg $0xFFFFFFFF  }
0xa7: {  	s28 =	simm.s32 $_size_execute0_lowered;
	s3 =	sadd.s32 s3, s5;
	[dreg:$0x0] =	wrdreg $0x0  }
0xa8: {  	s5 =	sshll.u32 s28, $0x1;
	[dreg:$0x2] =	wrdreg s3  }
0xa9: {  	[dreg:$0x3] =	wrdreg s5  }
0xaa: {  	[dreg:$0x4] =	wrdreg $0xC0  }
0xab: {  	_ =	task [dreg:s7], $0x5FFFF  }
0xac: {  	[dreg:$0x1] =	wrdreg $0xFFFFFFFF  }
0xad: {  	[dreg:$0x0] =	wrdreg $0x60  }
0xae: {  	[dreg:$0x2] =	wrdreg s2  }
0xaf: {  	[dreg:$0x3] =	wrdreg s24  }
0xb0: {  	[dreg:$0x4] =	wrdreg $0x90000  }
0xb1: {  	[dreg:$0x5] =	wrdreg $0x12E000  }
0xb2: {  	[dreg:$0x6] =	wrdreg $0x9  }
0xb3: {  	_ =	task.clear_ibuf [dreg:s7], $0x7FFFF;
	_ =	strace $0x9000004C  }
0xb4: {  	s29 =	simm.s32 $0x9;
	_ =	strace $0x8000004E  }
0xb5: {  	_ =	swait.ge [sflag:s29], $0x1  }
0xb6: {  	[sflag:s29] =	ssyncadd.s32 $0xFFFFFFFF  }
0xb7: {  	_ =	strace $0x9000004E  }
0xb8: {  	_ =	sfence  }
0xb9: {  	s30 =	sld [smem:$0x0];
	_ =	sdelay $0x2  }
0xba: {  	s31 =	sshll.u32 s1, $0xD;
	s1 =	sshrl.u32 s1, $0x2  }
0xbb: {  	s3 =	sand.u32 $0x4000, s31;
	s1 =	sadd.s32 s1, s30  }
0xbc: {  	s0 =	sor.u32 s3, s0;
	s1 =	sshll.u32 s1, $0x11  }
0xbd: {  	s0 =	sor.u32 s1, s0  }
0xbe: {  	s0 =	sadd.s32 $0x8F2B, s0  }
0xbf: {  	[sflag:s0] =	ssyncadd.remote.s32 $0x1  }
0xc0: {  	_ =	sfence.sel $0xFFFF  }
0xc1: {  	[dreg:$0x0] =	wrdreg $0xFFFFFFFF;
	(pc) =	sbr.abs _section_cstart, $3  }
0xc2: {  	[dreg:$0x1] =	wrdreg $0xFFFFFFFF  }
0xc3: {  	_ =	task.clear_ibuf [dreg:s7], $0x2FFFF;
	_ =	strace $0x9FFFFFFF  }
0xc4: {  	(tm) =	ssettm $0x7FFFFFFF  }
0xc5: {  	_ =	shalt  }
tec
execute0_lowered:
.L_overlay_start_1:
0x0: {  	(tag) =	ssettag $0x1  }
0x1: {  	s0 =	rddreg [dreg:$0x0]  }
0x2: {  	s1 =	rddreg [dreg:$0x1]  }
0x3: {  	s2 =	rddreg [dreg:$0x2]  }
0x4: {  	s3 =	rddreg [dreg:$0x3];
	s4 =	srdreg.scid  }
0x5: {  	s9 =	stileid.u32;
	s6 =	simm.s32 $0x0;
	s28 =	simm.s32 $0x1  }
0x6: {  	s30 =	simm.s32 $0x7000;
	s31 =	simm.s32 $0x2;
	s29 =	simm.s32 $0x8000  }
0x7: {  	s4 =	sand.u32 $0x1, s4;
	s5 =	smul.u32 $0x9E00, s9;
	[smem:$0x7FF] =	sst s6  }
0x8: {  	s20 =	sshll.u32 s4, $0x4;
	s7 =	smul.u32 $0x9E000, s4;
	s4 =	ssub.s32 $0x2, s4  }
0x9: {  	_ =	strace $0x8000004D;
	s6 =	sor.u32 s9, s20;
	s8 =	sshrl.u32 s4, $0x1  }
0xa: {  	s9 =	smul.u32 $0x27800, s9;
	s23 =	sadd.s32 s5, s2;
	s10 =	sshrl.u32 s5, $0x3  }
0xb: {  	s13 =	sadd.s32 s5, s3;
	s20 =	simm.s32 $0x9;
	s6 =	smul.u32 $0x500, s6  }
0xc: {  	s7 =	sadd.s32 s5, s7;
	s4 =	ssub.s32 s4, s8;
	s0 =	sadd.s32 s0, s10  }
0xd: {  	s5 =	simm.s32 $0x6;
	s8 =	simm.s32 $0x8;
	s7 =	sshrl.u32 s7, $0x3  }
0xe: {  	s22 =	sshrl.u32 s9, $0x2;
	[dreg:$0x7] =	wrdreg s0;
	s24 =	smax.u32 s4, $0x1  }
0xf: {  	s0 =	simm.s32 $0x3;
	s4 =	simm.s32 $0x4;
	s9 =	simm.s32 $0x0  }
0x10: {  	s6 =	sadd.s32 s6, s1;
	s1 =	sadd.s32 s7, s1;
	s7 =	sadd.s32 s22, s3  }
0x11: {  	[dreg:$0xa] =	wrdreg s24;
	s22 =	sshrl.u32 s23, $0x3;
	s23 =	simm.s32 $0x5000  }
0x12: {  	s24 =	simm.s32 $0x40;
	s21 =	sadd.s32 $0xC200, s6;
	s6 =	sadd.s32 $0x2200, s6  }
0x13: {  	s11 =	sadd.s32 $0x9000, s7;
	s12 =	sadd.s32 $0x3DA00, s1;
	[dreg:$0x5] =	wrdreg s21  }
0x14: {  	s25 =	sadd.s32 $0x1000, s7;
	s26 =	sadd.s32 $0x2000, s7;
	[dreg:$0x6] =	wrdreg s6  }
0x15: {  	s14 =	sadd.s32 $0x3000, s7;
	s15 =	sadd.s32 $0x4000, s7;
	[dreg:$0x8] =	wrdreg s11  }
0x16: {  	s16 =	sadd.s32 $0x5000, s7;
	s17 =	sadd.s32 $0x6000, s7;
	[dreg:$0x9] =	wrdreg s12  }
0x17: {  	s18 =	sadd.s32 $0x7000, s7;
	s19 =	sadd.s32 $0x8000, s7;
	[dreg:$0xb] =	wrdreg s25  }
0x18: {  	s1 =	simm.s32 $0x5;
	[dreg:$0xc] =	wrdreg s26;
	s21 =	simm.s32 $0x2800  }
0x19: {  	v0 =	vimm.f32 $0.0e+00;
	s25 =	sshrl.u32 s13, $0x3;
	s26 =	simm.s32 $0x6000;
	s6 =	simm.s32 $0x7  }
.LBB2_1:
0x1a: {  	s10 =	simm.s32 $0x0;
	s11 =	rddreg [dreg:$0x5]  }
0x1b: {  	[tilespmem:s10], [sflag:$0x9] =	stream.linear.gather [hbm4b:s11+s10], $0x2800, $0x38;
	[tilespmem:$0x1CC00] =	vst v63  }
0x1c: {  	_ =	swait.ge [sflag:s20], $0x2800  }
0x1d: {  	[sflag:s20] =	ssyncset.done $0x0  }
0x1e: {  	s13 =	rddreg [dreg:$0x6];
	[sflag:s20] =	ssyncadd.s32 $0xFFFFD800  }
0x1f: {  	[tilespmem:s21], [sflag:$0x9] =	stream.linear.gather [hbm4b:s13+s10], $0x2800, $0x38;
	[tilespmem:$0x1CC00] =	vst v63  }
0x20: {  	_ =	swait.ge [sflag:s20], $0x2800  }
0x21: {  	[sflag:s20] =	ssyncset.done $0x0  }
0x22: {  	s11 =	simm.s32 $0x100;
	s10 =	simm.s32 $0x0;
	[sflag:s20] =	ssyncadd.s32 $0xFFFFD800  }
.LBB2_2:
0x23: {  	p0 =	sne.s32 s11, $0x3F00;
	[tilespmem:s10+$0x5030] =	vst v0;
	s12 =	smov.u32 s11;
	s11 =	sadd.s32 $0x100, s11  }
.Ltmp0:
0x24: {  	[tilespmem:s10+$0x5020] =	vst v0;
	(pc) =	sbr.rel @p0 .LBB2_2-.Ltmp0, $3  }
0x25: {  	[tilespmem:s10+$0x5000] =	vst v0  }
0x26: {  	[tilespmem:s10+$0x5010] =	vst v0;
	_ =	sdelay $0x1  }
0x27: {  	s10 =	sshra.s32 s12, $0x2  }
0x28: {  	[tilespmem:s10+$0x5030] =	vst v0  }
0x29: {  	[tilespmem:s10+$0x5020] =	vst v0;
	s11 =	stileid.u32  }
0x2a: {  	[tilespmem:s10+$0x5000] =	vst v0;
	s11 =	sshll.u32 s11, $0x6  }
0x2b: {  	[tilespmem:s10+$0x5010] =	vst v0;
	s13 =	rddreg [dreg:$0x7];
	s10 =	sor.u32 $0x1C09, s11  }
0x2c: {  	[spmem:s22], [sflag:s10] =	dma.local [hbm:s13], $0x13C0  }
0x2d: {  	_ =	swait.ge [sflag:s20], $0x13C0  }
0x2e: {  	[sflag:s20] =	ssyncset.done $0x0  }
0x2f: {  	[sflag:s20] =	ssyncadd.s32 $0xFFFFEC40  }
0x30: {  	[spmem:s7] =	stream.linear.scatter [tilespmem:s23], [sflag:$0x9], $0x1000, $0x38;
	[tilespmem:$0x1CC00] =	vst v63  }
0x31: {  	_ =	swait.ge [sflag:s20], $0x1000  }
0x32: {  	[sflag:s20] =	ssyncset.done $0x0  }
0x33: {  	s12 =	rddreg [dreg:$0xb];
	[sflag:s20] =	ssyncadd.s32 $0xFFFFF000  }
0x34: {  	[spmem:s12] =	stream.linear.scatter [tilespmem:s23], [sflag:$0x9], $0x1000, $0x38;
	[tilespmem:$0x1CC00] =	vst v63  }
0x35: {  	_ =	swait.ge [sflag:s20], $0x1000  }
0x36: {  	[sflag:s20] =	ssyncset.done $0x0  }
0x37: {  	s13 =	rddreg [dreg:$0xc];
	[sflag:s20] =	ssyncadd.s32 $0xFFFFF000  }
0x38: {  	[spmem:s13] =	stream.linear.scatter [tilespmem:s23], [sflag:$0x9], $0x1000, $0x38;
	[tilespmem:$0x1CC00] =	vst v63  }
0x39: {  	_ =	swait.ge [sflag:s20], $0x1000  }
0x3a: {  	[sflag:s20] =	ssyncset.done $0x0  }
0x3b: {  	[sflag:s20] =	ssyncadd.s32 $0xFFFFF000  }
0x3c: {  	[spmem:s14] =	stream.linear.scatter [tilespmem:s23], [sflag:$0x9], $0x1000, $0x38;
	[tilespmem:$0x1CC00] =	vst v63  }
0x3d: {  	_ =	swait.ge [sflag:s20], $0x1000  }
0x3e: {  	[sflag:s20] =	ssyncset.done $0x0  }
0x3f: {  	[sflag:s20] =	ssyncadd.s32 $0xFFFFF000  }
0x40: {  	[spmem:s15] =	stream.linear.scatter [tilespmem:s23], [sflag:$0x9], $0x1000, $0x38;
	[tilespmem:$0x1CC00] =	vst v63  }
0x41: {  	_ =	swait.ge [sflag:s20], $0x1000  }
0x42: {  	[sflag:s20] =	ssyncset.done $0x0  }
0x43: {  	[sflag:s20] =	ssyncadd.s32 $0xFFFFF000  }
0x44: {  	[spmem:s16] =	stream.linear.scatter [tilespmem:s23], [sflag:$0x9], $0x1000, $0x38;
	[tilespmem:$0x1CC00] =	vst v63  }
0x45: {  	_ =	swait.ge [sflag:s20], $0x1000  }
0x46: {  	[sflag:s20] =	ssyncset.done $0x0  }
0x47: {  	[sflag:s20] =	ssyncadd.s32 $0xFFFFF000  }
0x48: {  	[spmem:s17] =	stream.linear.scatter [tilespmem:s23], [sflag:$0x9], $0x1000, $0x38;
	[tilespmem:$0x1CC00] =	vst v63  }
0x49: {  	_ =	swait.ge [sflag:s20], $0x1000  }
0x4a: {  	[sflag:s20] =	ssyncset.done $0x0  }
0x4b: {  	[sflag:s20] =	ssyncadd.s32 $0xFFFFF000  }
0x4c: {  	[spmem:s18] =	stream.linear.scatter [tilespmem:s23], [sflag:$0x9], $0x1000, $0x38;
	[tilespmem:$0x1CC00] =	vst v63  }
0x4d: {  	_ =	swait.ge [sflag:s20], $0x1000  }
0x4e: {  	[sflag:s20] =	ssyncset.done $0x0  }
0x4f: {  	[sflag:s20] =	ssyncadd.s32 $0xFFFFF000  }
0x50: {  	[spmem:s19] =	stream.linear.scatter [tilespmem:s23], [sflag:$0x9], $0x1000, $0x38;
	[tilespmem:$0x1CC00] =	vst v63  }
0x51: {  	_ =	swait.ge [sflag:s20], $0x1000  }
0x52: {  	[sflag:s20] =	ssyncset.done $0x0  }
0x53: {  	s12 =	rddreg [dreg:$0x8];
	[sflag:s20] =	ssyncadd.s32 $0xFFFFF000  }
0x54: {  	[spmem:s12] =	stream.linear.scatter [tilespmem:s23], [sflag:$0x9], $0xE00, $0x38;
	[tilespmem:$0x1CC00] =	vst v63  }
0x55: {  	_ =	swait.ge [sflag:s20], $0xE00  }
0x56: {  	[sflag:s20] =	ssyncset.done $0x0  }
0x57: {  	[sflag:s20] =	ssyncadd.s32 $0xFFFFF200  }
0x58: {  	s13 =	simm.s32 $0x0;
	[bflag:$0x0] =	sbarrier.arrive $0xFFFF  }
0x59: {  	[tilespmem:s23], [sflag:$0x1] =	stream.indirect.gather [spmem:s2], $0x40, s13, s24, $0xb8;
	[tilespmem:$0x1CC00] =	vst v63  }
0x5a: {  	_ = 	snop  }
0x5b: {  	[tilespmem:s26], [sflag:$0x2] =	stream.indirect.gather [spmem:s2], $0x40, s24, s24, $0xb8;
	[tilespmem:$0x1CC00] =	vst v63  }
0x5c: {  	_ =	swait.ge [sflag:s28], $0x1000  }
0x5d: {  	[sflag:s28] =	ssyncset.done $0x0  }
0x5e: {  	[sflag:s28] =	ssyncadd.s32 $0xFFFFF000  }
0x5f: {  	[spmem:s3] =	stream.indirect.scatter.add.f32 [tilespmem:s23], [sflag:$0x5], $0x40, s21, s24, $0xb8;
	[tilespmem:$0x1CC00] =	vst v63  }
0x60: {  	s12 =	simm.s32 $0x80  }
0x61: {  	[tilespmem:s30], [sflag:$0x3] =	stream.indirect.gather [spmem:s2], $0x40, s12, s24, $0xb8;
	[tilespmem:$0x1CC00] =	vst v63  }
0x62: {  	_ =	swait.ge [sflag:s31], $0x1000  }
0x63: {  	[sflag:s31] =	ssyncset.done $0x0  }
0x64: {  	s13 =	simm.s32 $0x2840;
	[sflag:s31] =	ssyncadd.s32 $0xFFFFF000  }
0x65: {  	[spmem:s3] =	stream.indirect.scatter.add.f32 [tilespmem:s26], [sflag:$0x6], $0x40, s13, s24, $0xb8;
	[tilespmem:$0x1CC00] =	vst v63  }
0x66: {  	s12 =	simm.s32 $0xC0  }
0x67: {  	[tilespmem:s29], [sflag:$0x4] =	stream.indirect.gather [spmem:s2], $0x40, s12, s24, $0xb8;
	[tilespmem:$0x1CC00] =	vst v63  }
0x68: {  	_ =	swait.ge [sflag:s0], $0x1000  }
0x69: {  	[sflag:s0] =	ssyncset.done $0x0  }
0x6a: {  	s13 =	simm.s32 $0x2880;
	[sflag:s0] =	ssyncadd.s32 $0xFFFFF000  }
0x6b: {  	[spmem:s3] =	stream.indirect.scatter.add.f32 [tilespmem:s30], [sflag:$0x7], $0x40, s13, s24, $0xb8;
	[tilespmem:$0x1CC00] =	vst v63  }
0x6c: {  	_ =	swait.ge [sflag:s1], $0x1000  }
0x6d: {  	[sflag:s1] =	ssyncset.done $0x0  }
0x6e: {  	s12 =	simm.s32 $0x100;
	[sflag:s1] =	ssyncadd.s32 $0xFFFFF000  }
0x6f: {  	[tilespmem:s23], [sflag:$0x1] =	stream.indirect.gather [spmem:s2], $0x40, s12, s24, $0xb8;
	[tilespmem:$0x1CC00] =	vst v63  }
0x70: {  	_ =	swait.ge [sflag:s4], $0x1000  }
0x71: {  	[sflag:s4] =	ssyncset.done $0x0  }
0x72: {  	s13 =	simm.s32 $0x28C0;
	[sflag:s4] =	ssyncadd.s32 $0xFFFFF000  }
0x73: {  	[spmem:s3] =	stream.indirect.scatter.add.f32 [tilespmem:s29], [sflag:$0x8], $0x40, s13, s24, $0xb8;
	[tilespmem:$0x1CC00] =	vst v63  }
0x74: {  	_ =	swait.ge [sflag:s5], $0x1000  }
0x75: {  	[sflag:s5] =	ssyncset.done $0x0  }
0x76: {  	s12 =	simm.s32 $0x140;
	[sflag:s5] =	ssyncadd.s32 $0xFFFFF000  }
0x77: {  	[tilespmem:s26], [sflag:$0x2] =	stream.indirect.gather [spmem:s2], $0x40, s12, s24, $0xb8;
	[tilespmem:$0x1CC00] =	vst v63  }
0x78: {  	_ =	swait.ge [sflag:s28], $0x1000  }
0x79: {  	[sflag:s28] =	ssyncset.done $0x0  }
0x7a: {  	s13 =	simm.s32 $0x2900;
	[sflag:s28] =	ssyncadd.s32 $0xFFFFF000  }
0x7b: {  	[spmem:s3] =	stream.indirect.scatter.add.f32 [tilespmem:s23], [sflag:$0x5], $0x40, s13, s24, $0xb8;
	[tilespmem:$0x1CC00] =	vst v63  }
0x7c: {  	_ =	swait.ge [sflag:s6], $0x1000  }
0x7d: {  	[sflag:s6] =	ssyncset.done $0x0  }
0x7e: {  	s12 =	simm.s32 $0x180;
	[sflag:s6] =	ssyncadd.s32 $0xFFFFF000  }
0x7f: {  	[tilespmem:s30], [sflag:$0x3] =	stream.indirect.gather [spmem:s2], $0x40, s12, s24, $0xb8;
	[tilespmem:$0x1CC00] =	vst v63  }
0x80: {  	_ =	swait.ge [sflag:s31], $0x1000  }
0x81: {  	[sflag:s31] =	ssyncset.done $0x0  }
0x82: {  	s13 =	simm.s32 $0x2940;
	[sflag:s31] =	ssyncadd.s32 $0xFFFFF000  }
0x83: {  	[spmem:s3] =	stream.indirect.scatter.add.f32 [tilespmem:s26], [sflag:$0x6], $0x40, s13, s24, $0xb8;
	[tilespmem:$0x1CC00] =	vst v63  }
0x84: {  	_ =	swait.ge [sflag:s8], $0x1000  }
0x85: {  	[sflag:s8] =	ssyncset.done $0x0  }
0x86: {  	s11 =	simm.s32 $0x400;
	s12 =	simm.s32 $0x1C0;
	[sflag:s8] =	ssyncadd.s32 $0xFFFFF000  }
.LBB2_4:
0x87: {  	[tilespmem:s29], [sflag:$0x4] =	stream.indirect.gather [spmem:s2], $0x40, s12, s24, $0xb8;
	[tilespmem:$0x1CC00] =	vst v63  }
0x88: {  	s12 =	smov.u32 s11  }
0x89: {  	p0 =	sne.s32 s11, $0x9800;
	s11 =	sadd.s32 $0x400, s11;
	_ =	swait.ge [sflag:s0], $0x1000  }
0x8a: {  	s12 =	sshra.s32 s12, $0x2;
	[sflag:s0] =	ssyncset.done $0x0  }
0x8b: {  	s13 =	sadd.s32 $0x2880, s12;
	[sflag:s0] =	ssyncadd.s32 $0xFFFFF000  }
0x8c: {  	[spmem:s3] =	stream.indirect.scatter.add.f32 [tilespmem:s30], [sflag:$0x7], $0x40, s13, s24, $0xb8;
	[tilespmem:$0x1CC00] =	vst v63  }
0x8d: {  	_ =	swait.ge [sflag:s1], $0x1000  }
0x8e: {  	[sflag:s1] =	ssyncset.done $0x0  }
0x8f: {  	s13 =	sadd.s32 $0x100, s12;
	[sflag:s1] =	ssyncadd.s32 $0xFFFFF000  }
0x90: {  	[tilespmem:s23], [sflag:$0x1] =	stream.indirect.gather [spmem:s2], $0x40, s13, s24, $0xb8;
	[tilespmem:$0x1CC00] =	vst v63  }
0x91: {  	_ =	swait.ge [sflag:s4], $0x1000  }
0x92: {  	[sflag:s4] =	ssyncset.done $0x0  }
0x93: {  	s13 =	sadd.s32 $0x28C0, s12;
	[sflag:s4] =	ssyncadd.s32 $0xFFFFF000  }
0x94: {  	[spmem:s3] =	stream.indirect.scatter.add.f32 [tilespmem:s29], [sflag:$0x8], $0x40, s13, s24, $0xb8;
	[tilespmem:$0x1CC00] =	vst v63  }
0x95: {  	_ =	swait.ge [sflag:s5], $0x1000  }
0x96: {  	[sflag:s5] =	ssyncset.done $0x0  }
0x97: {  	s13 =	sadd.s32 $0x140, s12;
	[sflag:s5] =	ssyncadd.s32 $0xFFFFF000  }
0x98: {  	[tilespmem:s26], [sflag:$0x2] =	stream.indirect.gather [spmem:s2], $0x40, s13, s24, $0xb8;
	[tilespmem:$0x1CC00] =	vst v63  }
0x99: {  	_ =	swait.ge [sflag:s28], $0x1000  }
0x9a: {  	[sflag:s28] =	ssyncset.done $0x0  }
0x9b: {  	s13 =	sadd.s32 $0x2900, s12;
	[sflag:s28] =	ssyncadd.s32 $0xFFFFF000  }
0x9c: {  	[spmem:s3] =	stream.indirect.scatter.add.f32 [tilespmem:s23], [sflag:$0x5], $0x40, s13, s24, $0xb8;
	[tilespmem:$0x1CC00] =	vst v63  }
0x9d: {  	_ =	swait.ge [sflag:s6], $0x1000  }
0x9e: {  	[sflag:s6] =	ssyncset.done $0x0  }
0x9f: {  	s13 =	sadd.s32 $0x180, s12;
	[sflag:s6] =	ssyncadd.s32 $0xFFFFF000  }
0xa0: {  	[tilespmem:s30], [sflag:$0x3] =	stream.indirect.gather [spmem:s2], $0x40, s13, s24, $0xb8;
	[tilespmem:$0x1CC00] =	vst v63  }
0xa1: {  	_ =	swait.ge [sflag:s31], $0x1000  }
0xa2: {  	[sflag:s31] =	ssyncset.done $0x0  }
.Ltmp1:
0xa3: {  	s13 =	sadd.s32 $0x2940, s12;
	[sflag:s31] =	ssyncadd.s32 $0xFFFFF000;
	(pc) =	sbr.rel @p0 .LBB2_4-.Ltmp1, $4  }
0xa4: {  	[spmem:s3] =	stream.indirect.scatter.add.f32 [tilespmem:s26], [sflag:$0x6], $0x40, s13, s24, $0xb8;
	[tilespmem:$0x1CC00] =	vst v63  }
0xa5: {  	_ =	swait.ge [sflag:s8], $0x1000  }
0xa6: {  	[sflag:s8] =	ssyncset.done $0x0  }
0xa7: {  	s12 =	sadd.s32 $0x1C0, s12;
	[sflag:s8] =	ssyncadd.s32 $0xFFFFF000  }
0xa8: {  	[tilespmem:s29], [sflag:$0x4] =	stream.indirect.gather [spmem:s2], $0x40, s12, s24, $0xb8;
	[tilespmem:$0x1CC00] =	vst v63  }
0xa9: {  	_ =	swait.ge [sflag:s0], $0x1000  }
0xaa: {  	[sflag:s0] =	ssyncset.done $0x0  }
0xab: {  	s11 =	simm.s32 $0x4F80;
	[sflag:s0] =	ssyncadd.s32 $0xFFFFF000  }
0xac: {  	[spmem:s3] =	stream.indirect.scatter.add.f32 [tilespmem:s30], [sflag:$0x7], $0x40, s11, s24, $0xb8;
	[tilespmem:$0x1CC00] =	vst v63  }
0xad: {  	_ =	swait.ge [sflag:s4], $0x1000  }
0xae: {  	[sflag:s4] =	ssyncset.done $0x0  }
0xaf: {  	s13 =	simm.s32 $0x4FC0;
	[sflag:s4] =	ssyncadd.s32 $0xFFFFF000  }
0xb0: {  	[spmem:s3] =	stream.indirect.scatter.add.f32 [tilespmem:s29], [sflag:$0x8], $0x40, s13, s24, $0xb8;
	[tilespmem:$0x1CC00] =	vst v63  }
0xb1: {  	_ =	swait.ge [sflag:s1], $0x1000  }
0xb2: {  	[sflag:s1] =	ssyncset.done $0x0  }
0xb3: {  	[sflag:s1] =	ssyncadd.s32 $0xFFFFF000  }
0xb4: {  	_ =	swait.ge [sflag:s5], $0x1000  }
0xb5: {  	[sflag:s5] =	ssyncset.done $0x0  }
0xb6: {  	[sflag:s5] =	ssyncadd.s32 $0xFFFFF000  }
0xb7: {  	_ =	swait.ge [sflag:s6], $0x1000  }
0xb8: {  	[sflag:s6] =	ssyncset.done $0x0  }
0xb9: {  	[sflag:s6] =	ssyncadd.s32 $0xFFFFF000  }
0xba: {  	_ =	swait.ge [sflag:s8], $0x1000  }
0xbb: {  	[sflag:s8] =	ssyncset.done $0x0  }
0xbc: {  	[sflag:s8] =	ssyncadd.s32 $0xFFFFF000  }
0xbd: {  	[bflag:$0x0] =	sbarrier.arrive $0xFFFF  }
0xbe: {  	s12 =	rddreg [dreg:$0x9]  }
0xbf: {  	[hbm:s12], [sflag:s10] =	dma.local [spmem:s25], $0x13C0  }
0xc0: {  	_ =	swait.ge [sflag:s20], $0x13C0  }
0xc1: {  	s9 =	sadd.s32 $0x1, s9;
	s13 =	rddreg [dreg:$0xa]  }
0xc2: {  	p0 =	sne.s32 s9, s13  }
.Ltmp2:
0xc3: {  	_ = 	snop;
	(pc) =	sbr.rel @p0 .LBB2_1-.Ltmp2, $3  }
0xc4: {  	_ =	sdelay $0x1  }
0xc5: {  	[sflag:s20] =	ssyncset.done $0x0  }
0xc6: {  	[sflag:s20] =	ssyncadd.s32 $0xFFFFEC40  }
0xc7: {  	_ =	sfence.sel $0x180000  }
0xc8: {  	[bflag:$0x0] =	sbarrier.arrive $0xFFFF  }
0xc9: {  	_ =	strace $0x9000004D  }
0xca: {  	s0 =	stileid.u32;
	[bflag:$0x2] =	sbarrier.arrive $0xFFFF  }
0xcb: {  	p0 =	sne.s32 s0, $0x0;
	s0 =	rddreg [dreg:$0x4]  }
0xcc: {  	s0 =	sadd.s32 @!p0 $0x100000, s0  }
0xcd: {  	[sflag:s0] =	ssyncadd.tile.s32 @!p0 $0x1;
	_ =	shalt  }
.Lfunc_end2:
_tile_overlayer_lowered:
.L_overlay_start_2:
0xce: {  	(tag) =	ssettag $0x2  }
0xcf: {  	s0 =	rddreg [dreg:$0x0];
	s2 =	stileid.u32  }
0xd0: {  	s1 =	rddreg [dreg:$0x1];
	p0 =	sne.s32 s2, $0x0  }
0xd1: {  	s3 =	rddreg [dreg:$0x2];
	[bflag:$0x3] =	sbarrier.arrive $0xFFFF;
	s2 =	simm.s32 @!p0 $0x1C09  }
0xd2: {  	[timem:s3], [sflag:s2] =	dma.local @!p0 [hbm:s0], s1  }
0xd3: {  	s0 =	simm.s32 @!p0 $0x9  }
0xd4: {  	_ =	swait.ge @!p0 [sflag:s0], s1  }
0xd5: {  	s1 =	ssub.s32 @!p0 $0x0, s1;
	[sflag:s0] =	ssyncset.done @!p0 $0x0  }
0xd6: {  	[sflag:s0] =	ssyncadd.s32 @!p0 s1  }
0xd7: {  	[bflag:$0x3] =	sbarrier.arrive $0xFFFF  }
0xd8: {  	_ =	shalt  }

// kernel: kernel.8.cloned.1.call-start
scs
__scs_entry_jumppad:
0x0: {  	(pc) =	sbr.rel $0x88, $3  }
0x1: {  	(tag) =	ssettag $0x0;
	lr =	simm.s32 $0x1  }
0x2: {  	[smem:$0x3F9B] =	sst lr;
	_ =	strace $0xD0000000  }
0x3: {  	_ = 	snop  }
0x4: {  	_ = 	snop  }
0x5: {  	_ = 	snop  }
0x6: {  	_ = 	snop  }
0x7: {  	_ = 	snop  }
__scs_overlays_trampoline_lowered:
0x8: {  	[smem:$0x3FAA] =	sst s0  }
0x9: {  	[smem:$0x3FAB] =	sst s1  }
0xa: {  	[smem:$0x3FAC] =	sst s2  }
0xb: {  	[smem:$0x3FAD] =	sst s3  }
0xc: {  	[smem:$0x3FAE] =	sst s4  }
0xd: {  	[smem:$0x3FAF] =	sst s5  }
0xe: {  	[smem:$0x3FB0] =	sst s6  }
0xf: {  	[smem:$0x3FB1] =	sst s7  }
0x10: {  	[smem:$0x3FB2] =	sst s8  }
0x11: {  	[smem:$0x3FB3] =	sst s9;
	s0 =	simm.s32 @!p0 $0x0  }
0x12: {  	s1 =	sld [smem:$0x3F99];
	s0 =	simm.s32 @p0 $0x1  }
0x13: {  	[smem:$0x3FB4] =	sst s0;
	s0 =	simm.s32 @!p1 $0x0  }
0x14: {  	s2 =	sld [smem:$0x3F98];
	s0 =	simm.s32 @p1 $0x1  }
0x15: {  	[smem:$0x3FB5] =	sst s0;
	s0 =	simm.s32 @!p2 $0x0  }
0x16: {  	s3 =	sld [smem:$0x3FDB];
	s0 =	simm.s32 @p2 $0x1  }
0x17: {  	s4 =	simm.s32 $0x1BF5;
	[smem:$0x3FB7] =	sst s0  }
0x18: {  	s0 =	sld [smem:$0x3F9A];
	_ =	swait.ge [sflag:s4], $0x0  }
0x19: {  	s7 =	sld [smem:$0x3F9B]  }
0x1a: {  	s8 =	sadd.s32 $0xFFFFE003, lr  }
0x1b: {  	s9 =	sadd.s32 $0xFFFFFEF7, lr;
	s5 =	simm.s32 $0xFFFFFFFF;
	p2 =	slt.u32 s8, $0xFFFFF086  }
0x1c: {  	p1 =	slt.u32 s9, $0xF7A;
	s5 =	simm.s32 @!p2 $0x0  }
0x1d: {  	s5 =	simm.s32 @p1 $0x1;
	p0 =	seq.s32 s7, s2  }
0x1e: {  	s7 =	smul.u32 @!p0 $0xF7A, s2;
	p2 =	seq.s32 @!p0 s5, $0x0  }
0x1f: {  	s9 =	smul.u32 $0xF7A, s1;
	s8 =	simm.s32 @!p0 $0x1BF5;
	p2 =	por !p2, p0  }
0x20: {  	[sflag:s8] =	ssyncset.s32 @!p0 $0xFFFFF086;
	s6 =	sadd.s32 @!p0 s3, s7;
	s7 =	simm.s32 @!p0 $0x108  }
0x21: {  	s3 =	sadd.s32 s3, s9;
	s6 =	sadd.s32 @!p0 $0x88, s6;
	s7 =	simm.s32 @p2 $0x1082  }
0x22: {  	[simem:s7], [sflag:s8] =	dma.local @!p0 [hbm:s6], $0xF7A  }
0x23: {  	s9 =	sor.u32 $0xD0000000, s2;
	s6 =	simm.s32 $0x108;
	_ =	swait.ge @!p0 [sflag:s8], $0x0  }
0x24: {  	s3 =	sadd.s32 $0x88, s3;
	s6 =	simm.s32 @!p1 $0x1082;
	[sflag:s4] =	ssyncset.s32 $0xFFFFF086  }
0x25: {  	[simem:s6], [sflag:s4] =	dma.local [hbm:s3], $0xF7A  }
0x26: {  	[smem:$0x3F9B] =	sst s1;
	(tag) =	ssettag s2;
	_ =	strace s9  }
0x27: {  	s1 =	sld [smem:$0x3FAB]  }
0x28: {  	s2 =	sld [smem:$0x3FAC]  }
0x29: {  	s4 =	sld [smem:$0x3FAE]  }
0x2a: {  	p0 =	seq.s32 s5, $0x0;
	s5 =	sld [smem:$0x3FAF]  }
0x2b: {  	s6 =	sld [smem:$0x3FB0]  }
0x2c: {  	s7 =	sld [smem:$0x3FB1]  }
0x2d: {  	s3 =	simm.s32 $0x108;
	s8 =	sld [smem:$0x3FB2]  }
0x2e: {  	s3 =	simm.s32 @!p0 $0x1082;
	s9 =	sld [smem:$0x3FB3]  }
0x2f: {  	lr =	sadd.s32 s0, s3;
	s0 =	sld [smem:$0x3FAA]  }
0x30: {  	s3 =	sld [smem:$0x3FAD]  }
0x31: {  	[smem:$0x3FB6] =	sst s10  }
0x32: {  	s10 =	sld [smem:$0x3FB4];
	_ =	sdelay $0x3  }
0x33: {  	p0 =	seq.s32 s10, $0x1;
	s10 =	sld [smem:$0x3FB6];
	_ =	sdelay $0x3  }
0x34: {  	[smem:$0x3FB6] =	sst s10  }
0x35: {  	s10 =	sld [smem:$0x3FB5];
	_ =	sdelay $0x3  }
0x36: {  	p1 =	seq.s32 s10, $0x1;
	s10 =	sld [smem:$0x3FB6];
	_ =	sdelay $0x3  }
0x37: {  	[smem:$0x3FB6] =	sst s10  }
0x38: {  	s10 =	sld [smem:$0x3FB7]  }
0x39: {  	_ = 	snop;
	(pc) =	sbr.ind lr, $3  }
0x3a: {  	_ = 	snop  }
0x3b: {  	_ = 	snop  }
0x3c: {  	p2 =	seq.s32 s10, $0x1;
	s10 =	sld [smem:$0x3FB6]  }
0x3d: {  	_ =	shalt  }
0x3e: {  	_ =	shalt  }
0x3f: {  	_ =	shalt  }
0x40: {  	_ =	shalt  }
0x41: {  	_ =	shalt  }
0x42: {  	_ =	shalt  }
0x43: {  	_ =	shalt  }
0x44: {  	_ =	shalt  }
0x45: {  	_ =	shalt  }
0x46: {  	_ =	shalt  }
0x47: {  	_ =	shalt  }
0x48: {  	_ =	shalt  }
0x49: {  	_ =	shalt  }
0x4a: {  	_ =	shalt  }
0x4b: {  	_ =	shalt  }
0x4c: {  	_ =	shalt  }
0x4d: {  	_ =	shalt  }
0x4e: {  	_ =	shalt  }
0x4f: {  	_ =	shalt  }
0x50: {  	_ =	shalt  }
0x51: {  	_ =	shalt  }
0x52: {  	_ =	shalt  }
0x53: {  	_ =	shalt  }
0x54: {  	_ =	shalt  }
0x55: {  	_ =	shalt  }
0x56: {  	_ =	shalt  }
0x57: {  	_ =	shalt  }
0x58: {  	_ =	shalt  }
0x59: {  	_ =	shalt  }
0x5a: {  	_ =	shalt  }
0x5b: {  	_ =	shalt  }
0x5c: {  	_ =	shalt  }
0x5d: {  	_ =	shalt  }
0x5e: {  	_ =	shalt  }
0x5f: {  	_ =	shalt  }
0x60: {  	_ =	shalt  }
0x61: {  	_ =	shalt  }
0x62: {  	_ =	shalt  }
0x63: {  	_ =	shalt  }
0x64: {  	_ =	shalt  }
0x65: {  	_ =	shalt  }
0x66: {  	_ =	shalt  }
0x67: {  	_ =	shalt  }
0x68: {  	_ =	shalt  }
0x69: {  	_ =	shalt  }
0x6a: {  	_ =	shalt  }
0x6b: {  	_ =	shalt  }
0x6c: {  	_ =	shalt  }
0x6d: {  	_ =	shalt  }
0x6e: {  	_ =	shalt  }
0x6f: {  	_ =	shalt  }
0x70: {  	_ =	shalt  }
0x71: {  	_ =	shalt  }
0x72: {  	_ =	shalt  }
0x73: {  	_ =	shalt  }
0x74: {  	_ =	shalt  }
0x75: {  	_ =	shalt  }
0x76: {  	_ =	shalt  }
0x77: {  	_ =	shalt  }
0x78: {  	_ =	shalt  }
0x79: {  	_ =	shalt  }
0x7a: {  	_ =	shalt  }
0x7b: {  	_ =	shalt  }
0x7c: {  	_ =	shalt  }
0x7d: {  	_ =	shalt  }
0x7e: {  	_ =	shalt  }
0x7f: {  	_ =	shalt  }
0x80: {  	_ =	shalt  }
0x81: {  	_ =	shalt  }
0x82: {  	_ =	shalt  }
0x83: {  	_ =	shalt  }
0x84: {  	_ =	shalt  }
0x85: {  	_ =	shalt  }
0x86: {  	_ =	shalt  }
0x87: {  	_ =	shalt  }
.Lfunc_end0:
.L_simem_size_0:
called_computation_lowered:
.L_overlay_start_0:
0x88: {  	s2 =	sld [smem:$0x3FD9]  }
0x89: {  	s3 =	sld [smem:$0x3FFE];
	_ =	sdelay $0x1  }
0x8a: {  	s1 =	srdreg.scid  }
0x8b: {  	s0 =	sand.u32 $0x1, s1  }
0x8c: {  	s17 =	sshll.u32 s0, $0xA;
	s2 =	sadd.s32 s3, s2  }
0x8d: {  	s2 =	sadd.s32 s2, s17  }
0x8e: {  	[smem:$0x3FC2] =	sst s2  }
0x8f: {  	_ = 	snop  }
0x90: {  	s2 =	sld [smem:$0x3FD0];
	(tm) =	ssettm $0x1  }
0x91: {  	s18 =	sld [smem:$0x3FFB];
	_ =	sdelay $0x3  }
0x92: {  	_ =	strace s18  }
0x93: {  	s3 =	sld [smem:$0x3FFC];
	_ =	sdelay $0x3  }
0x94: {  	_ =	strace s3  }
0x95: {  	s3 =	sld [smem:$0x3FFD];
	_ =	sdelay $0x3  }
0x96: {  	_ =	strace s3  }
0x97: {  	_ =	strace $0x8FFFFFFF  }
0x98: {  	s19 =	sld [smem:$0x3FDB];
	_ =	sdelay $0x1  }
0x99: {  	s4 =	simm.s32 $_scs_section_size  }
0x9a: {  	s5 =	simm.s32 $_size__tile_overlayer_lowered;
	s6 =	simm.s32 $_tile_overlayer_lowered  }
0x9b: {  	s22 =	simm.s32 $0x1BFF;
	s21 =	sshll.u32 s6, $0x1;
	s3 =	sadd.s32 s4, s19  }
0x9c: {  	s7 =	simm.s32 $0x0;
	s20 =	sshll.u32 s5, $0x1;
	s5 =	sadd.s32 s21, s3  }
0x9d: {  	[timem:s7], [sflag:s22] =	dma.local [hbm:s5], s20  }
0x9e: {  	_ =	swait.ge [sflag:s22], s20  }
0x9f: {  	s4 =	ssub.s32 $0x0, s20;
	[sflag:s22] =	ssyncset.done $0x0  }
0xa0: {  	[sflag:s22] =	ssyncadd.s32 s4;
	_ =	sdelay $0x1  }
0xa1: {  	s23 =	simm.s32 $0x1B8B  }
0xa2: {  	_ =	swait.ge [sflag:s23], $0x1  }
0xa3: {  	[sflag:s23] =	ssyncset.done $0x0  }
0xa4: {  	s25 =	simm.s32 $0x1B8E;
	s24 =	sld [smem:$0x3FFE];
	[sflag:s23] =	ssyncadd.s32 $0xFFFFFFFF  }
0xa5: {  	s26 =	simm.s32 $execute0_lowered;
	[smem:$0x3FD2] =	sst s25  }
0xa6: {  	s5 =	sshll.u32 s26, $0x1;
	_ =	strace $0x80000046;
	[dreg:$0x1] =	wrdreg $0xFFFFFFFF  }
0xa7: {  	s28 =	simm.s32 $_size_execute0_lowered;
	s3 =	sadd.s32 s3, s5;
	[dreg:$0x0] =	wrdreg $0x0  }
0xa8: {  	s5 =	sshll.u32 s28, $0x1;
	[dreg:$0x2] =	wrdreg s3  }
0xa9: {  	[dreg:$0x3] =	wrdreg s5  }
0xaa: {  	[dreg:$0x4] =	wrdreg $0xC0  }
0xab: {  	_ =	task [dreg:s7], $0x5FFFF  }
0xac: {  	[dreg:$0x1] =	wrdreg $0xFFFFFFFF  }
0xad: {  	[dreg:$0x0] =	wrdreg $0x60  }
0xae: {  	[dreg:$0x2] =	wrdreg s24  }
0xaf: {  	[dreg:$0x3] =	wrdreg s2  }
0xb0: {  	[dreg:$0x4] =	wrdreg $0x39E00  }
0xb1: {  	[dreg:$0x5] =	wrdreg $0x9  }
0xb2: {  	_ =	task.clear_ibuf [dreg:s7], $0x6FFFF;
	_ =	strace $0x90000046  }
0xb3: {  	s29 =	simm.s32 $0x9;
	_ =	strace $0x80000048  }
0xb4: {  	_ =	swait.ge [sflag:s29], $0x1  }
0xb5: {  	[sflag:s29] =	ssyncadd.s32 $0xFFFFFFFF  }
0xb6: {  	_ =	strace $0x90000048  }
0xb7: {  	_ =	sfence  }
0xb8: {  	s30 =	sld [smem:$0x0];
	_ =	sdelay $0x2  }
0xb9: {  	s31 =	sshll.u32 s1, $0xD;
	s1 =	sshrl.u32 s1, $0x2  }
0xba: {  	s3 =	sand.u32 $0x4000, s31;
	s1 =	sadd.s32 s1, s30  }
0xbb: {  	s0 =	sor.u32 s3, s0;
	s1 =	sshll.u32 s1, $0x11  }
0xbc: {  	s0 =	sor.u32 s1, s0  }
0xbd: {  	s0 =	sadd.s32 $0x8F2B, s0  }
0xbe: {  	[sflag:s0] =	ssyncadd.remote.s32 $0x1  }
0xbf: {  	_ =	sfence.sel $0xFFFF  }
0xc0: {  	[dreg:$0x0] =	wrdreg $0xFFFFFFFF;
	(pc) =	sbr.abs _section_cstart, $3  }
0xc1: {  	[dreg:$0x1] =	wrdreg $0xFFFFFFFF  }
0xc2: {  	_ =	task.clear_ibuf [dreg:s7], $0x2FFFF;
	_ =	strace $0x9FFFFFFF  }
0xc3: {  	(tm) =	ssettm $0x7FFFFFFF  }
tec
execute0_lowered:
.L_overlay_start_1:
0x0: {  	(tag) =	ssettag $0x1  }
0x1: {  	s5 =	rddreg [dreg:$0x0]  }
0x2: {  	s6 =	rddreg [dreg:$0x1]  }
0x3: {  	s0 =	srdreg.scid;
	s2 =	rddreg [dreg:$0x2];
	s3 =	simm.s32 $0x0  }
0x4: {  	s11 =	simm.s32 $0x3;
	s12 =	simm.s32 $0x3000;
	s13 =	simm.s32 $0x80  }
0x5: {  	s14 =	simm.s32 $0x2800;
	s15 =	simm.s32 $0x1;
	s4 =	sand.u32 $0x1, s0  }
0x6: {  	s16 =	simm.s32 $0x2;
	s0 =	stileid.u32;
	s8 =	smul.u32 $0x27800, s4  }
0x7: {  	s19 =	simm.s32 $0x0;
	[smem:$0x7FF] =	sst s3;
	s9 =	smul.u32 $0x2780, s0  }
0x8: {  	s1 =	sshll.u32 s4, $0x4;
	s4 =	ssub.s32 $0x2, s4;
	s10 =	smul.u32 $0x9E00, s0  }
0x9: {  	s17 =	sshll.u32 s0, $0x6;
	s1 =	sor.u32 s0, s1;
	s31 =	sshrl.u32 s4, $0x1  }
0xa: {  	s17 =	sor.u32 $0x1C03, s17;
	s7 =	smul.u32 $0x500, s1;
	s1 =	rddreg [dreg:$0x3]  }
0xb: {  	_ =	strace $0x80000047;
	s8 =	sadd.s32 s9, s8;
	s10 =	sshrl.u32 s10, $0x2  }
0xc: {  	s18 =	sadd.s32 s9, s2;
	s8 =	sshrl.u32 s8, $0x3;
	s5 =	sadd.s32 s7, s5  }
0xd: {  	s18 =	sshrl.u32 s18, $0x3;
	s7 =	ssub.s32 s4, s31;
	s4 =	sadd.s32 $0x2200, s5  }
0xe: {  	s5 =	sadd.s32 s6, s8;
	s6 =	sadd.s32 s10, s2;
	s7 =	smax.u32 s7, $0x1  }
0xf: {  	v0 =	vimm.f32 $1.000000000e+00;
	v1 =	vimm.f32 $0.0e+00;
	s8 =	sadd.s32 $0x9E0, s6;
	s9 =	sadd.s32 $0x13C0, s6;
	s10 =	sadd.s32 $0x1DA0, s6  }
.LBB2_1:
0x10: {  	[tilespmem:s3], [sflag:$0x3] =	stream.linear.gather [hbm4b:s4+s3], $0x2800, $0x38;
	[tilespmem:$0x6160] =	vst v63  }
0x11: {  	_ =	swait.ge [sflag:s11], $0x2800  }
0x12: {  	[sflag:s11] =	ssyncset.done $0x0  }
0x13: {  	s20 =	simm.s32 $0x0;
	[sflag:s11] =	ssyncadd.s32 $0xFFFFD800  }
.LBB2_2:
0x14: {  	p0 =	sne.s32 s20, $0x1FC0  }
.Ltmp0:
0x15: {  	_ = 	snop;
	(pc) =	sbr.rel @p0 .LBB2_2-.Ltmp0, $3  }
0x16: {  	_ =	sdelay $0x1  }
0x17: {  	s21 =	sshra.s32 s20, $0x2  }
0x18: {  	s20 =	sadd.s32 $0x40, s20;
	[tilespmem:s21+$0x2800] =	vst v0  }
0x19: {  	s20 =	simm.s32 $0x40;
	s21 =	simm.s32 $0x0  }
.LBB2_4:
0x1a: {  	p0 =	sne.s32 s20, $0x2740;
	[tilespmem:s21+$0x3000] =	vst v1;
	s21 =	smov.u32 s20;
	s20 =	sadd.s32 $0x40, s20  }
.Ltmp1:
0x1b: {  	(pc) =	sbr.rel @p0 .LBB2_4-.Ltmp1, $2  }
0x1c: {  	_ =	sdelay $0x2  }
0x1d: {  	s21 =	sshra.s32 s21, $0x2  }
0x1e: {  	[tilespmem:s21+$0x3000] =	vst v1  }
0x1f: {  	[spmem:s6] =	stream.linear.scatter [tilespmem:s12], [sflag:$0x3], $0x9E0, $0x38;
	[tilespmem:$0x6160] =	vst v63  }
0x20: {  	_ =	swait.ge [sflag:s11], $0x9E0  }
0x21: {  	[sflag:s11] =	ssyncset.done $0x0  }
0x22: {  	[sflag:s11] =	ssyncadd.s32 $0xFFFFF620  }
0x23: {  	[spmem:s8] =	stream.linear.scatter [tilespmem:s12], [sflag:$0x3], $0x9E0, $0x38;
	[tilespmem:$0x6160] =	vst v63  }
0x24: {  	_ =	swait.ge [sflag:s11], $0x9E0  }
0x25: {  	[sflag:s11] =	ssyncset.done $0x0  }
0x26: {  	[sflag:s11] =	ssyncadd.s32 $0xFFFFF620  }
0x27: {  	[spmem:s9] =	stream.linear.scatter [tilespmem:s12], [sflag:$0x3], $0x9E0, $0x38;
	[tilespmem:$0x6160] =	vst v63  }
0x28: {  	_ =	swait.ge [sflag:s11], $0x9E0  }
0x29: {  	[sflag:s11] =	ssyncset.done $0x0  }
0x2a: {  	[sflag:s11] =	ssyncadd.s32 $0xFFFFF620  }
0x2b: {  	[spmem:s10] =	stream.linear.scatter [tilespmem:s12], [sflag:$0x3], $0x9E0, $0x38;
	[tilespmem:$0x6160] =	vst v63  }
0x2c: {  	_ =	swait.ge [sflag:s11], $0x9E0  }
0x2d: {  	[sflag:s11] =	ssyncset.done $0x0  }
0x2e: {  	[sflag:s11] =	ssyncadd.s32 $0xFFFFF620  }
0x2f: {  	[bflag:$0x0] =	sbarrier.arrive $0xFFFF  }
0x30: {  	[spmem:s2] =	stream.indirect.scatter.add.f32 [tilespmem:s14], [sflag:$0x1], $0x10, s3, s13, $0xb8;
	[tilespmem:$0x6160] =	vst v63  }
0x31: {  	_ = 	snop  }
0x32: {  	[spmem:s2] =	stream.indirect.scatter.add.f32 [tilespmem:s14], [sflag:$0x2], $0x10, s13, s13, $0xb8;
	[tilespmem:$0x6160] =	vst v63  }
0x33: {  	_ =	swait.ge [sflag:s15], $0x800  }
0x34: {  	[sflag:s15] =	ssyncset.done $0x0  }
0x35: {  	s20 =	simm.s32 $0x100;
	[sflag:s15] =	ssyncadd.s32 $0xFFFFF800  }
0x36: {  	[spmem:s2] =	stream.indirect.scatter.add.f32 [tilespmem:s14], [sflag:$0x1], $0x10, s20, s13, $0xb8;
	[tilespmem:$0x6160] =	vst v63  }
0x37: {  	_ =	swait.ge [sflag:s16], $0x800  }
0x38: {  	[sflag:s16] =	ssyncset.done $0x0  }
0x39: {  	s21 =	simm.s32 $0x180;
	s20 =	simm.s32 $0xFFFF6800;
	[sflag:s16] =	ssyncadd.s32 $0xFFFFF800  }
.LBB2_6:
0x3a: {  	[spmem:s2] =	stream.indirect.scatter.add.f32 [tilespmem:s14], [sflag:$0x2], $0x10, s21, s13, $0xb8;
	[tilespmem:$0x6160] =	vst v63  }
0x3b: {  	s21 =	smov.u32 s20  }
0x3c: {  	p0 =	sne.s32 s20, $0xFFFFFC00;
	s20 =	sadd.s32 $0x400, s20;
	_ =	swait.ge [sflag:s15], $0x800  }
0x3d: {  	s21 =	sshra.s32 s21, $0x2;
	[sflag:s15] =	ssyncset.done $0x0  }
.Ltmp2:
0x3e: {  	s22 =	sadd.s32 $0x2800, s21;
	[sflag:s15] =	ssyncadd.s32 $0xFFFFF800;
	(pc) =	sbr.rel @p0 .LBB2_6-.Ltmp2, $4  }
0x3f: {  	[spmem:s2] =	stream.indirect.scatter.add.f32 [tilespmem:s14], [sflag:$0x1], $0x10, s22, s13, $0xb8;
	[tilespmem:$0x6160] =	vst v63  }
0x40: {  	_ =	swait.ge [sflag:s16], $0x800  }
0x41: {  	[sflag:s16] =	ssyncset.done $0x0  }
0x42: {  	s21 =	sadd.s32 $0x2880, s21;
	[sflag:s16] =	ssyncadd.s32 $0xFFFFF800  }
0x43: {  	[spmem:s2] =	stream.indirect.scatter.add.f32 [tilespmem:s14], [sflag:$0x2], $0x10, s21, s13, $0xb8;
	[tilespmem:$0x6160] =	vst v63  }
0x44: {  	_ =	swait.ge [sflag:s15], $0x800  }
0x45: {  	[sflag:s15] =	ssyncset.done $0x0  }
0x46: {  	[sflag:s15] =	ssyncadd.s32 $0xFFFFF800  }
0x47: {  	_ =	swait.ge [sflag:s16], $0x800  }
0x48: {  	s19 =	sadd.s32 $0x1, s19;
	[sflag:s16] =	ssyncset.done $0x0  }
0x49: {  	p0 =	sne.s32 s19, s7;
	[sflag:s16] =	ssyncadd.s32 $0xFFFFF800  }
.Ltmp3:
0x4a: {  	[bflag:$0x0] =	sbarrier.arrive $0xFFFF;
	(pc) =	sbr.rel @p0 .LBB2_1-.Ltmp3, $4  }
0x4b: {  	[hbm:s5], [sflag:s17] =	dma.local [spmem:s18], $0x4F0  }
0x4c: {  	_ =	swait.ge [sflag:s11], $0x4F0  }
0x4d: {  	[sflag:s11] =	ssyncset.done $0x0  }
0x4e: {  	[sflag:s11] =	ssyncadd.s32 $0xFFFFFB10  }
0x4f: {  	_ =	sfence.sel $0x180000  }
0x50: {  	[bflag:$0x0] =	sbarrier.arrive $0xFFFF  }
0x51: {  	p0 =	sne.s32 s0, $0x0;
	_ =	strace $0x90000047  }
0x52: {  	s0 =	sadd.s32 @!p0 $0x100000, s1;
	[bflag:$0x2] =	sbarrier.arrive $0xFFFF  }
0x53: {  	[sflag:s0] =	ssyncadd.tile.s32 @!p0 $0x1;
	_ =	shalt  }
.Lfunc_end2:
_tile_overlayer_lowered:
.L_overlay_start_2:
0x54: {  	(tag) =	ssettag $0x2  }
0x55: {  	s0 =	rddreg [dreg:$0x0];
	s2 =	stileid.u32  }
0x56: {  	s1 =	rddreg [dreg:$0x1];
	p0 =	sne.s32 s2, $0x0  }
0x57: {  	s3 =	rddreg [dreg:$0x2];
	[bflag:$0x3] =	sbarrier.arrive $0xFFFF;
	s2 =	simm.s32 @!p0 $0x1C03  }
0x58: {  	[timem:s3], [sflag:s2] =	dma.local @!p0 [hbm:s0], s1  }
0x59: {  	s0 =	simm.s32 @!p0 $0x3  }
0x5a: {  	_ =	swait.ge @!p0 [sflag:s0], s1  }
0x5b: {  	s1 =	ssub.s32 @!p0 $0x0, s1;
	[sflag:s0] =	ssyncset.done @!p0 $0x0  }
0x5c: {  	[sflag:s0] =	ssyncadd.s32 @!p0 s1  }
0x5d: {  	[bflag:$0x3] =	sbarrier.arrive $0xFFFF  }
0x5e: {  	_ =	shalt  }

</sc_bundles>
